<compile_context>
chip_gen: v7x
topology: tpu7x:2x2x1
jax: 0.10.2.dev20260603
libtpu: 0.0.44.dev20260713+nightly
codegen_flags: <defaults>
</compile_context>

<pallas_src>
import jax
import jax.numpy as jnp
from jax import lax
from jax.experimental import pallas as pl
from jax.experimental.pallas import tpu as pltpu
from jax.experimental.pallas import tpu_sc as plsc

N = 1048576
G = 1024
DT = 1e-06
CV = 5e-14
VMIN, VMAX = 0.0, 1.0
UMIN, UMAX = 0.0, 1.0
J_PER_X = (G - 1) / (VMAX - VMIN)
I_PER_Y = (G - 1) / (UMAX - UMIN)

NC = 2
NS = 16
NW = NC * NS
PER_W = N // NW
C = 8192
NCHUNK = PER_W // C
L = 16


def _pack_body(icv_ref, ax_ref, out_ref):
    icv_i = lax.bitcast_convert_type(icv_ref[...], jnp.int32)
    bit = (ax_ref[...] != 0.0).astype(jnp.int32)
    out_ref[...] = lax.bitcast_convert_type((icv_i & jnp.int32(-2)) | bit,
                                            jnp.float32)


def _sc_body(in_hbm, v_hbm, u_hbm, tab_hbm, spk_hbm, vnew_hbm,
             v_bufs, u_bufs, in_bufs, idx0, idx1, val0, val1, sem0, sem1):
    wid = lax.axis_index("s") * NC + lax.axis_index("c")
    base = wid * PER_W
    sems = (sem0, sem1)
    idxs = (idx0, idx1)
    vals = (val0, val1)

    def idx_stage(b):
        u_ref = u_bufs.at[b]
        v_ref = v_bufs.at[b]
        idx_ref = idxs[b]

        @plsc.parallel_loop(0, C // L, unroll=4)
        def _(i):
            s = i * L
            ii = jnp.clip((u_ref[pl.ds(s, L)] * I_PER_Y).astype(jnp.int32),
                          0, G - 1)
            jj = jnp.clip((v_ref[pl.ds(s, L)] * J_PER_X).astype(jnp.int32),
                          0, G - 1)
            idx_ref[pl.ds(s, L)] = ii * G + jj

    def out_stage(b):
        v_ref = v_bufs.at[b]
        u_ref = u_bufs.at[b]
        in_ref = in_bufs.at[b]
        val_ref = vals[b]

        @plsc.parallel_loop(0, C // L, unroll=4)
        def _(i):
            s = i * L
            val_i = lax.bitcast_convert_type(val_ref[pl.ds(s, L)], jnp.int32)
            spike = (val_i & 1).astype(jnp.float32)
            iv = lax.bitcast_convert_type(val_i & jnp.int32(-2), jnp.float32)
            vn = v_ref[pl.ds(s, L)] + (iv + in_ref[pl.ds(s, L)]) / CV * DT
            v_ref[pl.ds(s, L)] = jnp.clip(vn, VMIN, VMAX)
            u_ref[pl.ds(s, L)] = spike

    cps = [None] * NCHUNK
    for t in range(NCHUNK):
        b = t % 2
        off = base + t * C
        pltpu.sync_copy(v_hbm.at[pl.ds(off, C)], v_bufs.at[b])
        pltpu.sync_copy(u_hbm.at[pl.ds(off, C)], u_bufs.at[b])
        idx_stage(b)
        cps[t] = pltpu.async_copy(tab_hbm.at[idxs[b]], vals[b], sems[b])
        pltpu.sync_copy(in_hbm.at[pl.ds(off, C)], in_bufs.at[b])
        if t > 0:
            pb = (t - 1) % 2
            poff = base + (t - 1) * C
            cps[t - 1].wait()
            out_stage(pb)
            pltpu.sync_copy(v_bufs.at[pb], vnew_hbm.at[pl.ds(poff, C)])
            pltpu.sync_copy(u_bufs.at[pb], spk_hbm.at[pl.ds(poff, C)])
    lb = (NCHUNK - 1) % 2
    loff = base + (NCHUNK - 1) * C
    cps[NCHUNK - 1].wait()
    out_stage(lb)
    pltpu.sync_copy(v_bufs.at[lb], vnew_hbm.at[pl.ds(loff, C)])
    pltpu.sync_copy(u_bufs.at[lb], spk_hbm.at[pl.ds(loff, C)])


@jax.jit
def _run(inp, v, u, icv, axon):
    f32 = jnp.float32
    packed = pl.pallas_call(
        _pack_body,
        out_shape=jax.ShapeDtypeStruct((G, G), f32),
    )(icv, axon)

    k = pl.kernel(
        _sc_body,
        out_type=(
            jax.ShapeDtypeStruct((N,), f32),
            jax.ShapeDtypeStruct((N,), f32),
        ),
        mesh=plsc.VectorSubcoreMesh(core_axis_name="c", subcore_axis_name="s"),
        scratch_types=[
            pltpu.VMEM((2, C), f32),
            pltpu.VMEM((2, C), f32),
            pltpu.VMEM((2, C), f32),
            pltpu.VMEM((C,), jnp.int32),
            pltpu.VMEM((C,), jnp.int32),
            pltpu.VMEM((C,), f32),
            pltpu.VMEM((C,), f32),
            pltpu.SemaphoreType.DMA,
            pltpu.SemaphoreType.DMA,
        ],
    )
    return k(inp, v, u, packed.reshape(-1))


def kernel(input, v, u, iCv, iCu, axon, num_steps):
    del iCu, num_steps
    spikes, v_new = _run(input, v, u, iCv, axon)
    return (spikes, v_new)

# --- scband reference (transcript-rebuilt; emitter-appended) ---
"""Pipeline reference for scband-spiking-neuron-19267223289956 (READ-ONLY COPY).

The authoritative reference and input builder live on the scoring server;
editing this copy changes nothing except your own understanding.
"""

import jax, jax.numpy as jnp
import numpy as np

N = 1048576
G = 1024
DT = 1e-06
CV = 5e-14
CU = 3e-14
VMIN, VMAX = 0.0, 1.0
UMIN, UMAX = 0.0, 1.0
J_PER_X = (G - 1) / (VMAX - VMIN)
I_PER_Y = (G - 1) / (UMAX - UMIN)


def setup_inputs(seed: int = 0) -> dict:
    key = jax.random.key(seed)
    k1, k2, k3, k4, k5, k6 = jax.random.split(key, 6)
    inp = jax.random.normal(k1, (N,), dtype=jnp.float32) * 3e-12
    v = jax.random.uniform(k2, (N,), dtype=jnp.float32, minval=VMIN, maxval=VMAX)
    u = jax.random.uniform(k3, (N,), dtype=jnp.float32, minval=UMIN, maxval=UMAX)
    iCv = jax.random.normal(k4, (G, G), dtype=jnp.float32) * 1e-13
    iCu = jax.random.normal(k5, (G, G), dtype=jnp.float32) * 1e-13
    axon = (jax.random.uniform(k6, (G, G)) > 0.95).astype(jnp.float32)
    return {"input": inp, "v": v, "u": u, "iCv": iCv, "iCu": iCu, "axon": axon, "num_steps": 1}


def reference(input, v, u, iCv, iCu, axon, num_steps):
    # fetch_current: 2D phase-plane table lookup (gather), vectorized over the
    # neuron population (original code was scalar int() indexing).
    idx_i = jnp.clip((u * I_PER_Y).astype(jnp.int32), 0, G - 1)
    idx_j = jnp.clip((v * J_PER_X).astype(jnp.int32), 0, G - 1)
    Iv = iCv[idx_i, idx_j]
    Iu = iCu[idx_i, idx_j]
    spikes = axon[idx_i, idx_j]
    # Euler integration of membrane state
    v_new = v + (Iv + input) / CV * DT
    u_new = u + Iu / CU * DT
    # rail_out: clamp state to meshgrid bounds (vectorized version of scalar ifs)
    v_new = jnp.clip(v_new, VMIN, VMAX)
    u_new = jnp.clip(u_new, UMIN, UMAX)
    return (spikes, v_new)

if __name__ == "__main__":
    import jax
    _d = setup_inputs()
    print(jax.jit(kernel)(*tuple(_d.values())))

</pallas_src>

<mosaic_0001>
#map = affine_map<(d0, d1) -> (0)>
module attributes {stable_mosaic.version = 14 : i64} {
  func.func @_sc_body(%arg0: i32, %arg1: i32, %arg2: memref<1048576xf32, #tpu.memory_space<hbm>>, %arg3: memref<1048576xf32, #tpu.memory_space<hbm>>, %arg4: memref<1048576xf32, #tpu.memory_space<hbm>>, %arg5: memref<1048576xf32, #tpu.memory_space<hbm>>, %arg6: memref<1048576xf32, #tpu.memory_space<hbm>>, %arg7: memref<1048576xf32, #tpu.memory_space<hbm>>, %arg8: memref<2x8192xf32, #tpu.memory_space<vmem>>, %arg9: memref<2x8192xf32, #tpu.memory_space<vmem>>, %arg10: memref<2x8192xf32, #tpu.memory_space<vmem>>, %arg11: memref<8192xi32, #tpu.memory_space<vmem>>, %arg12: memref<8192xi32, #tpu.memory_space<vmem>>, %arg13: memref<8192xf32, #tpu.memory_space<vmem>>, %arg14: memref<8192xf32, #tpu.memory_space<vmem>>, %arg15: memref<!tpu.dma_semaphore, #tpu.memory_space<semaphore_mem>>, %arg16: memref<!tpu.dma_semaphore, #tpu.memory_space<semaphore_mem>>) attributes {dimension_semantics = [#tpu.dimension_semantics<core_parallel>, #tpu.dimension_semantics<subcore_parallel>], iteration_bounds = array<i64: 2, 16>, scalar_prefetch = 0 : i64, scratch_operands = 9 : i64, tpu.core_type = #tpu.core_type<sc_vector_subcore>, window_params = [{transform_indices = #map}, {transform_indices = #map}, {transform_indices = #map}, {transform_indices = #map}, {transform_indices = #map}, {transform_indices = #map}]} {
    %mul3A = arith.constant 2 : i32
    %mul3A_0 = arith.muli %arg1, %mul3A : i32
    %add3A = arith.addi %mul3A_0, %arg0 : i32
    %mul3A_1 = arith.constant 32768 : i32
    %mul3A_2 = arith.muli %add3A, %mul3A_1 : i32
    %add3A_3 = arith.constant 0 : i32
    %add3A_4 = arith.addi %mul3A_2, %add3A_3 : i32
    %run_scoped3A = arith.constant 0 : i32
    "tpu.region"() ({
      %run_scoped3A_95 = tpu.sem_alloc : memref<!tpu.dma_semaphore, #tpu.memory_space<semaphore_mem>>
      %dma_start3A_96 = arith.constant 0 : i32
      %dma_start3A_97 = tpu.memref_slice %arg8[%run_scoped3A, %dma_start3A_96] : memref<2x8192xf32, #tpu.memory_space<vmem>> -> memref<1x8192xf32, #tpu.memory_space<vmem>>
      %dma_start3A_98 = tpu.memref_squeeze %dma_start3A_97 : memref<1x8192xf32, #tpu.memory_space<vmem>> -> memref<8192xf32, #tpu.memory_space<vmem>>
      %dma_start3A_99 = tpu.memref_slice %arg3[%add3A_4] : memref<1048576xf32, #tpu.memory_space<hbm>> -> memref<8192xf32, #tpu.memory_space<hbm>>
      %dma_start3A_100 = arith.constant 0 : i32
      %dma_start3A_101 = tpu.memref_slice %arg8[%run_scoped3A, %dma_start3A_100] : memref<2x8192xf32, #tpu.memory_space<vmem>> -> memref<1x8192xf32, #tpu.memory_space<vmem>>
      %dma_start3A_102 = tpu.memref_squeeze %dma_start3A_101 : memref<1x8192xf32, #tpu.memory_space<vmem>> -> memref<8192xf32, #tpu.memory_space<vmem>>
      %dma_start3A_103 = tpu.memref_slice %arg3[%add3A_4] : memref<1048576xf32, #tpu.memory_space<hbm>> -> memref<8192xf32, #tpu.memory_space<hbm>>
      tpu.enqueue_dma source(%dma_start3A_103 : memref<8192xf32, #tpu.memory_space<hbm>>) target(%dma_start3A_102 : memref<8192xf32, #tpu.memory_space<vmem>>) target_semaphore(%run_scoped3A_95 : memref<!tpu.dma_semaphore, #tpu.memory_space<semaphore_mem>>)
      %dma_wait3A_104 = arith.constant 0 : i32
      %dma_wait3A_105 = tpu.memref_slice %arg8[%run_scoped3A, %dma_wait3A_104] : memref<2x8192xf32, #tpu.memory_space<vmem>> -> memref<1x8192xf32, #tpu.memory_space<vmem>>
      %dma_wait3A_106 = tpu.memref_squeeze %dma_wait3A_105 : memref<1x8192xf32, #tpu.memory_space<vmem>> -> memref<8192xf32, #tpu.memory_space<vmem>>
      %dma_wait3A_107 = tpu.memref_slice %arg3[%add3A_4] : memref<1048576xf32, #tpu.memory_space<hbm>> -> memref<8192xf32, #tpu.memory_space<hbm>>
      %dma_wait3A_108 = arith.constant 0 : i32
      %dma_wait3A_109 = tpu.memref_slice %arg8[%run_scoped3A, %dma_wait3A_108] : memref<2x8192xf32, #tpu.memory_space<vmem>> -> memref<1x8192xf32, #tpu.memory_space<vmem>>
      %dma_wait3A_110 = tpu.memref_squeeze %dma_wait3A_109 : memref<1x8192xf32, #tpu.memory_space<vmem>> -> memref<8192xf32, #tpu.memory_space<vmem>>
      %dma_wait3A_111 = tpu.memref_slice %arg3[%add3A_4] : memref<1048576xf32, #tpu.memory_space<hbm>> -> memref<8192xf32, #tpu.memory_space<hbm>>
      tpu.wait_dma2 semaphore(%run_scoped3A_95 : memref<!tpu.dma_semaphore, #tpu.memory_space<semaphore_mem>>) src(%dma_wait3A_111 : memref<8192xf32, #tpu.memory_space<hbm>>) dst(%dma_wait3A_110 : memref<8192xf32, #tpu.memory_space<vmem>>)
      tpu.yield
    }) : () -> ()
    %run_scoped3A_5 = arith.constant 0 : i32
    "tpu.region"() ({
      %run_scoped3A_95 = tpu.sem_alloc : memref<!tpu.dma_semaphore, #tpu.memory_space<semaphore_mem>>
      %dma_start3A_96 = arith.constant 0 : i32
      %dma_start3A_97 = tpu.memref_slice %arg9[%run_scoped3A_5, %dma_start3A_96] : memref<2x8192xf32, #tpu.memory_space<vmem>> -> memref<1x8192xf32, #tpu.memory_space<vmem>>
      %dma_start3A_98 = tpu.memref_squeeze %dma_start3A_97 : memref<1x8192xf32, #tpu.memory_space<vmem>> -> memref<8192xf32, #tpu.memory_space<vmem>>
      %dma_start3A_99 = tpu.memref_slice %arg4[%add3A_4] : memref<1048576xf32, #tpu.memory_space<hbm>> -> memref<8192xf32, #tpu.memory_space<hbm>>
      %dma_start3A_100 = arith.constant 0 : i32
      %dma_start3A_101 = tpu.memref_slice %arg9[%run_scoped3A_5, %dma_start3A_100] : memref<2x8192xf32, #tpu.memory_space<vmem>> -> memref<1x8192xf32, #tpu.memory_space<vmem>>
      %dma_start3A_102 = tpu.memref_squeeze %dma_start3A_101 : memref<1x8192xf32, #tpu.memory_space<vmem>> -> memref<8192xf32, #tpu.memory_space<vmem>>
      %dma_start3A_103 = tpu.memref_slice %arg4[%add3A_4] : memref<1048576xf32, #tpu.memory_space<hbm>> -> memref<8192xf32, #tpu.memory_space<hbm>>
      tpu.enqueue_dma source(%dma_start3A_103 : memref<8192xf32, #tpu.memory_space<hbm>>) target(%dma_start3A_102 : memref<8192xf32, #tpu.memory_space<vmem>>) target_semaphore(%run_scoped3A_95 : memref<!tpu.dma_semaphore, #tpu.memory_space<semaphore_mem>>)
      %dma_wait3A_104 = arith.constant 0 : i32
      %dma_wait3A_105 = tpu.memref_slice %arg9[%run_scoped3A_5, %dma_wait3A_104] : memref<2x8192xf32, #tpu.memory_space<vmem>> -> memref<1x8192xf32, #tpu.memory_space<vmem>>
      %dma_wait3A_106 = tpu.memref_squeeze %dma_wait3A_105 : memref<1x8192xf32, #tpu.memory_space<vmem>> -> memref<8192xf32, #tpu.memory_space<vmem>>
      %dma_wait3A_107 = tpu.memref_slice %arg4[%add3A_4] : memref<1048576xf32, #tpu.memory_space<hbm>> -> memref<8192xf32, #tpu.memory_space<hbm>>
      %dma_wait3A_108 = arith.constant 0 : i32
      %dma_wait3A_109 = tpu.memref_slice %arg9[%run_scoped3A_5, %dma_wait3A_108] : memref<2x8192xf32, #tpu.memory_space<vmem>> -> memref<1x8192xf32, #tpu.memory_space<vmem>>
      %dma_wait3A_110 = tpu.memref_squeeze %dma_wait3A_109 : memref<1x8192xf32, #tpu.memory_space<vmem>> -> memref<8192xf32, #tpu.memory_space<vmem>>
      %dma_wait3A_111 = tpu.memref_slice %arg4[%add3A_4] : memref<1048576xf32, #tpu.memory_space<hbm>> -> memref<8192xf32, #tpu.memory_space<hbm>>
      tpu.wait_dma2 semaphore(%run_scoped3A_95 : memref<!tpu.dma_semaphore, #tpu.memory_space<semaphore_mem>>) src(%dma_wait3A_111 : memref<8192xf32, #tpu.memory_space<hbm>>) dst(%dma_wait3A_110 : memref<8192xf32, #tpu.memory_space<vmem>>)
      tpu.yield
    }) : () -> ()
    %parallel_loop3A = arith.constant 0 : i32
    %parallel_loop3A_6 = arith.constant 512 : i32
    %parallel_loop3A_7 = arith.constant 1 : i32
    %parallel_loop3A_8 = arith.constant 0 : i32
    %parallel_loop3A_9 = arith.constant 0 : i32
    scf.for %parallel_loop3A_95 = %parallel_loop3A to %parallel_loop3A_6 step %parallel_loop3A_7  : i32 {
      %parallel_loop3A_96 = arith.constant 16 : i32
      %parallel_loop3A_97 = arith.muli %parallel_loop3A_95, %parallel_loop3A_96 : i32
      %parallel_loop3A_98 = arith.constant 0 : i32
      %parallel_loop3A_99 = tpu.memref_slice %arg9[%parallel_loop3A_8, %parallel_loop3A_98] : memref<2x8192xf32, #tpu.memory_space<vmem>> -> memref<1x8192xf32, #tpu.memory_space<vmem>>
      %parallel_loop3A_100 = tpu.memref_squeeze %parallel_loop3A_99 : memref<1x8192xf32, #tpu.memory_space<vmem>> -> memref<8192xf32, #tpu.memory_space<vmem>>
      %parallel_loop3A_101 = arith.index_cast %parallel_loop3A_97 : i32 to index
      %parallel_loop3A_102 = tpu.vector_load %parallel_loop3A_100[%parallel_loop3A_101] {strides = array<i32>} : memref<8192xf32, #tpu.memory_space<vmem>>, vector<16xf32>,
      %parallel_loop3A_103 = vector.shape_cast %parallel_loop3A_102 : vector<16xf32> to vector<16xf32>
      %parallel_loop3A_104 = arith.constant 1.023000e+03 : f32
      %parallel_loop3A_105 = vector.broadcast %parallel_loop3A_104 : f32 to vector<16xf32>
      %parallel_loop3A_106 = arith.mulf %parallel_loop3A_103, %parallel_loop3A_105 : vector<16xf32>
      %parallel_loop3A_107 = arith.fptosi %parallel_loop3A_106 : vector<16xf32> to vector<16xi32>
      %parallel_loop3A_108 = arith.constant 0 : i32
      %parallel_loop3A_109 = arith.constant 1023 : i32
      %parallel_loop3A_110 = vector.broadcast %parallel_loop3A_108 : i32 to vector<16xi32>
      %parallel_loop3A_111 = arith.maxsi %parallel_loop3A_110, %parallel_loop3A_107 : vector<16xi32>
      %parallel_loop3A_112 = vector.broadcast %parallel_loop3A_109 : i32 to vector<16xi32>
      %parallel_loop3A_113 = arith.minsi %parallel_loop3A_112, %parallel_loop3A_111 : vector<16xi32>
      %parallel_loop3A_114 = arith.constant 0 : i32
      %parallel_loop3A_115 = tpu.memref_slice %arg8[%parallel_loop3A_9, %parallel_loop3A_114] : memref<2x8192xf32, #tpu.memory_space<vmem>> -> memref<1x8192xf32, #tpu.memory_space<vmem>>
      %parallel_loop3A_116 = tpu.memref_squeeze %parallel_loop3A_115 : memref<1x8192xf32, #tpu.memory_space<vmem>> -> memref<8192xf32, #tpu.memory_space<vmem>>
      %parallel_loop3A_117 = arith.index_cast %parallel_loop3A_97 : i32 to index
      %parallel_loop3A_118 = tpu.vector_load %parallel_loop3A_116[%parallel_loop3A_117] {strides = array<i32>} : memref<8192xf32, #tpu.memory_space<vmem>>, vector<16xf32>,
      %parallel_loop3A_119 = vector.shape_cast %parallel_loop3A_118 : vector<16xf32> to vector<16xf32>
      %parallel_loop3A_120 = arith.constant 1.023000e+03 : f32
      %parallel_loop3A_121 = vector.broadcast %parallel_loop3A_120 : f32 to vector<16xf32>
      %parallel_loop3A_122 = arith.mulf %parallel_loop3A_119, %parallel_loop3A_121 : vector<16xf32>
      %parallel_loop3A_123 = arith.fptosi %parallel_loop3A_122 : vector<16xf32> to vector<16xi32>
      %parallel_loop3A_124 = arith.constant 0 : i32
      %parallel_loop3A_125 = arith.constant 1023 : i32
      %parallel_loop3A_126 = vector.broadcast %parallel_loop3A_124 : i32 to vector<16xi32>
      %parallel_loop3A_127 = arith.maxsi %parallel_loop3A_126, %parallel_loop3A_123 : vector<16xi32>
      %parallel_loop3A_128 = vector.broadcast %parallel_loop3A_125 : i32 to vector<16xi32>
      %parallel_loop3A_129 = arith.minsi %parallel_loop3A_128, %parallel_loop3A_127 : vector<16xi32>
      %parallel_loop3A_130 = arith.constant 1024 : i32
      %parallel_loop3A_131 = vector.broadcast %parallel_loop3A_130 : i32 to vector<16xi32>
      %parallel_loop3A_132 = arith.muli %parallel_loop3A_113, %parallel_loop3A_131 : vector<16xi32>
      %parallel_loop3A_133 = arith.addi %parallel_loop3A_132, %parallel_loop3A_129 : vector<16xi32>
      %parallel_loop3A_134 = arith.index_cast %parallel_loop3A_97 : i32 to index
      %parallel_loop3A_135 = tpu.vector_load %arg11[%parallel_loop3A_134] {strides = array<i32>} : memref<8192xi32, #tpu.memory_space<vmem>>, vector<16xi32>,
      %parallel_loop3A_136 = vector.shape_cast %parallel_loop3A_135 : vector<16xi32> to vector<16xi32>
      %parallel_loop3A_137 = vector.shape_cast %parallel_loop3A_133 : vector<16xi32> to vector<16xi32>
      tpu.vector_store %arg11[%parallel_loop3A_134], %parallel_loop3A_137 {strides = array<i32>} : memref<8192xi32, #tpu.memory_space<vmem>>, vector<16xi32>,
    } {sc.loop_unroll_factor = 4 : i64, sc.parallel_access}
    %dma_start3A = arith.constant 0 : i32
    %dma_start3A_10 = tpu.memref_slice %arg5[%dma_start3A] : memref<1048576xf32, #tpu.memory_space<hbm>> -> memref<1048576xf32, #tpu.memory_space<hbm>>
    tpu.enqueue_indirect_dma source(%dma_start3A_10 : memref<1048576xf32, #tpu.memory_space<hbm>>) target(%arg13 : memref<8192xf32, #tpu.memory_space<vmem>>) offsets(%arg11 : memref<8192xi32, #tpu.memory_space<vmem>>) semaphore(%arg15 : memref<!tpu.dma_semaphore, #tpu.memory_space<semaphore_mem>>)
    %run_scoped3A_11 = arith.constant 0 : i32
    "tpu.region"() ({
      %run_scoped3A_95 = tpu.sem_alloc : memref<!tpu.dma_semaphore, #tpu.memory_space<semaphore_mem>>
      %dma_start3A_96 = arith.constant 0 : i32
      %dma_start3A_97 = tpu.memref_slice %arg10[%run_scoped3A_11, %dma_start3A_96] : memref<2x8192xf32, #tpu.memory_space<vmem>> -> memref<1x8192xf32, #tpu.memory_space<vmem>>
      %dma_start3A_98 = tpu.memref_squeeze %dma_start3A_97 : memref<1x8192xf32, #tpu.memory_space<vmem>> -> memref<8192xf32, #tpu.memory_space<vmem>>
      %dma_start3A_99 = tpu.memref_slice %arg2[%add3A_4] : memref<1048576xf32, #tpu.memory_space<hbm>> -> memref<8192xf32, #tpu.memory_space<hbm>>
      %dma_start3A_100 = arith.constant 0 : i32
      %dma_start3A_101 = tpu.memref_slice %arg10[%run_scoped3A_11, %dma_start3A_100] : memref<2x8192xf32, #tpu.memory_space<vmem>> -> memref<1x8192xf32, #tpu.memory_space<vmem>>
      %dma_start3A_102 = tpu.memref_squeeze %dma_start3A_101 : memref<1x8192xf32, #tpu.memory_space<vmem>> -> memref<8192xf32, #tpu.memory_space<vmem>>
      %dma_start3A_103 = tpu.memref_slice %arg2[%add3A_4] : memref<1048576xf32, #tpu.memory_space<hbm>> -> memref<8192xf32, #tpu.memory_space<hbm>>
      tpu.enqueue_dma source(%dma_start3A_103 : memref<8192xf32, #tpu.memory_space<hbm>>) target(%dma_start3A_102 : memref<8192xf32, #tpu.memory_space<vmem>>) target_semaphore(%run_scoped3A_95 : memref<!tpu.dma_semaphore, #tpu.memory_space<semaphore_mem>>)
      %dma_wait3A_104 = arith.constant 0 : i32
      %dma_wait3A_105 = tpu.memref_slice %arg10[%run_scoped3A_11, %dma_wait3A_104] : memref<2x8192xf32, #tpu.memory_space<vmem>> -> memref<1x8192xf32, #tpu.memory_space<vmem>>
      %dma_wait3A_106 = tpu.memref_squeeze %dma_wait3A_105 : memref<1x8192xf32, #tpu.memory_space<vmem>> -> memref<8192xf32, #tpu.memory_space<vmem>>
      %dma_wait3A_107 = tpu.memref_slice %arg2[%add3A_4] : memref<1048576xf32, #tpu.memory_space<hbm>> -> memref<8192xf32, #tpu.memory_space<hbm>>
      %dma_wait3A_108 = arith.constant 0 : i32
      %dma_wait3A_109 = tpu.memref_slice %arg10[%run_scoped3A_11, %dma_wait3A_108] : memref<2x8192xf32, #tpu.memory_space<vmem>> -> memref<1x8192xf32, #tpu.memory_space<vmem>>
      %dma_wait3A_110 = tpu.memref_squeeze %dma_wait3A_109 : memref<1x8192xf32, #tpu.memory_space<vmem>> -> memref<8192xf32, #tpu.memory_space<vmem>>
      %dma_wait3A_111 = tpu.memref_slice %arg2[%add3A_4] : memref<1048576xf32, #tpu.memory_space<hbm>> -> memref<8192xf32, #tpu.memory_space<hbm>>
      tpu.wait_dma2 semaphore(%run_scoped3A_95 : memref<!tpu.dma_semaphore, #tpu.memory_space<semaphore_mem>>) src(%dma_wait3A_111 : memref<8192xf32, #tpu.memory_space<hbm>>) dst(%dma_wait3A_110 : memref<8192xf32, #tpu.memory_space<vmem>>)
      tpu.yield
    }) : () -> ()
    %add3A_12 = arith.constant 8192 : i32
    %add3A_13 = arith.addi %mul3A_2, %add3A_12 : i32
    %run_scoped3A_14 = arith.constant 1 : i32
    "tpu.region"() ({
      %run_scoped3A_95 = tpu.sem_alloc : memref<!tpu.dma_semaphore, #tpu.memory_space<semaphore_mem>>
      %dma_start3A_96 = arith.constant 0 : i32
      %dma_start3A_97 = tpu.memref_slice %arg8[%run_scoped3A_14, %dma_start3A_96] : memref<2x8192xf32, #tpu.memory_space<vmem>> -> memref<1x8192xf32, #tpu.memory_space<vmem>>
      %dma_start3A_98 = tpu.memref_squeeze %dma_start3A_97 : memref<1x8192xf32, #tpu.memory_space<vmem>> -> memref<8192xf32, #tpu.memory_space<vmem>>
      %dma_start3A_99 = tpu.memref_slice %arg3[%add3A_13] : memref<1048576xf32, #tpu.memory_space<hbm>> -> memref<8192xf32, #tpu.memory_space<hbm>>
      %dma_start3A_100 = arith.constant 0 : i32
      %dma_start3A_101 = tpu.memref_slice %arg8[%run_scoped3A_14, %dma_start3A_100] : memref<2x8192xf32, #tpu.memory_space<vmem>> -> memref<1x8192xf32, #tpu.memory_space<vmem>>
      %dma_start3A_102 = tpu.memref_squeeze %dma_start3A_101 : memref<1x8192xf32, #tpu.memory_space<vmem>> -> memref<8192xf32, #tpu.memory_space<vmem>>
      %dma_start3A_103 = tpu.memref_slice %arg3[%add3A_13] : memref<1048576xf32, #tpu.memory_space<hbm>> -> memref<8192xf32, #tpu.memory_space<hbm>>
      tpu.enqueue_dma source(%dma_start3A_103 : memref<8192xf32, #tpu.memory_space<hbm>>) target(%dma_start3A_102 : memref<8192xf32, #tpu.memory_space<vmem>>) target_semaphore(%run_scoped3A_95 : memref<!tpu.dma_semaphore, #tpu.memory_space<semaphore_mem>>)
      %dma_wait3A_104 = arith.constant 0 : i32
      %dma_wait3A_105 = tpu.memref_slice %arg8[%run_scoped3A_14, %dma_wait3A_104] : memref<2x8192xf32, #tpu.memory_space<vmem>> -> memref<1x8192xf32, #tpu.memory_space<vmem>>
      %dma_wait3A_106 = tpu.memref_squeeze %dma_wait3A_105 : memref<1x8192xf32, #tpu.memory_space<vmem>> -> memref<8192xf32, #tpu.memory_space<vmem>>
      %dma_wait3A_107 = tpu.memref_slice %arg3[%add3A_13] : memref<1048576xf32, #tpu.memory_space<hbm>> -> memref<8192xf32, #tpu.memory_space<hbm>>
      %dma_wait3A_108 = arith.constant 0 : i32
      %dma_wait3A_109 = tpu.memref_slice %arg8[%run_scoped3A_14, %dma_wait3A_108] : memref<2x8192xf32, #tpu.memory_space<vmem>> -> memref<1x8192xf32, #tpu.memory_space<vmem>>
      %dma_wait3A_110 = tpu.memref_squeeze %dma_wait3A_109 : memref<1x8192xf32, #tpu.memory_space<vmem>> -> memref<8192xf32, #tpu.memory_space<vmem>>
      %dma_wait3A_111 = tpu.memref_slice %arg3[%add3A_13] : memref<1048576xf32, #tpu.memory_space<hbm>> -> memref<8192xf32, #tpu.memory_space<hbm>>
      tpu.wait_dma2 semaphore(%run_scoped3A_95 : memref<!tpu.dma_semaphore, #tpu.memory_space<semaphore_mem>>) src(%dma_wait3A_111 : memref<8192xf32, #tpu.memory_space<hbm>>) dst(%dma_wait3A_110 : memref<8192xf32, #tpu.memory_space<vmem>>)
      tpu.yield
    }) : () -> ()
    %run_scoped3A_15 = arith.constant 1 : i32
    "tpu.region"() ({
      %run_scoped3A_95 = tpu.sem_alloc : memref<!tpu.dma_semaphore, #tpu.memory_space<semaphore_mem>>
      %dma_start3A_96 = arith.constant 0 : i32
      %dma_start3A_97 = tpu.memref_slice %arg9[%run_scoped3A_15, %dma_start3A_96] : memref<2x8192xf32, #tpu.memory_space<vmem>> -> memref<1x8192xf32, #tpu.memory_space<vmem>>
      %dma_start3A_98 = tpu.memref_squeeze %dma_start3A_97 : memref<1x8192xf32, #tpu.memory_space<vmem>> -> memref<8192xf32, #tpu.memory_space<vmem>>
      %dma_start3A_99 = tpu.memref_slice %arg4[%add3A_13] : memref<1048576xf32, #tpu.memory_space<hbm>> -> memref<8192xf32, #tpu.memory_space<hbm>>
      %dma_start3A_100 = arith.constant 0 : i32
      %dma_start3A_101 = tpu.memref_slice %arg9[%run_scoped3A_15, %dma_start3A_100] : memref<2x8192xf32, #tpu.memory_space<vmem>> -> memref<1x8192xf32, #tpu.memory_space<vmem>>
      %dma_start3A_102 = tpu.memref_squeeze %dma_start3A_101 : memref<1x8192xf32, #tpu.memory_space<vmem>> -> memref<8192xf32, #tpu.memory_space<vmem>>
      %dma_start3A_103 = tpu.memref_slice %arg4[%add3A_13] : memref<1048576xf32, #tpu.memory_space<hbm>> -> memref<8192xf32, #tpu.memory_space<hbm>>
      tpu.enqueue_dma source(%dma_start3A_103 : memref<8192xf32, #tpu.memory_space<hbm>>) target(%dma_start3A_102 : memref<8192xf32, #tpu.memory_space<vmem>>) target_semaphore(%run_scoped3A_95 : memref<!tpu.dma_semaphore, #tpu.memory_space<semaphore_mem>>)
      %dma_wait3A_104 = arith.constant 0 : i32
      %dma_wait3A_105 = tpu.memref_slice %arg9[%run_scoped3A_15, %dma_wait3A_104] : memref<2x8192xf32, #tpu.memory_space<vmem>> -> memref<1x8192xf32, #tpu.memory_space<vmem>>
      %dma_wait3A_106 = tpu.memref_squeeze %dma_wait3A_105 : memref<1x8192xf32, #tpu.memory_space<vmem>> -> memref<8192xf32, #tpu.memory_space<vmem>>
      %dma_wait3A_107 = tpu.memref_slice %arg4[%add3A_13] : memref<1048576xf32, #tpu.memory_space<hbm>> -> memref<8192xf32, #tpu.memory_space<hbm>>
      %dma_wait3A_108 = arith.constant 0 : i32
      %dma_wait3A_109 = tpu.memref_slice %arg9[%run_scoped3A_15, %dma_wait3A_108] : memref<2x8192xf32, #tpu.memory_space<vmem>> -> memref<1x8192xf32, #tpu.memory_space<vmem>>
      %dma_wait3A_110 = tpu.memref_squeeze %dma_wait3A_109 : memref<1x8192xf32, #tpu.memory_space<vmem>> -> memref<8192xf32, #tpu.memory_space<vmem>>
      %dma_wait3A_111 = tpu.memref_slice %arg4[%add3A_13] : memref<1048576xf32, #tpu.memory_space<hbm>> -> memref<8192xf32, #tpu.memory_space<hbm>>
      tpu.wait_dma2 semaphore(%run_scoped3A_95 : memref<!tpu.dma_semaphore, #tpu.memory_space<semaphore_mem>>) src(%dma_wait3A_111 : memref<8192xf32, #tpu.memory_space<hbm>>) dst(%dma_wait3A_110 : memref<8192xf32, #tpu.memory_space<vmem>>)
      tpu.yield
    }) : () -> ()
    %parallel_loop3A_16 = arith.constant 0 : i32
    %parallel_loop3A_17 = arith.constant 512 : i32
    %parallel_loop3A_18 = arith.constant 1 : i32
    %parallel_loop3A_19 = arith.constant 1 : i32
    %parallel_loop3A_20 = arith.constant 1 : i32
    scf.for %parallel_loop3A_95 = %parallel_loop3A_16 to %parallel_loop3A_17 step %parallel_loop3A_18  : i32 {
      %parallel_loop3A_96 = arith.constant 16 : i32
      %parallel_loop3A_97 = arith.muli %parallel_loop3A_95, %parallel_loop3A_96 : i32
      %parallel_loop3A_98 = arith.constant 0 : i32
      %parallel_loop3A_99 = tpu.memref_slice %arg9[%parallel_loop3A_19, %parallel_loop3A_98] : memref<2x8192xf32, #tpu.memory_space<vmem>> -> memref<1x8192xf32, #tpu.memory_space<vmem>>
      %parallel_loop3A_100 = tpu.memref_squeeze %parallel_loop3A_99 : memref<1x8192xf32, #tpu.memory_space<vmem>> -> memref<8192xf32, #tpu.memory_space<vmem>>
      %parallel_loop3A_101 = arith.index_cast %parallel_loop3A_97 : i32 to index
      %parallel_loop3A_102 = tpu.vector_load %parallel_loop3A_100[%parallel_loop3A_101] {strides = array<i32>} : memref<8192xf32, #tpu.memory_space<vmem>>, vector<16xf32>,
      %parallel_loop3A_103 = vector.shape_cast %parallel_loop3A_102 : vector<16xf32> to vector<16xf32>
      %parallel_loop3A_104 = arith.constant 1.023000e+03 : f32
      %parallel_loop3A_105 = vector.broadcast %parallel_loop3A_104 : f32 to vector<16xf32>
      %parallel_loop3A_106 = arith.mulf %parallel_loop3A_103, %parallel_loop3A_105 : vector<16xf32>
      %parallel_loop3A_107 = arith.fptosi %parallel_loop3A_106 : vector<16xf32> to vector<16xi32>
      %parallel_loop3A_108 = arith.constant 0 : i32
      %parallel_loop3A_109 = arith.constant 1023 : i32
      %parallel_loop3A_110 = vector.broadcast %parallel_loop3A_108 : i32 to vector<16xi32>
      %parallel_loop3A_111 = arith.maxsi %parallel_loop3A_110, %parallel_loop3A_107 : vector<16xi32>
      %parallel_loop3A_112 = vector.broadcast %parallel_loop3A_109 : i32 to vector<16xi32>
      %parallel_loop3A_113 = arith.minsi %parallel_loop3A_112, %parallel_loop3A_111 : vector<16xi32>
      %parallel_loop3A_114 = arith.constant 0 : i32
      %parallel_loop3A_115 = tpu.memref_slice %arg8[%parallel_loop3A_20, %parallel_loop3A_114] : memref<2x8192xf32, #tpu.memory_space<vmem>> -> memref<1x8192xf32, #tpu.memory_space<vmem>>
      %parallel_loop3A_116 = tpu.memref_squeeze %parallel_loop3A_115 : memref<1x8192xf32, #tpu.memory_space<vmem>> -> memref<8192xf32, #tpu.memory_space<vmem>>
      %parallel_loop3A_117 = arith.index_cast %parallel_loop3A_97 : i32 to index
      %parallel_loop3A_118 = tpu.vector_load %parallel_loop3A_116[%parallel_loop3A_117] {strides = array<i32>} : memref<8192xf32, #tpu.memory_space<vmem>>, vector<16xf32>,
      %parallel_loop3A_119 = vector.shape_cast %parallel_loop3A_118 : vector<16xf32> to vector<16xf32>
      %parallel_loop3A_120 = arith.constant 1.023000e+03 : f32
      %parallel_loop3A_121 = vector.broadcast %parallel_loop3A_120 : f32 to vector<16xf32>
      %parallel_loop3A_122 = arith.mulf %parallel_loop3A_119, %parallel_loop3A_121 : vector<16xf32>
      %parallel_loop3A_123 = arith.fptosi %parallel_loop3A_122 : vector<16xf32> to vector<16xi32>
      %parallel_loop3A_124 = arith.constant 0 : i32
      %parallel_loop3A_125 = arith.constant 1023 : i32
      %parallel_loop3A_126 = vector.broadcast %parallel_loop3A_124 : i32 to vector<16xi32>
      %parallel_loop3A_127 = arith.maxsi %parallel_loop3A_126, %parallel_loop3A_123 : vector<16xi32>
      %parallel_loop3A_128 = vector.broadcast %parallel_loop3A_125 : i32 to vector<16xi32>
      %parallel_loop3A_129 = arith.minsi %parallel_loop3A_128, %parallel_loop3A_127 : vector<16xi32>
      %parallel_loop3A_130 = arith.constant 1024 : i32
      %parallel_loop3A_131 = vector.broadcast %parallel_loop3A_130 : i32 to vector<16xi32>
      %parallel_loop3A_132 = arith.muli %parallel_loop3A_113, %parallel_loop3A_131 : vector<16xi32>
      %parallel_loop3A_133 = arith.addi %parallel_loop3A_132, %parallel_loop3A_129 : vector<16xi32>
      %parallel_loop3A_134 = arith.index_cast %parallel_loop3A_97 : i32 to index
      %parallel_loop3A_135 = tpu.vector_load %arg12[%parallel_loop3A_134] {strides = array<i32>} : memref<8192xi32, #tpu.memory_space<vmem>>, vector<16xi32>,
      %parallel_loop3A_136 = vector.shape_cast %parallel_loop3A_135 : vector<16xi32> to vector<16xi32>
      %parallel_loop3A_137 = vector.shape_cast %parallel_loop3A_133 : vector<16xi32> to vector<16xi32>
      tpu.vector_store %arg12[%parallel_loop3A_134], %parallel_loop3A_137 {strides = array<i32>} : memref<8192xi32, #tpu.memory_space<vmem>>, vector<16xi32>,
    } {sc.loop_unroll_factor = 4 : i64, sc.parallel_access}
    %dma_start3A_21 = arith.constant 0 : i32
    %dma_start3A_22 = tpu.memref_slice %arg5[%dma_start3A_21] : memref<1048576xf32, #tpu.memory_space<hbm>> -> memref<1048576xf32, #tpu.memory_space<hbm>>
    tpu.enqueue_indirect_dma source(%dma_start3A_22 : memref<1048576xf32, #tpu.memory_space<hbm>>) target(%arg14 : memref<8192xf32, #tpu.memory_space<vmem>>) offsets(%arg12 : memref<8192xi32, #tpu.memory_space<vmem>>) semaphore(%arg16 : memref<!tpu.dma_semaphore, #tpu.memory_space<semaphore_mem>>)
    %run_scoped3A_23 = arith.constant 1 : i32
    "tpu.region"() ({
      %run_scoped3A_95 = tpu.sem_alloc : memref<!tpu.dma_semaphore, #tpu.memory_space<semaphore_mem>>
      %dma_start3A_96 = arith.constant 0 : i32
      %dma_start3A_97 = tpu.memref_slice %arg10[%run_scoped3A_23, %dma_start3A_96] : memref<2x8192xf32, #tpu.memory_space<vmem>> -> memref<1x8192xf32, #tpu.memory_space<vmem>>
      %dma_start3A_98 = tpu.memref_squeeze %dma_start3A_97 : memref<1x8192xf32, #tpu.memory_space<vmem>> -> memref<8192xf32, #tpu.memory_space<vmem>>
      %dma_start3A_99 = tpu.memref_slice %arg2[%add3A_13] : memref<1048576xf32, #tpu.memory_space<hbm>> -> memref<8192xf32, #tpu.memory_space<hbm>>
      %dma_start3A_100 = arith.constant 0 : i32
      %dma_start3A_101 = tpu.memref_slice %arg10[%run_scoped3A_23, %dma_start3A_100] : memref<2x8192xf32, #tpu.memory_space<vmem>> -> memref<1x8192xf32, #tpu.memory_space<vmem>>
      %dma_start3A_102 = tpu.memref_squeeze %dma_start3A_101 : memref<1x8192xf32, #tpu.memory_space<vmem>> -> memref<8192xf32, #tpu.memory_space<vmem>>
      %dma_start3A_103 = tpu.memref_slice %arg2[%add3A_13] : memref<1048576xf32, #tpu.memory_space<hbm>> -> memref<8192xf32, #tpu.memory_space<hbm>>
      tpu.enqueue_dma source(%dma_start3A_103 : memref<8192xf32, #tpu.memory_space<hbm>>) target(%dma_start3A_102 : memref<8192xf32, #tpu.memory_space<vmem>>) target_semaphore(%run_scoped3A_95 : memref<!tpu.dma_semaphore, #tpu.memory_space<semaphore_mem>>)
      %dma_wait3A_104 = arith.constant 0 : i32
      %dma_wait3A_105 = tpu.memref_slice %arg10[%run_scoped3A_23, %dma_wait3A_104] : memref<2x8192xf32, #tpu.memory_space<vmem>> -> memref<1x8192xf32, #tpu.memory_space<vmem>>
      %dma_wait3A_106 = tpu.memref_squeeze %dma_wait3A_105 : memref<1x8192xf32, #tpu.memory_space<vmem>> -> memref<8192xf32, #tpu.memory_space<vmem>>
      %dma_wait3A_107 = tpu.memref_slice %arg2[%add3A_13] : memref<1048576xf32, #tpu.memory_space<hbm>> -> memref<8192xf32, #tpu.memory_space<hbm>>
      %dma_wait3A_108 = arith.constant 0 : i32
      %dma_wait3A_109 = tpu.memref_slice %arg10[%run_scoped3A_23, %dma_wait3A_108] : memref<2x8192xf32, #tpu.memory_space<vmem>> -> memref<1x8192xf32, #tpu.memory_space<vmem>>
      %dma_wait3A_110 = tpu.memref_squeeze %dma_wait3A_109 : memref<1x8192xf32, #tpu.memory_space<vmem>> -> memref<8192xf32, #tpu.memory_space<vmem>>
      %dma_wait3A_111 = tpu.memref_slice %arg2[%add3A_13] : memref<1048576xf32, #tpu.memory_space<hbm>> -> memref<8192xf32, #tpu.memory_space<hbm>>
      tpu.wait_dma2 semaphore(%run_scoped3A_95 : memref<!tpu.dma_semaphore, #tpu.memory_space<semaphore_mem>>) src(%dma_wait3A_111 : memref<8192xf32, #tpu.memory_space<hbm>>) dst(%dma_wait3A_110 : memref<8192xf32, #tpu.memory_space<vmem>>)
      tpu.yield
    }) : () -> ()
    %add3A_24 = arith.constant 0 : i32
    %add3A_25 = arith.addi %mul3A_2, %add3A_24 : i32
    %dma_wait3A = arith.constant 0 : i32
    %dma_wait3A_26 = tpu.memref_slice %arg5[%dma_wait3A] : memref<1048576xf32, #tpu.memory_space<hbm>> -> memref<1048576xf32, #tpu.memory_space<hbm>>
    tpu.wait_indirect_dma semaphore(%arg15 : memref<!tpu.dma_semaphore, #tpu.memory_space<semaphore_mem>>) src(%dma_wait3A_26 : memref<1048576xf32, #tpu.memory_space<hbm>>) dst(%arg13 : memref<8192xf32, #tpu.memory_space<vmem>>)
    %parallel_loop3A_27 = arith.constant 0 : i32
    %parallel_loop3A_28 = arith.constant 512 : i32
    %parallel_loop3A_29 = arith.constant 1 : i32
    %parallel_loop3A_30 = arith.constant 0 : i32
    %parallel_loop3A_31 = arith.constant 0 : i32
    %parallel_loop3A_32 = arith.constant 0 : i32
    scf.for %parallel_loop3A_95 = %parallel_loop3A_27 to %parallel_loop3A_28 step %parallel_loop3A_29  : i32 {
      %parallel_loop3A_96 = arith.constant 16 : i32
      %parallel_loop3A_97 = arith.muli %parallel_loop3A_95, %parallel_loop3A_96 : i32
      %parallel_loop3A_98 = arith.index_cast %parallel_loop3A_97 : i32 to index
      %parallel_loop3A_99 = tpu.vector_load %arg13[%parallel_loop3A_98] {strides = array<i32>} : memref<8192xf32, #tpu.memory_space<vmem>>, vector<16xf32>,
      %parallel_loop3A_100 = vector.shape_cast %parallel_loop3A_99 : vector<16xf32> to vector<16xf32>
      %parallel_loop3A_101 = tpu.bitcast %parallel_loop3A_100 : vector<16xf32> -> vector<16xi32>
      %parallel_loop3A_102 = arith.constant 1 : i32
      %parallel_loop3A_103 = vector.broadcast %parallel_loop3A_102 : i32 to vector<16xi32>
      %parallel_loop3A_104 = arith.andi %parallel_loop3A_101, %parallel_loop3A_103 : vector<16xi32>
      %parallel_loop3A_105 = arith.sitofp %parallel_loop3A_104 : vector<16xi32> to vector<16xf32>
      %parallel_loop3A_106 = arith.constant -2 : i32
      %parallel_loop3A_107 = vector.broadcast %parallel_loop3A_106 : i32 to vector<16xi32>
      %parallel_loop3A_108 = arith.andi %parallel_loop3A_101, %parallel_loop3A_107 : vector<16xi32>
      %parallel_loop3A_109 = tpu.bitcast %parallel_loop3A_108 : vector<16xi32> -> vector<16xf32>
      %parallel_loop3A_110 = arith.constant 0 : i32
      %parallel_loop3A_111 = tpu.memref_slice %arg8[%parallel_loop3A_30, %parallel_loop3A_110] : memref<2x8192xf32, #tpu.memory_space<vmem>> -> memref<1x8192xf32, #tpu.memory_space<vmem>>
      %parallel_loop3A_112 = tpu.memref_squeeze %parallel_loop3A_111 : memref<1x8192xf32, #tpu.memory_space<vmem>> -> memref<8192xf32, #tpu.memory_space<vmem>>
      %parallel_loop3A_113 = arith.index_cast %parallel_loop3A_97 : i32 to index
      %parallel_loop3A_114 = tpu.vector_load %parallel_loop3A_112[%parallel_loop3A_113] {strides = array<i32>} : memref<8192xf32, #tpu.memory_space<vmem>>, vector<16xf32>,
      %parallel_loop3A_115 = vector.shape_cast %parallel_loop3A_114 : vector<16xf32> to vector<16xf32>
      %parallel_loop3A_116 = arith.constant 0 : i32
      %parallel_loop3A_117 = tpu.memref_slice %arg10[%parallel_loop3A_31, %parallel_loop3A_116] : memref<2x8192xf32, #tpu.memory_space<vmem>> -> memref<1x8192xf32, #tpu.memory_space<vmem>>
      %parallel_loop3A_118 = tpu.memref_squeeze %parallel_loop3A_117 : memref<1x8192xf32, #tpu.memory_space<vmem>> -> memref<8192xf32, #tpu.memory_space<vmem>>
      %parallel_loop3A_119 = arith.index_cast %parallel_loop3A_97 : i32 to index
      %parallel_loop3A_120 = tpu.vector_load %parallel_loop3A_118[%parallel_loop3A_119] {strides = array<i32>} : memref<8192xf32, #tpu.memory_space<vmem>>, vector<16xf32>,
      %parallel_loop3A_121 = vector.shape_cast %parallel_loop3A_120 : vector<16xf32> to vector<16xf32>
      %parallel_loop3A_122 = arith.addf %parallel_loop3A_109, %parallel_loop3A_121 : vector<16xf32>
      %parallel_loop3A_123 = arith.constant 5.000000e-14 : f32
      %parallel_loop3A_124 = vector.broadcast %parallel_loop3A_123 : f32 to vector<16xf32>
      %parallel_loop3A_125 = arith.divf %parallel_loop3A_122, %parallel_loop3A_124 : vector<16xf32>
      %parallel_loop3A_126 = arith.constant 9.99999997E-7 : f32
      %parallel_loop3A_127 = vector.broadcast %parallel_loop3A_126 : f32 to vector<16xf32>
      %parallel_loop3A_128 = arith.mulf %parallel_loop3A_125, %parallel_loop3A_127 : vector<16xf32>
      %parallel_loop3A_129 = arith.addf %parallel_loop3A_115, %parallel_loop3A_128 : vector<16xf32>
      %parallel_loop3A_130 = arith.constant 0.000000e+00 : f32
      %parallel_loop3A_131 = arith.constant 1.000000e+00 : f32
      %parallel_loop3A_132 = vector.broadcast %parallel_loop3A_130 : f32 to vector<16xf32>
      %parallel_loop3A_133 = arith.maximumf %parallel_loop3A_132, %parallel_loop3A_129 : vector<16xf32>
      %parallel_loop3A_134 = vector.broadcast %parallel_loop3A_131 : f32 to vector<16xf32>
      %parallel_loop3A_135 = arith.minimumf %parallel_loop3A_134, %parallel_loop3A_133 : vector<16xf32>
      %parallel_loop3A_136 = arith.constant 0 : i32
      %parallel_loop3A_137 = tpu.memref_slice %arg8[%parallel_loop3A_30, %parallel_loop3A_136] : memref<2x8192xf32, #tpu.memory_space<vmem>> -> memref<1x8192xf32, #tpu.memory_space<vmem>>
      %parallel_loop3A_138 = tpu.memref_squeeze %parallel_loop3A_137 : memref<1x8192xf32, #tpu.memory_space<vmem>> -> memref<8192xf32, #tpu.memory_space<vmem>>
      %parallel_loop3A_139 = arith.index_cast %parallel_loop3A_97 : i32 to index
      %parallel_loop3A_140 = tpu.vector_load %parallel_loop3A_138[%parallel_loop3A_139] {strides = array<i32>} : memref<8192xf32, #tpu.memory_space<vmem>>, vector<16xf32>,
      %parallel_loop3A_141 = vector.shape_cast %parallel_loop3A_140 : vector<16xf32> to vector<16xf32>
      %parallel_loop3A_142 = vector.shape_cast %parallel_loop3A_135 : vector<16xf32> to vector<16xf32>
      tpu.vector_store %parallel_loop3A_138[%parallel_loop3A_139], %parallel_loop3A_142 {strides = array<i32>} : memref<8192xf32, #tpu.memory_space<vmem>>, vector<16xf32>,
      %parallel_loop3A_143 = arith.constant 0 : i32
      %parallel_loop3A_144 = tpu.memref_slice %arg9[%parallel_loop3A_32, %parallel_loop3A_143] : memref<2x8192xf32, #tpu.memory_space<vmem>> -> memref<1x8192xf32, #tpu.memory_space<vmem>>
      %parallel_loop3A_145 = tpu.memref_squeeze %parallel_loop3A_144 : memref<1x8192xf32, #tpu.memory_space<vmem>> -> memref<8192xf32, #tpu.memory_space<vmem>>
      %parallel_loop3A_146 = arith.index_cast %parallel_loop3A_97 : i32 to index
      %parallel_loop3A_147 = tpu.vector_load %parallel_loop3A_145[%parallel_loop3A_146] {strides = array<i32>} : memref<8192xf32, #tpu.memory_space<vmem>>, vector<16xf32>,
      %parallel_loop3A_148 = vector.shape_cast %parallel_loop3A_147 : vector<16xf32> to vector<16xf32>
      %parallel_loop3A_149 = vector.shape_cast %parallel_loop3A_105 : vector<16xf32> to vector<16xf32>
      tpu.vector_store %parallel_loop3A_145[%parallel_loop3A_146], %parallel_loop3A_149 {strides = array<i32>} : memref<8192xf32, #tpu.memory_space<vmem>>, vector<16xf32>,
    } {sc.loop_unroll_factor = 4 : i64, sc.parallel_access}
    %run_scoped3A_33 = arith.constant 0 : i32
    "tpu.region"() ({
      %run_scoped3A_95 = tpu.sem_alloc : memref<!tpu.dma_semaphore, #tpu.memory_space<semaphore_mem>>
      %dma_start3A_96 = arith.constant 0 : i32
      %dma_start3A_97 = tpu.memref_slice %arg8[%run_scoped3A_33, %dma_start3A_96] : memref<2x8192xf32, #tpu.memory_space<vmem>> -> memref<1x8192xf32, #tpu.memory_space<vmem>>
      %dma_start3A_98 = tpu.memref_squeeze %dma_start3A_97 : memref<1x8192xf32, #tpu.memory_space<vmem>> -> memref<8192xf32, #tpu.memory_space<vmem>>
      %dma_start3A_99 = tpu.memref_slice %arg7[%add3A_25] : memref<1048576xf32, #tpu.memory_space<hbm>> -> memref<8192xf32, #tpu.memory_space<hbm>>
      %dma_start3A_100 = tpu.memref_slice %arg7[%add3A_25] : memref<1048576xf32, #tpu.memory_space<hbm>> -> memref<8192xf32, #tpu.memory_space<hbm>>
      %dma_start3A_101 = arith.constant 0 : i32
      %dma_start3A_102 = tpu.memref_slice %arg8[%run_scoped3A_33, %dma_start3A_101] : memref<2x8192xf32, #tpu.memory_space<vmem>> -> memref<1x8192xf32, #tpu.memory_space<vmem>>
      %dma_start3A_103 = tpu.memref_squeeze %dma_start3A_102 : memref<1x8192xf32, #tpu.memory_space<vmem>> -> memref<8192xf32, #tpu.memory_space<vmem>>
      tpu.enqueue_dma source(%dma_start3A_103 : memref<8192xf32, #tpu.memory_space<vmem>>) target(%dma_start3A_100 : memref<8192xf32, #tpu.memory_space<hbm>>) target_semaphore(%run_scoped3A_95 : memref<!tpu.dma_semaphore, #tpu.memory_space<semaphore_mem>>)
      %dma_wait3A_104 = arith.constant 0 : i32
      %dma_wait3A_105 = tpu.memref_slice %arg8[%run_scoped3A_33, %dma_wait3A_104] : memref<2x8192xf32, #tpu.memory_space<vmem>> -> memref<1x8192xf32, #tpu.memory_space<vmem>>
      %dma_wait3A_106 = tpu.memref_squeeze %dma_wait3A_105 : memref<1x8192xf32, #tpu.memory_space<vmem>> -> memref<8192xf32, #tpu.memory_space<vmem>>
      %dma_wait3A_107 = tpu.memref_slice %arg7[%add3A_25] : memref<1048576xf32, #tpu.memory_space<hbm>> -> memref<8192xf32, #tpu.memory_space<hbm>>
      %dma_wait3A_108 = tpu.memref_slice %arg7[%add3A_25] : memref<1048576xf32, #tpu.memory_space<hbm>> -> memref<8192xf32, #tpu.memory_space<hbm>>
      %dma_wait3A_109 = arith.constant 0 : i32
      %dma_wait3A_110 = tpu.memref_slice %arg8[%run_scoped3A_33, %dma_wait3A_109] : memref<2x8192xf32, #tpu.memory_space<vmem>> -> memref<1x8192xf32, #tpu.memory_space<vmem>>
      %dma_wait3A_111 = tpu.memref_squeeze %dma_wait3A_110 : memref<1x8192xf32, #tpu.memory_space<vmem>> -> memref<8192xf32, #tpu.memory_space<vmem>>
      tpu.wait_dma2 semaphore(%run_scoped3A_95 : memref<!tpu.dma_semaphore, #tpu.memory_space<semaphore_mem>>) src(%dma_wait3A_111 : memref<8192xf32, #tpu.memory_space<vmem>>) dst(%dma_wait3A_108 : memref<8192xf32, #tpu.memory_space<hbm>>)
      tpu.yield
    }) : () -> ()
    %run_scoped3A_34 = arith.constant 0 : i32
    "tpu.region"() ({
      %run_scoped3A_95 = tpu.sem_alloc : memref<!tpu.dma_semaphore, #tpu.memory_space<semaphore_mem>>
      %dma_start3A_96 = arith.constant 0 : i32
      %dma_start3A_97 = tpu.memref_slice %arg9[%run_scoped3A_34, %dma_start3A_96] : memref<2x8192xf32, #tpu.memory_space<vmem>> -> memref<1x8192xf32, #tpu.memory_space<vmem>>
      %dma_start3A_98 = tpu.memref_squeeze %dma_start3A_97 : memref<1x8192xf32, #tpu.memory_space<vmem>> -> memref<8192xf32, #tpu.memory_space<vmem>>
      %dma_start3A_99 = tpu.memref_slice %arg6[%add3A_25] : memref<1048576xf32, #tpu.memory_space<hbm>> -> memref<8192xf32, #tpu.memory_space<hbm>>
      %dma_start3A_100 = tpu.memref_slice %arg6[%add3A_25] : memref<1048576xf32, #tpu.memory_space<hbm>> -> memref<8192xf32, #tpu.memory_space<hbm>>
      %dma_start3A_101 = arith.constant 0 : i32
      %dma_start3A_102 = tpu.memref_slice %arg9[%run_scoped3A_34, %dma_start3A_101] : memref<2x8192xf32, #tpu.memory_space<vmem>> -> memref<1x8192xf32, #tpu.memory_space<vmem>>
      %dma_start3A_103 = tpu.memref_squeeze %dma_start3A_102 : memref<1x8192xf32, #tpu.memory_space<vmem>> -> memref<8192xf32, #tpu.memory_space<vmem>>
      tpu.enqueue_dma source(%dma_start3A_103 : memref<8192xf32, #tpu.memory_space<vmem>>) target(%dma_start3A_100 : memref<8192xf32, #tpu.memory_space<hbm>>) target_semaphore(%run_scoped3A_95 : memref<!tpu.dma_semaphore, #tpu.memory_space<semaphore_mem>>)
      %dma_wait3A_104 = arith.constant 0 : i32
      %dma_wait3A_105 = tpu.memref_slice %arg9[%run_scoped3A_34, %dma_wait3A_104] : memref<2x8192xf32, #tpu.memory_space<vmem>> -> memref<1x8192xf32, #tpu.memory_space<vmem>>
      %dma_wait3A_106 = tpu.memref_squeeze %dma_wait3A_105 : memref<1x8192xf32, #tpu.memory_space<vmem>> -> memref<8192xf32, #tpu.memory_space<vmem>>
      %dma_wait3A_107 = tpu.memref_slice %arg6[%add3A_25] : memref<1048576xf32, #tpu.memory_space<hbm>> -> memref<8192xf32, #tpu.memory_space<hbm>>
      %dma_wait3A_108 = tpu.memref_slice %arg6[%add3A_25] : memref<1048576xf32, #tpu.memory_space<hbm>> -> memref<8192xf32, #tpu.memory_space<hbm>>
      %dma_wait3A_109 = arith.constant 0 : i32
      %dma_wait3A_110 = tpu.memref_slice %arg9[%run_scoped3A_34, %dma_wait3A_109] : memref<2x8192xf32, #tpu.memory_space<vmem>> -> memref<1x8192xf32, #tpu.memory_space<vmem>>
      %dma_wait3A_111 = tpu.memref_squeeze %dma_wait3A_110 : memref<1x8192xf32, #tpu.memory_space<vmem>> -> memref<8192xf32, #tpu.memory_space<vmem>>
      tpu.wait_dma2 semaphore(%run_scoped3A_95 : memref<!tpu.dma_semaphore, #tpu.memory_space<semaphore_mem>>) src(%dma_wait3A_111 : memref<8192xf32, #tpu.memory_space<vmem>>) dst(%dma_wait3A_108 : memref<8192xf32, #tpu.memory_space<hbm>>)
      tpu.yield
    }) : () -> ()
    %add3A_35 = arith.constant 16384 : i32
    %add3A_36 = arith.addi %mul3A_2, %add3A_35 : i32
    %run_scoped3A_37 = arith.constant 0 : i32
    "tpu.region"() ({
      %run_scoped3A_95 = tpu.sem_alloc : memref<!tpu.dma_semaphore, #tpu.memory_space<semaphore_mem>>
      %dma_start3A_96 = arith.constant 0 : i32
      %dma_start3A_97 = tpu.memref_slice %arg8[%run_scoped3A_37, %dma_start3A_96] : memref<2x8192xf32, #tpu.memory_space<vmem>> -> memref<1x8192xf32, #tpu.memory_space<vmem>>
      %dma_start3A_98 = tpu.memref_squeeze %dma_start3A_97 : memref<1x8192xf32, #tpu.memory_space<vmem>> -> memref<8192xf32, #tpu.memory_space<vmem>>
      %dma_start3A_99 = tpu.memref_slice %arg3[%add3A_36] : memref<1048576xf32, #tpu.memory_space<hbm>> -> memref<8192xf32, #tpu.memory_space<hbm>>
      %dma_start3A_100 = arith.constant 0 : i32
      %dma_start3A_101 = tpu.memref_slice %arg8[%run_scoped3A_37, %dma_start3A_100] : memref<2x8192xf32, #tpu.memory_space<vmem>> -> memref<1x8192xf32, #tpu.memory_space<vmem>>
      %dma_start3A_102 = tpu.memref_squeeze %dma_start3A_101 : memref<1x8192xf32, #tpu.memory_space<vmem>> -> memref<8192xf32, #tpu.memory_space<vmem>>
      %dma_start3A_103 = tpu.memref_slice %arg3[%add3A_36] : memref<1048576xf32, #tpu.memory_space<hbm>> -> memref<8192xf32, #tpu.memory_space<hbm>>
      tpu.enqueue_dma source(%dma_start3A_103 : memref<8192xf32, #tpu.memory_space<hbm>>) target(%dma_start3A_102 : memref<8192xf32, #tpu.memory_space<vmem>>) target_semaphore(%run_scoped3A_95 : memref<!tpu.dma_semaphore, #tpu.memory_space<semaphore_mem>>)
      %dma_wait3A_104 = arith.constant 0 : i32
      %dma_wait3A_105 = tpu.memref_slice %arg8[%run_scoped3A_37, %dma_wait3A_104] : memref<2x8192xf32, #tpu.memory_space<vmem>> -> memref<1x8192xf32, #tpu.memory_space<vmem>>
      %dma_wait3A_106 = tpu.memref_squeeze %dma_wait3A_105 : memref<1x8192xf32, #tpu.memory_space<vmem>> -> memref<8192xf32, #tpu.memory_space<vmem>>
      %dma_wait3A_107 = tpu.memref_slice %arg3[%add3A_36] : memref<1048576xf32, #tpu.memory_space<hbm>> -> memref<8192xf32, #tpu.memory_space<hbm>>
      %dma_wait3A_108 = arith.constant 0 : i32
      %dma_wait3A_109 = tpu.memref_slice %arg8[%run_scoped3A_37, %dma_wait3A_108] : memref<2x8192xf32, #tpu.memory_space<vmem>> -> memref<1x8192xf32, #tpu.memory_space<vmem>>
      %dma_wait3A_110 = tpu.memref_squeeze %dma_wait3A_109 : memref<1x8192xf32, #tpu.memory_space<vmem>> -> memref<8192xf32, #tpu.memory_space<vmem>>
      %dma_wait3A_111 = tpu.memref_slice %arg3[%add3A_36] : memref<1048576xf32, #tpu.memory_space<hbm>> -> memref<8192xf32, #tpu.memory_space<hbm>>
      tpu.wait_dma2 semaphore(%run_scoped3A_95 : memref<!tpu.dma_semaphore, #tpu.memory_space<semaphore_mem>>) src(%dma_wait3A_111 : memref<8192xf32, #tpu.memory_space<hbm>>) dst(%dma_wait3A_110 : memref<8192xf32, #tpu.memory_space<vmem>>)
      tpu.yield
    }) : () -> ()
    %run_scoped3A_38 = arith.constant 0 : i32
    "tpu.region"() ({
      %run_scoped3A_95 = tpu.sem_alloc : memref<!tpu.dma_semaphore, #tpu.memory_space<semaphore_mem>>
      %dma_start3A_96 = arith.constant 0 : i32
      %dma_start3A_97 = tpu.memref_slice %arg9[%run_scoped3A_38, %dma_start3A_96] : memref<2x8192xf32, #tpu.memory_space<vmem>> -> memref<1x8192xf32, #tpu.memory_space<vmem>>
      %dma_start3A_98 = tpu.memref_squeeze %dma_start3A_97 : memref<1x8192xf32, #tpu.memory_space<vmem>> -> memref<8192xf32, #tpu.memory_space<vmem>>
      %dma_start3A_99 = tpu.memref_slice %arg4[%add3A_36] : memref<1048576xf32, #tpu.memory_space<hbm>> -> memref<8192xf32, #tpu.memory_space<hbm>>
      %dma_start3A_100 = arith.constant 0 : i32
      %dma_start3A_101 = tpu.memref_slice %arg9[%run_scoped3A_38, %dma_start3A_100] : memref<2x8192xf32, #tpu.memory_space<vmem>> -> memref<1x8192xf32, #tpu.memory_space<vmem>>
      %dma_start3A_102 = tpu.memref_squeeze %dma_start3A_101 : memref<1x8192xf32, #tpu.memory_space<vmem>> -> memref<8192xf32, #tpu.memory_space<vmem>>
      %dma_start3A_103 = tpu.memref_slice %arg4[%add3A_36] : memref<1048576xf32, #tpu.memory_space<hbm>> -> memref<8192xf32, #tpu.memory_space<hbm>>
      tpu.enqueue_dma source(%dma_start3A_103 : memref<8192xf32, #tpu.memory_space<hbm>>) target(%dma_start3A_102 : memref<8192xf32, #tpu.memory_space<vmem>>) target_semaphore(%run_scoped3A_95 : memref<!tpu.dma_semaphore, #tpu.memory_space<semaphore_mem>>)
      %dma_wait3A_104 = arith.constant 0 : i32
      %dma_wait3A_105 = tpu.memref_slice %arg9[%run_scoped3A_38, %dma_wait3A_104] : memref<2x8192xf32, #tpu.memory_space<vmem>> -> memref<1x8192xf32, #tpu.memory_space<vmem>>
      %dma_wait3A_106 = tpu.memref_squeeze %dma_wait3A_105 : memref<1x8192xf32, #tpu.memory_space<vmem>> -> memref<8192xf32, #tpu.memory_space<vmem>>
      %dma_wait3A_107 = tpu.memref_slice %arg4[%add3A_36] : memref<1048576xf32, #tpu.memory_space<hbm>> -> memref<8192xf32, #tpu.memory_space<hbm>>
      %dma_wait3A_108 = arith.constant 0 : i32
      %dma_wait3A_109 = tpu.memref_slice %arg9[%run_scoped3A_38, %dma_wait3A_108] : memref<2x8192xf32, #tpu.memory_space<vmem>> -> memref<1x8192xf32, #tpu.memory_space<vmem>>
      %dma_wait3A_110 = tpu.memref_squeeze %dma_wait3A_109 : memref<1x8192xf32, #tpu.memory_space<vmem>> -> memref<8192xf32, #tpu.memory_space<vmem>>
      %dma_wait3A_111 = tpu.memref_slice %arg4[%add3A_36] : memref<1048576xf32, #tpu.memory_space<hbm>> -> memref<8192xf32, #tpu.memory_space<hbm>>
      tpu.wait_dma2 semaphore(%run_scoped3A_95 : memref<!tpu.dma_semaphore, #tpu.memory_space<semaphore_mem>>) src(%dma_wait3A_111 : memref<8192xf32, #tpu.memory_space<hbm>>) dst(%dma_wait3A_110 : memref<8192xf32, #tpu.memory_space<vmem>>)
      tpu.yield
    }) : () -> ()
    %parallel_loop3A_39 = arith.constant 0 : i32
    %parallel_loop3A_40 = arith.constant 512 : i32
    %parallel_loop3A_41 = arith.constant 1 : i32
    %parallel_loop3A_42 = arith.constant 0 : i32
    %parallel_loop3A_43 = arith.constant 0 : i32
    scf.for %parallel_loop3A_95 = %parallel_loop3A_39 to %parallel_loop3A_40 step %parallel_loop3A_41  : i32 {
      %parallel_loop3A_96 = arith.constant 16 : i32
      %parallel_loop3A_97 = arith.muli %parallel_loop3A_95, %parallel_loop3A_96 : i32
      %parallel_loop3A_98 = arith.constant 0 : i32
      %parallel_loop3A_99 = tpu.memref_slice %arg9[%parallel_loop3A_42, %parallel_loop3A_98] : memref<2x8192xf32, #tpu.memory_space<vmem>> -> memref<1x8192xf32, #tpu.memory_space<vmem>>
      %parallel_loop3A_100 = tpu.memref_squeeze %parallel_loop3A_99 : memref<1x8192xf32, #tpu.memory_space<vmem>> -> memref<8192xf32, #tpu.memory_space<vmem>>
      %parallel_loop3A_101 = arith.index_cast %parallel_loop3A_97 : i32 to index
      %parallel_loop3A_102 = tpu.vector_load %parallel_loop3A_100[%parallel_loop3A_101] {strides = array<i32>} : memref<8192xf32, #tpu.memory_space<vmem>>, vector<16xf32>,
      %parallel_loop3A_103 = vector.shape_cast %parallel_loop3A_102 : vector<16xf32> to vector<16xf32>
      %parallel_loop3A_104 = arith.constant 1.023000e+03 : f32
      %parallel_loop3A_105 = vector.broadcast %parallel_loop3A_104 : f32 to vector<16xf32>
      %parallel_loop3A_106 = arith.mulf %parallel_loop3A_103, %parallel_loop3A_105 : vector<16xf32>
      %parallel_loop3A_107 = arith.fptosi %parallel_loop3A_106 : vector<16xf32> to vector<16xi32>
      %parallel_loop3A_108 = arith.constant 0 : i32
      %parallel_loop3A_109 = arith.constant 1023 : i32
      %parallel_loop3A_110 = vector.broadcast %parallel_loop3A_108 : i32 to vector<16xi32>
      %parallel_loop3A_111 = arith.maxsi %parallel_loop3A_110, %parallel_loop3A_107 : vector<16xi32>
      %parallel_loop3A_112 = vector.broadcast %parallel_loop3A_109 : i32 to vector<16xi32>
      %parallel_loop3A_113 = arith.minsi %parallel_loop3A_112, %parallel_loop3A_111 : vector<16xi32>
      %parallel_loop3A_114 = arith.constant 0 : i32
      %parallel_loop3A_115 = tpu.memref_slice %arg8[%parallel_loop3A_43, %parallel_loop3A_114] : memref<2x8192xf32, #tpu.memory_space<vmem>> -> memref<1x8192xf32, #tpu.memory_space<vmem>>
      %parallel_loop3A_116 = tpu.memref_squeeze %parallel_loop3A_115 : memref<1x8192xf32, #tpu.memory_space<vmem>> -> memref<8192xf32, #tpu.memory_space<vmem>>
      %parallel_loop3A_117 = arith.index_cast %parallel_loop3A_97 : i32 to index
      %parallel_loop3A_118 = tpu.vector_load %parallel_loop3A_116[%parallel_loop3A_117] {strides = array<i32>} : memref<8192xf32, #tpu.memory_space<vmem>>, vector<16xf32>,
      %parallel_loop3A_119 = vector.shape_cast %parallel_loop3A_118 : vector<16xf32> to vector<16xf32>
      %parallel_loop3A_120 = arith.constant 1.023000e+03 : f32
      %parallel_loop3A_121 = vector.broadcast %parallel_loop3A_120 : f32 to vector<16xf32>
      %parallel_loop3A_122 = arith.mulf %parallel_loop3A_119, %parallel_loop3A_121 : vector<16xf32>
      %parallel_loop3A_123 = arith.fptosi %parallel_loop3A_122 : vector<16xf32> to vector<16xi32>
      %parallel_loop3A_124 = arith.constant 0 : i32
      %parallel_loop3A_125 = arith.constant 1023 : i32
      %parallel_loop3A_126 = vector.broadcast %parallel_loop3A_124 : i32 to vector<16xi32>
      %parallel_loop3A_127 = arith.maxsi %parallel_loop3A_126, %parallel_loop3A_123 : vector<16xi32>
      %parallel_loop3A_128 = vector.broadcast %parallel_loop3A_125 : i32 to vector<16xi32>
      %parallel_loop3A_129 = arith.minsi %parallel_loop3A_128, %parallel_loop3A_127 : vector<16xi32>
      %parallel_loop3A_130 = arith.constant 1024 : i32
      %parallel_loop3A_131 = vector.broadcast %parallel_loop3A_130 : i32 to vector<16xi32>
      %parallel_loop3A_132 = arith.muli %parallel_loop3A_113, %parallel_loop3A_131 : vector<16xi32>
      %parallel_loop3A_133 = arith.addi %parallel_loop3A_132, %parallel_loop3A_129 : vector<16xi32>
      %parallel_loop3A_134 = arith.index_cast %parallel_loop3A_97 : i32 to index
      %parallel_loop3A_135 = tpu.vector_load %arg11[%parallel_loop3A_134] {strides = array<i32>} : memref<8192xi32, #tpu.memory_space<vmem>>, vector<16xi32>,
      %parallel_loop3A_136 = vector.shape_cast %parallel_loop3A_135 : vector<16xi32> to vector<16xi32>
      %parallel_loop3A_137 = vector.shape_cast %parallel_loop3A_133 : vector<16xi32> to vector<16xi32>
      tpu.vector_store %arg11[%parallel_loop3A_134], %parallel_loop3A_137 {strides = array<i32>} : memref<8192xi32, #tpu.memory_space<vmem>>, vector<16xi32>,
    } {sc.loop_unroll_factor = 4 : i64, sc.parallel_access}
    %dma_start3A_44 = arith.constant 0 : i32
    %dma_start3A_45 = tpu.memref_slice %arg5[%dma_start3A_44] : memref<1048576xf32, #tpu.memory_space<hbm>> -> memref<1048576xf32, #tpu.memory_space<hbm>>
    tpu.enqueue_indirect_dma source(%dma_start3A_45 : memref<1048576xf32, #tpu.memory_space<hbm>>) target(%arg13 : memref<8192xf32, #tpu.memory_space<vmem>>) offsets(%arg11 : memref<8192xi32, #tpu.memory_space<vmem>>) semaphore(%arg15 : memref<!tpu.dma_semaphore, #tpu.memory_space<semaphore_mem>>)
    %run_scoped3A_46 = arith.constant 0 : i32
    "tpu.region"() ({
      %run_scoped3A_95 = tpu.sem_alloc : memref<!tpu.dma_semaphore, #tpu.memory_space<semaphore_mem>>
      %dma_start3A_96 = arith.constant 0 : i32
      %dma_start3A_97 = tpu.memref_slice %arg10[%run_scoped3A_46, %dma_start3A_96] : memref<2x8192xf32, #tpu.memory_space<vmem>> -> memref<1x8192xf32, #tpu.memory_space<vmem>>
      %dma_start3A_98 = tpu.memref_squeeze %dma_start3A_97 : memref<1x8192xf32, #tpu.memory_space<vmem>> -> memref<8192xf32, #tpu.memory_space<vmem>>
      %dma_start3A_99 = tpu.memref_slice %arg2[%add3A_36] : memref<1048576xf32, #tpu.memory_space<hbm>> -> memref<8192xf32, #tpu.memory_space<hbm>>
      %dma_start3A_100 = arith.constant 0 : i32
      %dma_start3A_101 = tpu.memref_slice %arg10[%run_scoped3A_46, %dma_start3A_100] : memref<2x8192xf32, #tpu.memory_space<vmem>> -> memref<1x8192xf32, #tpu.memory_space<vmem>>
      %dma_start3A_102 = tpu.memref_squeeze %dma_start3A_101 : memref<1x8192xf32, #tpu.memory_space<vmem>> -> memref<8192xf32, #tpu.memory_space<vmem>>
      %dma_start3A_103 = tpu.memref_slice %arg2[%add3A_36] : memref<1048576xf32, #tpu.memory_space<hbm>> -> memref<8192xf32, #tpu.memory_space<hbm>>
      tpu.enqueue_dma source(%dma_start3A_103 : memref<8192xf32, #tpu.memory_space<hbm>>) target(%dma_start3A_102 : memref<8192xf32, #tpu.memory_space<vmem>>) target_semaphore(%run_scoped3A_95 : memref<!tpu.dma_semaphore, #tpu.memory_space<semaphore_mem>>)
      %dma_wait3A_104 = arith.constant 0 : i32
      %dma_wait3A_105 = tpu.memref_slice %arg10[%run_scoped3A_46, %dma_wait3A_104] : memref<2x8192xf32, #tpu.memory_space<vmem>> -> memref<1x8192xf32, #tpu.memory_space<vmem>>
      %dma_wait3A_106 = tpu.memref_squeeze %dma_wait3A_105 : memref<1x8192xf32, #tpu.memory_space<vmem>> -> memref<8192xf32, #tpu.memory_space<vmem>>
      %dma_wait3A_107 = tpu.memref_slice %arg2[%add3A_36] : memref<1048576xf32, #tpu.memory_space<hbm>> -> memref<8192xf32, #tpu.memory_space<hbm>>
      %dma_wait3A_108 = arith.constant 0 : i32
      %dma_wait3A_109 = tpu.memref_slice %arg10[%run_scoped3A_46, %dma_wait3A_108] : memref<2x8192xf32, #tpu.memory_space<vmem>> -> memref<1x8192xf32, #tpu.memory_space<vmem>>
      %dma_wait3A_110 = tpu.memref_squeeze %dma_wait3A_109 : memref<1x8192xf32, #tpu.memory_space<vmem>> -> memref<8192xf32, #tpu.memory_space<vmem>>
      %dma_wait3A_111 = tpu.memref_slice %arg2[%add3A_36] : memref<1048576xf32, #tpu.memory_space<hbm>> -> memref<8192xf32, #tpu.memory_space<hbm>>
      tpu.wait_dma2 semaphore(%run_scoped3A_95 : memref<!tpu.dma_semaphore, #tpu.memory_space<semaphore_mem>>) src(%dma_wait3A_111 : memref<8192xf32, #tpu.memory_space<hbm>>) dst(%dma_wait3A_110 : memref<8192xf32, #tpu.memory_space<vmem>>)
      tpu.yield
    }) : () -> ()
    %add3A_47 = arith.constant 8192 : i32
    %add3A_48 = arith.addi %mul3A_2, %add3A_47 : i32
    %dma_wait3A_49 = arith.constant 0 : i32
    %dma_wait3A_50 = tpu.memref_slice %arg5[%dma_wait3A_49] : memref<1048576xf32, #tpu.memory_space<hbm>> -> memref<1048576xf32, #tpu.memory_space<hbm>>
    tpu.wait_indirect_dma semaphore(%arg16 : memref<!tpu.dma_semaphore, #tpu.memory_space<semaphore_mem>>) src(%dma_wait3A_50 : memref<1048576xf32, #tpu.memory_space<hbm>>) dst(%arg14 : memref<8192xf32, #tpu.memory_space<vmem>>)
    %parallel_loop3A_51 = arith.constant 0 : i32
    %parallel_loop3A_52 = arith.constant 512 : i32
    %parallel_loop3A_53 = arith.constant 1 : i32
    %parallel_loop3A_54 = arith.constant 1 : i32
    %parallel_loop3A_55 = arith.constant 1 : i32
    %parallel_loop3A_56 = arith.constant 1 : i32
    scf.for %parallel_loop3A_95 = %parallel_loop3A_51 to %parallel_loop3A_52 step %parallel_loop3A_53  : i32 {
      %parallel_loop3A_96 = arith.constant 16 : i32
      %parallel_loop3A_97 = arith.muli %parallel_loop3A_95, %parallel_loop3A_96 : i32
      %parallel_loop3A_98 = arith.index_cast %parallel_loop3A_97 : i32 to index
      %parallel_loop3A_99 = tpu.vector_load %arg14[%parallel_loop3A_98] {strides = array<i32>} : memref<8192xf32, #tpu.memory_space<vmem>>, vector<16xf32>,
      %parallel_loop3A_100 = vector.shape_cast %parallel_loop3A_99 : vector<16xf32> to vector<16xf32>
      %parallel_loop3A_101 = tpu.bitcast %parallel_loop3A_100 : vector<16xf32> -> vector<16xi32>
      %parallel_loop3A_102 = arith.constant 1 : i32
      %parallel_loop3A_103 = vector.broadcast %parallel_loop3A_102 : i32 to vector<16xi32>
      %parallel_loop3A_104 = arith.andi %parallel_loop3A_101, %parallel_loop3A_103 : vector<16xi32>
      %parallel_loop3A_105 = arith.sitofp %parallel_loop3A_104 : vector<16xi32> to vector<16xf32>
      %parallel_loop3A_106 = arith.constant -2 : i32
      %parallel_loop3A_107 = vector.broadcast %parallel_loop3A_106 : i32 to vector<16xi32>
      %parallel_loop3A_108 = arith.andi %parallel_loop3A_101, %parallel_loop3A_107 : vector<16xi32>
      %parallel_loop3A_109 = tpu.bitcast %parallel_loop3A_108 : vector<16xi32> -> vector<16xf32>
      %parallel_loop3A_110 = arith.constant 0 : i32
      %parallel_loop3A_111 = tpu.memref_slice %arg8[%parallel_loop3A_54, %parallel_loop3A_110] : memref<2x8192xf32, #tpu.memory_space<vmem>> -> memref<1x8192xf32, #tpu.memory_space<vmem>>
      %parallel_loop3A_112 = tpu.memref_squeeze %parallel_loop3A_111 : memref<1x8192xf32, #tpu.memory_space<vmem>> -> memref<8192xf32, #tpu.memory_space<vmem>>
      %parallel_loop3A_113 = arith.index_cast %parallel_loop3A_97 : i32 to index
      %parallel_loop3A_114 = tpu.vector_load %parallel_loop3A_112[%parallel_loop3A_113] {strides = array<i32>} : memref<8192xf32, #tpu.memory_space<vmem>>, vector<16xf32>,
      %parallel_loop3A_115 = vector.shape_cast %parallel_loop3A_114 : vector<16xf32> to vector<16xf32>
      %parallel_loop3A_116 = arith.constant 0 : i32
      %parallel_loop3A_117 = tpu.memref_slice %arg10[%parallel_loop3A_55, %parallel_loop3A_116] : memref<2x8192xf32, #tpu.memory_space<vmem>> -> memref<1x8192xf32, #tpu.memory_space<vmem>>
      %parallel_loop3A_118 = tpu.memref_squeeze %parallel_loop3A_117 : memref<1x8192xf32, #tpu.memory_space<vmem>> -> memref<8192xf32, #tpu.memory_space<vmem>>
      %parallel_loop3A_119 = arith.index_cast %parallel_loop3A_97 : i32 to index
      %parallel_loop3A_120 = tpu.vector_load %parallel_loop3A_118[%parallel_loop3A_119] {strides = array<i32>} : memref<8192xf32, #tpu.memory_space<vmem>>, vector<16xf32>,
      %parallel_loop3A_121 = vector.shape_cast %parallel_loop3A_120 : vector<16xf32> to vector<16xf32>
      %parallel_loop3A_122 = arith.addf %parallel_loop3A_109, %parallel_loop3A_121 : vector<16xf32>
      %parallel_loop3A_123 = arith.constant 5.000000e-14 : f32
      %parallel_loop3A_124 = vector.broadcast %parallel_loop3A_123 : f32 to vector<16xf32>
      %parallel_loop3A_125 = arith.divf %parallel_loop3A_122, %parallel_loop3A_124 : vector<16xf32>
      %parallel_loop3A_126 = arith.constant 9.99999997E-7 : f32
      %parallel_loop3A_127 = vector.broadcast %parallel_loop3A_126 : f32 to vector<16xf32>
      %parallel_loop3A_128 = arith.mulf %parallel_loop3A_125, %parallel_loop3A_127 : vector<16xf32>
      %parallel_loop3A_129 = arith.addf %parallel_loop3A_115, %parallel_loop3A_128 : vector<16xf32>
      %parallel_loop3A_130 = arith.constant 0.000000e+00 : f32
      %parallel_loop3A_131 = arith.constant 1.000000e+00 : f32
      %parallel_loop3A_132 = vector.broadcast %parallel_loop3A_130 : f32 to vector<16xf32>
      %parallel_loop3A_133 = arith.maximumf %parallel_loop3A_132, %parallel_loop3A_129 : vector<16xf32>
      %parallel_loop3A_134 = vector.broadcast %parallel_loop3A_131 : f32 to vector<16xf32>
      %parallel_loop3A_135 = arith.minimumf %parallel_loop3A_134, %parallel_loop3A_133 : vector<16xf32>
      %parallel_loop3A_136 = arith.constant 0 : i32
      %parallel_loop3A_137 = tpu.memref_slice %arg8[%parallel_loop3A_54, %parallel_loop3A_136] : memref<2x8192xf32, #tpu.memory_space<vmem>> -> memref<1x8192xf32, #tpu.memory_space<vmem>>
      %parallel_loop3A_138 = tpu.memref_squeeze %parallel_loop3A_137 : memref<1x8192xf32, #tpu.memory_space<vmem>> -> memref<8192xf32, #tpu.memory_space<vmem>>
      %parallel_loop3A_139 = arith.index_cast %parallel_loop3A_97 : i32 to index
      %parallel_loop3A_140 = tpu.vector_load %parallel_loop3A_138[%parallel_loop3A_139] {strides = array<i32>} : memref<8192xf32, #tpu.memory_space<vmem>>, vector<16xf32>,
      %parallel_loop3A_141 = vector.shape_cast %parallel_loop3A_140 : vector<16xf32> to vector<16xf32>
      %parallel_loop3A_142 = vector.shape_cast %parallel_loop3A_135 : vector<16xf32> to vector<16xf32>
      tpu.vector_store %parallel_loop3A_138[%parallel_loop3A_139], %parallel_loop3A_142 {strides = array<i32>} : memref<8192xf32, #tpu.memory_space<vmem>>, vector<16xf32>,
      %parallel_loop3A_143 = arith.constant 0 : i32
      %parallel_loop3A_144 = tpu.memref_slice %arg9[%parallel_loop3A_56, %parallel_loop3A_143] : memref<2x8192xf32, #tpu.memory_space<vmem>> -> memref<1x8192xf32, #tpu.memory_space<vmem>>
      %parallel_loop3A_145 = tpu.memref_squeeze %parallel_loop3A_144 : memref<1x8192xf32, #tpu.memory_space<vmem>> -> memref<8192xf32, #tpu.memory_space<vmem>>
      %parallel_loop3A_146 = arith.index_cast %parallel_loop3A_97 : i32 to index
      %parallel_loop3A_147 = tpu.vector_load %parallel_loop3A_145[%parallel_loop3A_146] {strides = array<i32>} : memref<8192xf32, #tpu.memory_space<vmem>>, vector<16xf32>,
      %parallel_loop3A_148 = vector.shape_cast %parallel_loop3A_147 : vector<16xf32> to vector<16xf32>
      %parallel_loop3A_149 = vector.shape_cast %parallel_loop3A_105 : vector<16xf32> to vector<16xf32>
      tpu.vector_store %parallel_loop3A_145[%parallel_loop3A_146], %parallel_loop3A_149 {strides = array<i32>} : memref<8192xf32, #tpu.memory_space<vmem>>, vector<16xf32>,
    } {sc.loop_unroll_factor = 4 : i64, sc.parallel_access}
    %run_scoped3A_57 = arith.constant 1 : i32
    "tpu.region"() ({
      %run_scoped3A_95 = tpu.sem_alloc : memref<!tpu.dma_semaphore, #tpu.memory_space<semaphore_mem>>
      %dma_start3A_96 = arith.constant 0 : i32
      %dma_start3A_97 = tpu.memref_slice %arg8[%run_scoped3A_57, %dma_start3A_96] : memref<2x8192xf32, #tpu.memory_space<vmem>> -> memref<1x8192xf32, #tpu.memory_space<vmem>>
      %dma_start3A_98 = tpu.memref_squeeze %dma_start3A_97 : memref<1x8192xf32, #tpu.memory_space<vmem>> -> memref<8192xf32, #tpu.memory_space<vmem>>
      %dma_start3A_99 = tpu.memref_slice %arg7[%add3A_48] : memref<1048576xf32, #tpu.memory_space<hbm>> -> memref<8192xf32, #tpu.memory_space<hbm>>
      %dma_start3A_100 = tpu.memref_slice %arg7[%add3A_48] : memref<1048576xf32, #tpu.memory_space<hbm>> -> memref<8192xf32, #tpu.memory_space<hbm>>
      %dma_start3A_101 = arith.constant 0 : i32
      %dma_start3A_102 = tpu.memref_slice %arg8[%run_scoped3A_57, %dma_start3A_101] : memref<2x8192xf32, #tpu.memory_space<vmem>> -> memref<1x8192xf32, #tpu.memory_space<vmem>>
      %dma_start3A_103 = tpu.memref_squeeze %dma_start3A_102 : memref<1x8192xf32, #tpu.memory_space<vmem>> -> memref<8192xf32, #tpu.memory_space<vmem>>
      tpu.enqueue_dma source(%dma_start3A_103 : memref<8192xf32, #tpu.memory_space<vmem>>) target(%dma_start3A_100 : memref<8192xf32, #tpu.memory_space<hbm>>) target_semaphore(%run_scoped3A_95 : memref<!tpu.dma_semaphore, #tpu.memory_space<semaphore_mem>>)
      %dma_wait3A_104 = arith.constant 0 : i32
      %dma_wait3A_105 = tpu.memref_slice %arg8[%run_scoped3A_57, %dma_wait3A_104] : memref<2x8192xf32, #tpu.memory_space<vmem>> -> memref<1x8192xf32, #tpu.memory_space<vmem>>
      %dma_wait3A_106 = tpu.memref_squeeze %dma_wait3A_105 : memref<1x8192xf32, #tpu.memory_space<vmem>> -> memref<8192xf32, #tpu.memory_space<vmem>>
      %dma_wait3A_107 = tpu.memref_slice %arg7[%add3A_48] : memref<1048576xf32, #tpu.memory_space<hbm>> -> memref<8192xf32, #tpu.memory_space<hbm>>
      %dma_wait3A_108 = tpu.memref_slice %arg7[%add3A_48] : memref<1048576xf32, #tpu.memory_space<hbm>> -> memref<8192xf32, #tpu.memory_space<hbm>>
      %dma_wait3A_109 = arith.constant 0 : i32
      %dma_wait3A_110 = tpu.memref_slice %arg8[%run_scoped3A_57, %dma_wait3A_109] : memref<2x8192xf32, #tpu.memory_space<vmem>> -> memref<1x8192xf32, #tpu.memory_space<vmem>>
      %dma_wait3A_111 = tpu.memref_squeeze %dma_wait3A_110 : memref<1x8192xf32, #tpu.memory_space<vmem>> -> memref<8192xf32, #tpu.memory_space<vmem>>
      tpu.wait_dma2 semaphore(%run_scoped3A_95 : memref<!tpu.dma_semaphore, #tpu.memory_space<semaphore_mem>>) src(%dma_wait3A_111 : memref<8192xf32, #tpu.memory_space<vmem>>) dst(%dma_wait3A_108 : memref<8192xf32, #tpu.memory_space<hbm>>)
      tpu.yield
    }) : () -> ()
    %run_scoped3A_58 = arith.constant 1 : i32
    "tpu.region"() ({
      %run_scoped3A_95 = tpu.sem_alloc : memref<!tpu.dma_semaphore, #tpu.memory_space<semaphore_mem>>
      %dma_start3A_96 = arith.constant 0 : i32
      %dma_start3A_97 = tpu.memref_slice %arg9[%run_scoped3A_58, %dma_start3A_96] : memref<2x8192xf32, #tpu.memory_space<vmem>> -> memref<1x8192xf32, #tpu.memory_space<vmem>>
      %dma_start3A_98 = tpu.memref_squeeze %dma_start3A_97 : memref<1x8192xf32, #tpu.memory_space<vmem>> -> memref<8192xf32, #tpu.memory_space<vmem>>
      %dma_start3A_99 = tpu.memref_slice %arg6[%add3A_48] : memref<1048576xf32, #tpu.memory_space<hbm>> -> memref<8192xf32, #tpu.memory_space<hbm>>
      %dma_start3A_100 = tpu.memref_slice %arg6[%add3A_48] : memref<1048576xf32, #tpu.memory_space<hbm>> -> memref<8192xf32, #tpu.memory_space<hbm>>
      %dma_start3A_101 = arith.constant 0 : i32
      %dma_start3A_102 = tpu.memref_slice %arg9[%run_scoped3A_58, %dma_start3A_101] : memref<2x8192xf32, #tpu.memory_space<vmem>> -> memref<1x8192xf32, #tpu.memory_space<vmem>>
      %dma_start3A_103 = tpu.memref_squeeze %dma_start3A_102 : memref<1x8192xf32, #tpu.memory_space<vmem>> -> memref<8192xf32, #tpu.memory_space<vmem>>
      tpu.enqueue_dma source(%dma_start3A_103 : memref<8192xf32, #tpu.memory_space<vmem>>) target(%dma_start3A_100 : memref<8192xf32, #tpu.memory_space<hbm>>) target_semaphore(%run_scoped3A_95 : memref<!tpu.dma_semaphore, #tpu.memory_space<semaphore_mem>>)
      %dma_wait3A_104 = arith.constant 0 : i32
      %dma_wait3A_105 = tpu.memref_slice %arg9[%run_scoped3A_58, %dma_wait3A_104] : memref<2x8192xf32, #tpu.memory_space<vmem>> -> memref<1x8192xf32, #tpu.memory_space<vmem>>
      %dma_wait3A_106 = tpu.memref_squeeze %dma_wait3A_105 : memref<1x8192xf32, #tpu.memory_space<vmem>> -> memref<8192xf32, #tpu.memory_space<vmem>>
      %dma_wait3A_107 = tpu.memref_slice %arg6[%add3A_48] : memref<1048576xf32, #tpu.memory_space<hbm>> -> memref<8192xf32, #tpu.memory_space<hbm>>
      %dma_wait3A_108 = tpu.memref_slice %arg6[%add3A_48] : memref<1048576xf32, #tpu.memory_space<hbm>> -> memref<8192xf32, #tpu.memory_space<hbm>>
      %dma_wait3A_109 = arith.constant 0 : i32
      %dma_wait3A_110 = tpu.memref_slice %arg9[%run_scoped3A_58, %dma_wait3A_109] : memref<2x8192xf32, #tpu.memory_space<vmem>> -> memref<1x8192xf32, #tpu.memory_space<vmem>>
      %dma_wait3A_111 = tpu.memref_squeeze %dma_wait3A_110 : memref<1x8192xf32, #tpu.memory_space<vmem>> -> memref<8192xf32, #tpu.memory_space<vmem>>
      tpu.wait_dma2 semaphore(%run_scoped3A_95 : memref<!tpu.dma_semaphore, #tpu.memory_space<semaphore_mem>>) src(%dma_wait3A_111 : memref<8192xf32, #tpu.memory_space<vmem>>) dst(%dma_wait3A_108 : memref<8192xf32, #tpu.memory_space<hbm>>)
      tpu.yield
    }) : () -> ()
    %add3A_59 = arith.constant 24576 : i32
    %add3A_60 = arith.addi %mul3A_2, %add3A_59 : i32
    %run_scoped3A_61 = arith.constant 1 : i32
    "tpu.region"() ({
      %run_scoped3A_95 = tpu.sem_alloc : memref<!tpu.dma_semaphore, #tpu.memory_space<semaphore_mem>>
      %dma_start3A_96 = arith.constant 0 : i32
      %dma_start3A_97 = tpu.memref_slice %arg8[%run_scoped3A_61, %dma_start3A_96] : memref<2x8192xf32, #tpu.memory_space<vmem>> -> memref<1x8192xf32, #tpu.memory_space<vmem>>
      %dma_start3A_98 = tpu.memref_squeeze %dma_start3A_97 : memref<1x8192xf32, #tpu.memory_space<vmem>> -> memref<8192xf32, #tpu.memory_space<vmem>>
      %dma_start3A_99 = tpu.memref_slice %arg3[%add3A_60] : memref<1048576xf32, #tpu.memory_space<hbm>> -> memref<8192xf32, #tpu.memory_space<hbm>>
      %dma_start3A_100 = arith.constant 0 : i32
      %dma_start3A_101 = tpu.memref_slice %arg8[%run_scoped3A_61, %dma_start3A_100] : memref<2x8192xf32, #tpu.memory_space<vmem>> -> memref<1x8192xf32, #tpu.memory_space<vmem>>
      %dma_start3A_102 = tpu.memref_squeeze %dma_start3A_101 : memref<1x8192xf32, #tpu.memory_space<vmem>> -> memref<8192xf32, #tpu.memory_space<vmem>>
      %dma_start3A_103 = tpu.memref_slice %arg3[%add3A_60] : memref<1048576xf32, #tpu.memory_space<hbm>> -> memref<8192xf32, #tpu.memory_space<hbm>>
      tpu.enqueue_dma source(%dma_start3A_103 : memref<8192xf32, #tpu.memory_space<hbm>>) target(%dma_start3A_102 : memref<8192xf32, #tpu.memory_space<vmem>>) target_semaphore(%run_scoped3A_95 : memref<!tpu.dma_semaphore, #tpu.memory_space<semaphore_mem>>)
      %dma_wait3A_104 = arith.constant 0 : i32
      %dma_wait3A_105 = tpu.memref_slice %arg8[%run_scoped3A_61, %dma_wait3A_104] : memref<2x8192xf32, #tpu.memory_space<vmem>> -> memref<1x8192xf32, #tpu.memory_space<vmem>>
      %dma_wait3A_106 = tpu.memref_squeeze %dma_wait3A_105 : memref<1x8192xf32, #tpu.memory_space<vmem>> -> memref<8192xf32, #tpu.memory_space<vmem>>
      %dma_wait3A_107 = tpu.memref_slice %arg3[%add3A_60] : memref<1048576xf32, #tpu.memory_space<hbm>> -> memref<8192xf32, #tpu.memory_space<hbm>>
      %dma_wait3A_108 = arith.constant 0 : i32
      %dma_wait3A_109 = tpu.memref_slice %arg8[%run_scoped3A_61, %dma_wait3A_108] : memref<2x8192xf32, #tpu.memory_space<vmem>> -> memref<1x8192xf32, #tpu.memory_space<vmem>>
      %dma_wait3A_110 = tpu.memref_squeeze %dma_wait3A_109 : memref<1x8192xf32, #tpu.memory_space<vmem>> -> memref<8192xf32, #tpu.memory_space<vmem>>
      %dma_wait3A_111 = tpu.memref_slice %arg3[%add3A_60] : memref<1048576xf32, #tpu.memory_space<hbm>> -> memref<8192xf32, #tpu.memory_space<hbm>>
      tpu.wait_dma2 semaphore(%run_scoped3A_95 : memref<!tpu.dma_semaphore, #tpu.memory_space<semaphore_mem>>) src(%dma_wait3A_111 : memref<8192xf32, #tpu.memory_space<hbm>>) dst(%dma_wait3A_110 : memref<8192xf32, #tpu.memory_space<vmem>>)
      tpu.yield
    }) : () -> ()
    %run_scoped3A_62 = arith.constant 1 : i32
    "tpu.region"() ({
      %run_scoped3A_95 = tpu.sem_alloc : memref<!tpu.dma_semaphore, #tpu.memory_space<semaphore_mem>>
      %dma_start3A_96 = arith.constant 0 : i32
      %dma_start3A_97 = tpu.memref_slice %arg9[%run_scoped3A_62, %dma_start3A_96] : memref<2x8192xf32, #tpu.memory_space<vmem>> -> memref<1x8192xf32, #tpu.memory_space<vmem>>
      %dma_start3A_98 = tpu.memref_squeeze %dma_start3A_97 : memref<1x8192xf32, #tpu.memory_space<vmem>> -> memref<8192xf32, #tpu.memory_space<vmem>>
      %dma_start3A_99 = tpu.memref_slice %arg4[%add3A_60] : memref<1048576xf32, #tpu.memory_space<hbm>> -> memref<8192xf32, #tpu.memory_space<hbm>>
      %dma_start3A_100 = arith.constant 0 : i32
      %dma_start3A_101 = tpu.memref_slice %arg9[%run_scoped3A_62, %dma_start3A_100] : memref<2x8192xf32, #tpu.memory_space<vmem>> -> memref<1x8192xf32, #tpu.memory_space<vmem>>
      %dma_start3A_102 = tpu.memref_squeeze %dma_start3A_101 : memref<1x8192xf32, #tpu.memory_space<vmem>> -> memref<8192xf32, #tpu.memory_space<vmem>>
      %dma_start3A_103 = tpu.memref_slice %arg4[%add3A_60] : memref<1048576xf32, #tpu.memory_space<hbm>> -> memref<8192xf32, #tpu.memory_space<hbm>>
      tpu.enqueue_dma source(%dma_start3A_103 : memref<8192xf32, #tpu.memory_space<hbm>>) target(%dma_start3A_102 : memref<8192xf32, #tpu.memory_space<vmem>>) target_semaphore(%run_scoped3A_95 : memref<!tpu.dma_semaphore, #tpu.memory_space<semaphore_mem>>)
      %dma_wait3A_104 = arith.constant 0 : i32
      %dma_wait3A_105 = tpu.memref_slice %arg9[%run_scoped3A_62, %dma_wait3A_104] : memref<2x8192xf32, #tpu.memory_space<vmem>> -> memref<1x8192xf32, #tpu.memory_space<vmem>>
      %dma_wait3A_106 = tpu.memref_squeeze %dma_wait3A_105 : memref<1x8192xf32, #tpu.memory_space<vmem>> -> memref<8192xf32, #tpu.memory_space<vmem>>
      %dma_wait3A_107 = tpu.memref_slice %arg4[%add3A_60] : memref<1048576xf32, #tpu.memory_space<hbm>> -> memref<8192xf32, #tpu.memory_space<hbm>>
      %dma_wait3A_108 = arith.constant 0 : i32
      %dma_wait3A_109 = tpu.memref_slice %arg9[%run_scoped3A_62, %dma_wait3A_108] : memref<2x8192xf32, #tpu.memory_space<vmem>> -> memref<1x8192xf32, #tpu.memory_space<vmem>>
      %dma_wait3A_110 = tpu.memref_squeeze %dma_wait3A_109 : memref<1x8192xf32, #tpu.memory_space<vmem>> -> memref<8192xf32, #tpu.memory_space<vmem>>
      %dma_wait3A_111 = tpu.memref_slice %arg4[%add3A_60] : memref<1048576xf32, #tpu.memory_space<hbm>> -> memref<8192xf32, #tpu.memory_space<hbm>>
      tpu.wait_dma2 semaphore(%run_scoped3A_95 : memref<!tpu.dma_semaphore, #tpu.memory_space<semaphore_mem>>) src(%dma_wait3A_111 : memref<8192xf32, #tpu.memory_space<hbm>>) dst(%dma_wait3A_110 : memref<8192xf32, #tpu.memory_space<vmem>>)
      tpu.yield
    }) : () -> ()
    %parallel_loop3A_63 = arith.constant 0 : i32
    %parallel_loop3A_64 = arith.constant 512 : i32
    %parallel_loop3A_65 = arith.constant 1 : i32
    %parallel_loop3A_66 = arith.constant 1 : i32
    %parallel_loop3A_67 = arith.constant 1 : i32
    scf.for %parallel_loop3A_95 = %parallel_loop3A_63 to %parallel_loop3A_64 step %parallel_loop3A_65  : i32 {
      %parallel_loop3A_96 = arith.constant 16 : i32
      %parallel_loop3A_97 = arith.muli %parallel_loop3A_95, %parallel_loop3A_96 : i32
      %parallel_loop3A_98 = arith.constant 0 : i32
      %parallel_loop3A_99 = tpu.memref_slice %arg9[%parallel_loop3A_66, %parallel_loop3A_98] : memref<2x8192xf32, #tpu.memory_space<vmem>> -> memref<1x8192xf32, #tpu.memory_space<vmem>>
      %parallel_loop3A_100 = tpu.memref_squeeze %parallel_loop3A_99 : memref<1x8192xf32, #tpu.memory_space<vmem>> -> memref<8192xf32, #tpu.memory_space<vmem>>
      %parallel_loop3A_101 = arith.index_cast %parallel_loop3A_97 : i32 to index
      %parallel_loop3A_102 = tpu.vector_load %parallel_loop3A_100[%parallel_loop3A_101] {strides = array<i32>} : memref<8192xf32, #tpu.memory_space<vmem>>, vector<16xf32>,
      %parallel_loop3A_103 = vector.shape_cast %parallel_loop3A_102 : vector<16xf32> to vector<16xf32>
      %parallel_loop3A_104 = arith.constant 1.023000e+03 : f32
      %parallel_loop3A_105 = vector.broadcast %parallel_loop3A_104 : f32 to vector<16xf32>
      %parallel_loop3A_106 = arith.mulf %parallel_loop3A_103, %parallel_loop3A_105 : vector<16xf32>
      %parallel_loop3A_107 = arith.fptosi %parallel_loop3A_106 : vector<16xf32> to vector<16xi32>
      %parallel_loop3A_108 = arith.constant 0 : i32
      %parallel_loop3A_109 = arith.constant 1023 : i32
      %parallel_loop3A_110 = vector.broadcast %parallel_loop3A_108 : i32 to vector<16xi32>
      %parallel_loop3A_111 = arith.maxsi %parallel_loop3A_110, %parallel_loop3A_107 : vector<16xi32>
      %parallel_loop3A_112 = vector.broadcast %parallel_loop3A_109 : i32 to vector<16xi32>
      %parallel_loop3A_113 = arith.minsi %parallel_loop3A_112, %parallel_loop3A_111 : vector<16xi32>
      %parallel_loop3A_114 = arith.constant 0 : i32
      %parallel_loop3A_115 = tpu.memref_slice %arg8[%parallel_loop3A_67, %parallel_loop3A_114] : memref<2x8192xf32, #tpu.memory_space<vmem>> -> memref<1x8192xf32, #tpu.memory_space<vmem>>
      %parallel_loop3A_116 = tpu.memref_squeeze %parallel_loop3A_115 : memref<1x8192xf32, #tpu.memory_space<vmem>> -> memref<8192xf32, #tpu.memory_space<vmem>>
      %parallel_loop3A_117 = arith.index_cast %parallel_loop3A_97 : i32 to index
      %parallel_loop3A_118 = tpu.vector_load %parallel_loop3A_116[%parallel_loop3A_117] {strides = array<i32>} : memref<8192xf32, #tpu.memory_space<vmem>>, vector<16xf32>,
      %parallel_loop3A_119 = vector.shape_cast %parallel_loop3A_118 : vector<16xf32> to vector<16xf32>
      %parallel_loop3A_120 = arith.constant 1.023000e+03 : f32
      %parallel_loop3A_121 = vector.broadcast %parallel_loop3A_120 : f32 to vector<16xf32>
      %parallel_loop3A_122 = arith.mulf %parallel_loop3A_119, %parallel_loop3A_121 : vector<16xf32>
      %parallel_loop3A_123 = arith.fptosi %parallel_loop3A_122 : vector<16xf32> to vector<16xi32>
      %parallel_loop3A_124 = arith.constant 0 : i32
      %parallel_loop3A_125 = arith.constant 1023 : i32
      %parallel_loop3A_126 = vector.broadcast %parallel_loop3A_124 : i32 to vector<16xi32>
      %parallel_loop3A_127 = arith.maxsi %parallel_loop3A_126, %parallel_loop3A_123 : vector<16xi32>
      %parallel_loop3A_128 = vector.broadcast %parallel_loop3A_125 : i32 to vector<16xi32>
      %parallel_loop3A_129 = arith.minsi %parallel_loop3A_128, %parallel_loop3A_127 : vector<16xi32>
      %parallel_loop3A_130 = arith.constant 1024 : i32
      %parallel_loop3A_131 = vector.broadcast %parallel_loop3A_130 : i32 to vector<16xi32>
      %parallel_loop3A_132 = arith.muli %parallel_loop3A_113, %parallel_loop3A_131 : vector<16xi32>
      %parallel_loop3A_133 = arith.addi %parallel_loop3A_132, %parallel_loop3A_129 : vector<16xi32>
      %parallel_loop3A_134 = arith.index_cast %parallel_loop3A_97 : i32 to index
      %parallel_loop3A_135 = tpu.vector_load %arg12[%parallel_loop3A_134] {strides = array<i32>} : memref<8192xi32, #tpu.memory_space<vmem>>, vector<16xi32>,
      %parallel_loop3A_136 = vector.shape_cast %parallel_loop3A_135 : vector<16xi32> to vector<16xi32>
      %parallel_loop3A_137 = vector.shape_cast %parallel_loop3A_133 : vector<16xi32> to vector<16xi32>
      tpu.vector_store %arg12[%parallel_loop3A_134], %parallel_loop3A_137 {strides = array<i32>} : memref<8192xi32, #tpu.memory_space<vmem>>, vector<16xi32>,
    } {sc.loop_unroll_factor = 4 : i64, sc.parallel_access}
    %dma_start3A_68 = arith.constant 0 : i32
    %dma_start3A_69 = tpu.memref_slice %arg5[%dma_start3A_68] : memref<1048576xf32, #tpu.memory_space<hbm>> -> memref<1048576xf32, #tpu.memory_space<hbm>>
    tpu.enqueue_indirect_dma source(%dma_start3A_69 : memref<1048576xf32, #tpu.memory_space<hbm>>) target(%arg14 : memref<8192xf32, #tpu.memory_space<vmem>>) offsets(%arg12 : memref<8192xi32, #tpu.memory_space<vmem>>) semaphore(%arg16 : memref<!tpu.dma_semaphore, #tpu.memory_space<semaphore_mem>>)
    %run_scoped3A_70 = arith.constant 1 : i32
    "tpu.region"() ({
      %run_scoped3A_95 = tpu.sem_alloc : memref<!tpu.dma_semaphore, #tpu.memory_space<semaphore_mem>>
      %dma_start3A_96 = arith.constant 0 : i32
      %dma_start3A_97 = tpu.memref_slice %arg10[%run_scoped3A_70, %dma_start3A_96] : memref<2x8192xf32, #tpu.memory_space<vmem>> -> memref<1x8192xf32, #tpu.memory_space<vmem>>
      %dma_start3A_98 = tpu.memref_squeeze %dma_start3A_97 : memref<1x8192xf32, #tpu.memory_space<vmem>> -> memref<8192xf32, #tpu.memory_space<vmem>>
      %dma_start3A_99 = tpu.memref_slice %arg2[%add3A_60] : memref<1048576xf32, #tpu.memory_space<hbm>> -> memref<8192xf32, #tpu.memory_space<hbm>>
      %dma_start3A_100 = arith.constant 0 : i32
      %dma_start3A_101 = tpu.memref_slice %arg10[%run_scoped3A_70, %dma_start3A_100] : memref<2x8192xf32, #tpu.memory_space<vmem>> -> memref<1x8192xf32, #tpu.memory_space<vmem>>
      %dma_start3A_102 = tpu.memref_squeeze %dma_start3A_101 : memref<1x8192xf32, #tpu.memory_space<vmem>> -> memref<8192xf32, #tpu.memory_space<vmem>>
      %dma_start3A_103 = tpu.memref_slice %arg2[%add3A_60] : memref<1048576xf32, #tpu.memory_space<hbm>> -> memref<8192xf32, #tpu.memory_space<hbm>>
      tpu.enqueue_dma source(%dma_start3A_103 : memref<8192xf32, #tpu.memory_space<hbm>>) target(%dma_start3A_102 : memref<8192xf32, #tpu.memory_space<vmem>>) target_semaphore(%run_scoped3A_95 : memref<!tpu.dma_semaphore, #tpu.memory_space<semaphore_mem>>)
      %dma_wait3A_104 = arith.constant 0 : i32
      %dma_wait3A_105 = tpu.memref_slice %arg10[%run_scoped3A_70, %dma_wait3A_104] : memref<2x8192xf32, #tpu.memory_space<vmem>> -> memref<1x8192xf32, #tpu.memory_space<vmem>>
      %dma_wait3A_106 = tpu.memref_squeeze %dma_wait3A_105 : memref<1x8192xf32, #tpu.memory_space<vmem>> -> memref<8192xf32, #tpu.memory_space<vmem>>
      %dma_wait3A_107 = tpu.memref_slice %arg2[%add3A_60] : memref<1048576xf32, #tpu.memory_space<hbm>> -> memref<8192xf32, #tpu.memory_space<hbm>>
      %dma_wait3A_108 = arith.constant 0 : i32
      %dma_wait3A_109 = tpu.memref_slice %arg10[%run_scoped3A_70, %dma_wait3A_108] : memref<2x8192xf32, #tpu.memory_space<vmem>> -> memref<1x8192xf32, #tpu.memory_space<vmem>>
      %dma_wait3A_110 = tpu.memref_squeeze %dma_wait3A_109 : memref<1x8192xf32, #tpu.memory_space<vmem>> -> memref<8192xf32, #tpu.memory_space<vmem>>
      %dma_wait3A_111 = tpu.memref_slice %arg2[%add3A_60] : memref<1048576xf32, #tpu.memory_space<hbm>> -> memref<8192xf32, #tpu.memory_space<hbm>>
      tpu.wait_dma2 semaphore(%run_scoped3A_95 : memref<!tpu.dma_semaphore, #tpu.memory_space<semaphore_mem>>) src(%dma_wait3A_111 : memref<8192xf32, #tpu.memory_space<hbm>>) dst(%dma_wait3A_110 : memref<8192xf32, #tpu.memory_space<vmem>>)
      tpu.yield
    }) : () -> ()
    %add3A_71 = arith.constant 16384 : i32
    %add3A_72 = arith.addi %mul3A_2, %add3A_71 : i32
    %dma_wait3A_73 = arith.constant 0 : i32
    %dma_wait3A_74 = tpu.memref_slice %arg5[%dma_wait3A_73] : memref<1048576xf32, #tpu.memory_space<hbm>> -> memref<1048576xf32, #tpu.memory_space<hbm>>
    tpu.wait_indirect_dma semaphore(%arg15 : memref<!tpu.dma_semaphore, #tpu.memory_space<semaphore_mem>>) src(%dma_wait3A_74 : memref<1048576xf32, #tpu.memory_space<hbm>>) dst(%arg13 : memref<8192xf32, #tpu.memory_space<vmem>>)
    %parallel_loop3A_75 = arith.constant 0 : i32
    %parallel_loop3A_76 = arith.constant 512 : i32
    %parallel_loop3A_77 = arith.constant 1 : i32
    %parallel_loop3A_78 = arith.constant 0 : i32
    %parallel_loop3A_79 = arith.constant 0 : i32
    %parallel_loop3A_80 = arith.constant 0 : i32
    scf.for %parallel_loop3A_95 = %parallel_loop3A_75 to %parallel_loop3A_76 step %parallel_loop3A_77  : i32 {
      %parallel_loop3A_96 = arith.constant 16 : i32
      %parallel_loop3A_97 = arith.muli %parallel_loop3A_95, %parallel_loop3A_96 : i32
      %parallel_loop3A_98 = arith.index_cast %parallel_loop3A_97 : i32 to index
      %parallel_loop3A_99 = tpu.vector_load %arg13[%parallel_loop3A_98] {strides = array<i32>} : memref<8192xf32, #tpu.memory_space<vmem>>, vector<16xf32>,
      %parallel_loop3A_100 = vector.shape_cast %parallel_loop3A_99 : vector<16xf32> to vector<16xf32>
      %parallel_loop3A_101 = tpu.bitcast %parallel_loop3A_100 : vector<16xf32> -> vector<16xi32>
      %parallel_loop3A_102 = arith.constant 1 : i32
      %parallel_loop3A_103 = vector.broadcast %parallel_loop3A_102 : i32 to vector<16xi32>
      %parallel_loop3A_104 = arith.andi %parallel_loop3A_101, %parallel_loop3A_103 : vector<16xi32>
      %parallel_loop3A_105 = arith.sitofp %parallel_loop3A_104 : vector<16xi32> to vector<16xf32>
      %parallel_loop3A_106 = arith.constant -2 : i32
      %parallel_loop3A_107 = vector.broadcast %parallel_loop3A_106 : i32 to vector<16xi32>
      %parallel_loop3A_108 = arith.andi %parallel_loop3A_101, %parallel_loop3A_107 : vector<16xi32>
      %parallel_loop3A_109 = tpu.bitcast %parallel_loop3A_108 : vector<16xi32> -> vector<16xf32>
      %parallel_loop3A_110 = arith.constant 0 : i32
      %parallel_loop3A_111 = tpu.memref_slice %arg8[%parallel_loop3A_78, %parallel_loop3A_110] : memref<2x8192xf32, #tpu.memory_space<vmem>> -> memref<1x8192xf32, #tpu.memory_space<vmem>>
      %parallel_loop3A_112 = tpu.memref_squeeze %parallel_loop3A_111 : memref<1x8192xf32, #tpu.memory_space<vmem>> -> memref<8192xf32, #tpu.memory_space<vmem>>
      %parallel_loop3A_113 = arith.index_cast %parallel_loop3A_97 : i32 to index
      %parallel_loop3A_114 = tpu.vector_load %parallel_loop3A_112[%parallel_loop3A_113] {strides = array<i32>} : memref<8192xf32, #tpu.memory_space<vmem>>, vector<16xf32>,
      %parallel_loop3A_115 = vector.shape_cast %parallel_loop3A_114 : vector<16xf32> to vector<16xf32>
      %parallel_loop3A_116 = arith.constant 0 : i32
      %parallel_loop3A_117 = tpu.memref_slice %arg10[%parallel_loop3A_79, %parallel_loop3A_116] : memref<2x8192xf32, #tpu.memory_space<vmem>> -> memref<1x8192xf32, #tpu.memory_space<vmem>>
      %parallel_loop3A_118 = tpu.memref_squeeze %parallel_loop3A_117 : memref<1x8192xf32, #tpu.memory_space<vmem>> -> memref<8192xf32, #tpu.memory_space<vmem>>
      %parallel_loop3A_119 = arith.index_cast %parallel_loop3A_97 : i32 to index
      %parallel_loop3A_120 = tpu.vector_load %parallel_loop3A_118[%parallel_loop3A_119] {strides = array<i32>} : memref<8192xf32, #tpu.memory_space<vmem>>, vector<16xf32>,
      %parallel_loop3A_121 = vector.shape_cast %parallel_loop3A_120 : vector<16xf32> to vector<16xf32>
      %parallel_loop3A_122 = arith.addf %parallel_loop3A_109, %parallel_loop3A_121 : vector<16xf32>
      %parallel_loop3A_123 = arith.constant 5.000000e-14 : f32
      %parallel_loop3A_124 = vector.broadcast %parallel_loop3A_123 : f32 to vector<16xf32>
      %parallel_loop3A_125 = arith.divf %parallel_loop3A_122, %parallel_loop3A_124 : vector<16xf32>
      %parallel_loop3A_126 = arith.constant 9.99999997E-7 : f32
      %parallel_loop3A_127 = vector.broadcast %parallel_loop3A_126 : f32 to vector<16xf32>
      %parallel_loop3A_128 = arith.mulf %parallel_loop3A_125, %parallel_loop3A_127 : vector<16xf32>
      %parallel_loop3A_129 = arith.addf %parallel_loop3A_115, %parallel_loop3A_128 : vector<16xf32>
      %parallel_loop3A_130 = arith.constant 0.000000e+00 : f32
      %parallel_loop3A_131 = arith.constant 1.000000e+00 : f32
      %parallel_loop3A_132 = vector.broadcast %parallel_loop3A_130 : f32 to vector<16xf32>
      %parallel_loop3A_133 = arith.maximumf %parallel_loop3A_132, %parallel_loop3A_129 : vector<16xf32>
      %parallel_loop3A_134 = vector.broadcast %parallel_loop3A_131 : f32 to vector<16xf32>
      %parallel_loop3A_135 = arith.minimumf %parallel_loop3A_134, %parallel_loop3A_133 : vector<16xf32>
      %parallel_loop3A_136 = arith.constant 0 : i32
      %parallel_loop3A_137 = tpu.memref_slice %arg8[%parallel_loop3A_78, %parallel_loop3A_136] : memref<2x8192xf32, #tpu.memory_space<vmem>> -> memref<1x8192xf32, #tpu.memory_space<vmem>>
      %parallel_loop3A_138 = tpu.memref_squeeze %parallel_loop3A_137 : memref<1x8192xf32, #tpu.memory_space<vmem>> -> memref<8192xf32, #tpu.memory_space<vmem>>
      %parallel_loop3A_139 = arith.index_cast %parallel_loop3A_97 : i32 to index
      %parallel_loop3A_140 = tpu.vector_load %parallel_loop3A_138[%parallel_loop3A_139] {strides = array<i32>} : memref<8192xf32, #tpu.memory_space<vmem>>, vector<16xf32>,
      %parallel_loop3A_141 = vector.shape_cast %parallel_loop3A_140 : vector<16xf32> to vector<16xf32>
      %parallel_loop3A_142 = vector.shape_cast %parallel_loop3A_135 : vector<16xf32> to vector<16xf32>
      tpu.vector_store %parallel_loop3A_138[%parallel_loop3A_139], %parallel_loop3A_142 {strides = array<i32>} : memref<8192xf32, #tpu.memory_space<vmem>>, vector<16xf32>,
      %parallel_loop3A_143 = arith.constant 0 : i32
      %parallel_loop3A_144 = tpu.memref_slice %arg9[%parallel_loop3A_80, %parallel_loop3A_143] : memref<2x8192xf32, #tpu.memory_space<vmem>> -> memref<1x8192xf32, #tpu.memory_space<vmem>>
      %parallel_loop3A_145 = tpu.memref_squeeze %parallel_loop3A_144 : memref<1x8192xf32, #tpu.memory_space<vmem>> -> memref<8192xf32, #tpu.memory_space<vmem>>
      %parallel_loop3A_146 = arith.index_cast %parallel_loop3A_97 : i32 to index
      %parallel_loop3A_147 = tpu.vector_load %parallel_loop3A_145[%parallel_loop3A_146] {strides = array<i32>} : memref<8192xf32, #tpu.memory_space<vmem>>, vector<16xf32>,
      %parallel_loop3A_148 = vector.shape_cast %parallel_loop3A_147 : vector<16xf32> to vector<16xf32>
      %parallel_loop3A_149 = vector.shape_cast %parallel_loop3A_105 : vector<16xf32> to vector<16xf32>
      tpu.vector_store %parallel_loop3A_145[%parallel_loop3A_146], %parallel_loop3A_149 {strides = array<i32>} : memref<8192xf32, #tpu.memory_space<vmem>>, vector<16xf32>,
    } {sc.loop_unroll_factor = 4 : i64, sc.parallel_access}
    %run_scoped3A_81 = arith.constant 0 : i32
    "tpu.region"() ({
      %run_scoped3A_95 = tpu.sem_alloc : memref<!tpu.dma_semaphore, #tpu.memory_space<semaphore_mem>>
      %dma_start3A_96 = arith.constant 0 : i32
      %dma_start3A_97 = tpu.memref_slice %arg8[%run_scoped3A_81, %dma_start3A_96] : memref<2x8192xf32, #tpu.memory_space<vmem>> -> memref<1x8192xf32, #tpu.memory_space<vmem>>
      %dma_start3A_98 = tpu.memref_squeeze %dma_start3A_97 : memref<1x8192xf32, #tpu.memory_space<vmem>> -> memref<8192xf32, #tpu.memory_space<vmem>>
      %dma_start3A_99 = tpu.memref_slice %arg7[%add3A_72] : memref<1048576xf32, #tpu.memory_space<hbm>> -> memref<8192xf32, #tpu.memory_space<hbm>>
      %dma_start3A_100 = tpu.memref_slice %arg7[%add3A_72] : memref<1048576xf32, #tpu.memory_space<hbm>> -> memref<8192xf32, #tpu.memory_space<hbm>>
      %dma_start3A_101 = arith.constant 0 : i32
      %dma_start3A_102 = tpu.memref_slice %arg8[%run_scoped3A_81, %dma_start3A_101] : memref<2x8192xf32, #tpu.memory_space<vmem>> -> memref<1x8192xf32, #tpu.memory_space<vmem>>
      %dma_start3A_103 = tpu.memref_squeeze %dma_start3A_102 : memref<1x8192xf32, #tpu.memory_space<vmem>> -> memref<8192xf32, #tpu.memory_space<vmem>>
      tpu.enqueue_dma source(%dma_start3A_103 : memref<8192xf32, #tpu.memory_space<vmem>>) target(%dma_start3A_100 : memref<8192xf32, #tpu.memory_space<hbm>>) target_semaphore(%run_scoped3A_95 : memref<!tpu.dma_semaphore, #tpu.memory_space<semaphore_mem>>)
      %dma_wait3A_104 = arith.constant 0 : i32
      %dma_wait3A_105 = tpu.memref_slice %arg8[%run_scoped3A_81, %dma_wait3A_104] : memref<2x8192xf32, #tpu.memory_space<vmem>> -> memref<1x8192xf32, #tpu.memory_space<vmem>>
      %dma_wait3A_106 = tpu.memref_squeeze %dma_wait3A_105 : memref<1x8192xf32, #tpu.memory_space<vmem>> -> memref<8192xf32, #tpu.memory_space<vmem>>
      %dma_wait3A_107 = tpu.memref_slice %arg7[%add3A_72] : memref<1048576xf32, #tpu.memory_space<hbm>> -> memref<8192xf32, #tpu.memory_space<hbm>>
      %dma_wait3A_108 = tpu.memref_slice %arg7[%add3A_72] : memref<1048576xf32, #tpu.memory_space<hbm>> -> memref<8192xf32, #tpu.memory_space<hbm>>
      %dma_wait3A_109 = arith.constant 0 : i32
      %dma_wait3A_110 = tpu.memref_slice %arg8[%run_scoped3A_81, %dma_wait3A_109] : memref<2x8192xf32, #tpu.memory_space<vmem>> -> memref<1x8192xf32, #tpu.memory_space<vmem>>
      %dma_wait3A_111 = tpu.memref_squeeze %dma_wait3A_110 : memref<1x8192xf32, #tpu.memory_space<vmem>> -> memref<8192xf32, #tpu.memory_space<vmem>>
      tpu.wait_dma2 semaphore(%run_scoped3A_95 : memref<!tpu.dma_semaphore, #tpu.memory_space<semaphore_mem>>) src(%dma_wait3A_111 : memref<8192xf32, #tpu.memory_space<vmem>>) dst(%dma_wait3A_108 : memref<8192xf32, #tpu.memory_space<hbm>>)
      tpu.yield
    }) : () -> ()
    %run_scoped3A_82 = arith.constant 0 : i32
    "tpu.region"() ({
      %run_scoped3A_95 = tpu.sem_alloc : memref<!tpu.dma_semaphore, #tpu.memory_space<semaphore_mem>>
      %dma_start3A_96 = arith.constant 0 : i32
      %dma_start3A_97 = tpu.memref_slice %arg9[%run_scoped3A_82, %dma_start3A_96] : memref<2x8192xf32, #tpu.memory_space<vmem>> -> memref<1x8192xf32, #tpu.memory_space<vmem>>
      %dma_start3A_98 = tpu.memref_squeeze %dma_start3A_97 : memref<1x8192xf32, #tpu.memory_space<vmem>> -> memref<8192xf32, #tpu.memory_space<vmem>>
      %dma_start3A_99 = tpu.memref_slice %arg6[%add3A_72] : memref<1048576xf32, #tpu.memory_space<hbm>> -> memref<8192xf32, #tpu.memory_space<hbm>>
      %dma_start3A_100 = tpu.memref_slice %arg6[%add3A_72] : memref<1048576xf32, #tpu.memory_space<hbm>> -> memref<8192xf32, #tpu.memory_space<hbm>>
      %dma_start3A_101 = arith.constant 0 : i32
      %dma_start3A_102 = tpu.memref_slice %arg9[%run_scoped3A_82, %dma_start3A_101] : memref<2x8192xf32, #tpu.memory_space<vmem>> -> memref<1x8192xf32, #tpu.memory_space<vmem>>
      %dma_start3A_103 = tpu.memref_squeeze %dma_start3A_102 : memref<1x8192xf32, #tpu.memory_space<vmem>> -> memref<8192xf32, #tpu.memory_space<vmem>>
      tpu.enqueue_dma source(%dma_start3A_103 : memref<8192xf32, #tpu.memory_space<vmem>>) target(%dma_start3A_100 : memref<8192xf32, #tpu.memory_space<hbm>>) target_semaphore(%run_scoped3A_95 : memref<!tpu.dma_semaphore, #tpu.memory_space<semaphore_mem>>)
      %dma_wait3A_104 = arith.constant 0 : i32
      %dma_wait3A_105 = tpu.memref_slice %arg9[%run_scoped3A_82, %dma_wait3A_104] : memref<2x8192xf32, #tpu.memory_space<vmem>> -> memref<1x8192xf32, #tpu.memory_space<vmem>>
      %dma_wait3A_106 = tpu.memref_squeeze %dma_wait3A_105 : memref<1x8192xf32, #tpu.memory_space<vmem>> -> memref<8192xf32, #tpu.memory_space<vmem>>
      %dma_wait3A_107 = tpu.memref_slice %arg6[%add3A_72] : memref<1048576xf32, #tpu.memory_space<hbm>> -> memref<8192xf32, #tpu.memory_space<hbm>>
      %dma_wait3A_108 = tpu.memref_slice %arg6[%add3A_72] : memref<1048576xf32, #tpu.memory_space<hbm>> -> memref<8192xf32, #tpu.memory_space<hbm>>
      %dma_wait3A_109 = arith.constant 0 : i32
      %dma_wait3A_110 = tpu.memref_slice %arg9[%run_scoped3A_82, %dma_wait3A_109] : memref<2x8192xf32, #tpu.memory_space<vmem>> -> memref<1x8192xf32, #tpu.memory_space<vmem>>
      %dma_wait3A_111 = tpu.memref_squeeze %dma_wait3A_110 : memref<1x8192xf32, #tpu.memory_space<vmem>> -> memref<8192xf32, #tpu.memory_space<vmem>>
      tpu.wait_dma2 semaphore(%run_scoped3A_95 : memref<!tpu.dma_semaphore, #tpu.memory_space<semaphore_mem>>) src(%dma_wait3A_111 : memref<8192xf32, #tpu.memory_space<vmem>>) dst(%dma_wait3A_108 : memref<8192xf32, #tpu.memory_space<hbm>>)
      tpu.yield
    }) : () -> ()
    %add3A_83 = arith.constant 24576 : i32
    %add3A_84 = arith.addi %mul3A_2, %add3A_83 : i32
    %dma_wait3A_85 = arith.constant 0 : i32
    %dma_wait3A_86 = tpu.memref_slice %arg5[%dma_wait3A_85] : memref<1048576xf32, #tpu.memory_space<hbm>> -> memref<1048576xf32, #tpu.memory_space<hbm>>
    tpu.wait_indirect_dma semaphore(%arg16 : memref<!tpu.dma_semaphore, #tpu.memory_space<semaphore_mem>>) src(%dma_wait3A_86 : memref<1048576xf32, #tpu.memory_space<hbm>>) dst(%arg14 : memref<8192xf32, #tpu.memory_space<vmem>>)
    %parallel_loop3A_87 = arith.constant 0 : i32
    %parallel_loop3A_88 = arith.constant 512 : i32
    %parallel_loop3A_89 = arith.constant 1 : i32
    %parallel_loop3A_90 = arith.constant 1 : i32
    %parallel_loop3A_91 = arith.constant 1 : i32
    %parallel_loop3A_92 = arith.constant 1 : i32
    scf.for %parallel_loop3A_95 = %parallel_loop3A_87 to %parallel_loop3A_88 step %parallel_loop3A_89  : i32 {
      %parallel_loop3A_96 = arith.constant 16 : i32
      %parallel_loop3A_97 = arith.muli %parallel_loop3A_95, %parallel_loop3A_96 : i32
      %parallel_loop3A_98 = arith.index_cast %parallel_loop3A_97 : i32 to index
      %parallel_loop3A_99 = tpu.vector_load %arg14[%parallel_loop3A_98] {strides = array<i32>} : memref<8192xf32, #tpu.memory_space<vmem>>, vector<16xf32>,
      %parallel_loop3A_100 = vector.shape_cast %parallel_loop3A_99 : vector<16xf32> to vector<16xf32>
      %parallel_loop3A_101 = tpu.bitcast %parallel_loop3A_100 : vector<16xf32> -> vector<16xi32>
      %parallel_loop3A_102 = arith.constant 1 : i32
      %parallel_loop3A_103 = vector.broadcast %parallel_loop3A_102 : i32 to vector<16xi32>
      %parallel_loop3A_104 = arith.andi %parallel_loop3A_101, %parallel_loop3A_103 : vector<16xi32>
      %parallel_loop3A_105 = arith.sitofp %parallel_loop3A_104 : vector<16xi32> to vector<16xf32>
      %parallel_loop3A_106 = arith.constant -2 : i32
      %parallel_loop3A_107 = vector.broadcast %parallel_loop3A_106 : i32 to vector<16xi32>
      %parallel_loop3A_108 = arith.andi %parallel_loop3A_101, %parallel_loop3A_107 : vector<16xi32>
      %parallel_loop3A_109 = tpu.bitcast %parallel_loop3A_108 : vector<16xi32> -> vector<16xf32>
      %parallel_loop3A_110 = arith.constant 0 : i32
      %parallel_loop3A_111 = tpu.memref_slice %arg8[%parallel_loop3A_90, %parallel_loop3A_110] : memref<2x8192xf32, #tpu.memory_space<vmem>> -> memref<1x8192xf32, #tpu.memory_space<vmem>>
      %parallel_loop3A_112 = tpu.memref_squeeze %parallel_loop3A_111 : memref<1x8192xf32, #tpu.memory_space<vmem>> -> memref<8192xf32, #tpu.memory_space<vmem>>
      %parallel_loop3A_113 = arith.index_cast %parallel_loop3A_97 : i32 to index
      %parallel_loop3A_114 = tpu.vector_load %parallel_loop3A_112[%parallel_loop3A_113] {strides = array<i32>} : memref<8192xf32, #tpu.memory_space<vmem>>, vector<16xf32>,
      %parallel_loop3A_115 = vector.shape_cast %parallel_loop3A_114 : vector<16xf32> to vector<16xf32>
      %parallel_loop3A_116 = arith.constant 0 : i32
      %parallel_loop3A_117 = tpu.memref_slice %arg10[%parallel_loop3A_91, %parallel_loop3A_116] : memref<2x8192xf32, #tpu.memory_space<vmem>> -> memref<1x8192xf32, #tpu.memory_space<vmem>>
      %parallel_loop3A_118 = tpu.memref_squeeze %parallel_loop3A_117 : memref<1x8192xf32, #tpu.memory_space<vmem>> -> memref<8192xf32, #tpu.memory_space<vmem>>
      %parallel_loop3A_119 = arith.index_cast %parallel_loop3A_97 : i32 to index
      %parallel_loop3A_120 = tpu.vector_load %parallel_loop3A_118[%parallel_loop3A_119] {strides = array<i32>} : memref<8192xf32, #tpu.memory_space<vmem>>, vector<16xf32>,
      %parallel_loop3A_121 = vector.shape_cast %parallel_loop3A_120 : vector<16xf32> to vector<16xf32>
      %parallel_loop3A_122 = arith.addf %parallel_loop3A_109, %parallel_loop3A_121 : vector<16xf32>
      %parallel_loop3A_123 = arith.constant 5.000000e-14 : f32
      %parallel_loop3A_124 = vector.broadcast %parallel_loop3A_123 : f32 to vector<16xf32>
      %parallel_loop3A_125 = arith.divf %parallel_loop3A_122, %parallel_loop3A_124 : vector<16xf32>
      %parallel_loop3A_126 = arith.constant 9.99999997E-7 : f32
      %parallel_loop3A_127 = vector.broadcast %parallel_loop3A_126 : f32 to vector<16xf32>
      %parallel_loop3A_128 = arith.mulf %parallel_loop3A_125, %parallel_loop3A_127 : vector<16xf32>
      %parallel_loop3A_129 = arith.addf %parallel_loop3A_115, %parallel_loop3A_128 : vector<16xf32>
      %parallel_loop3A_130 = arith.constant 0.000000e+00 : f32
      %parallel_loop3A_131 = arith.constant 1.000000e+00 : f32
      %parallel_loop3A_132 = vector.broadcast %parallel_loop3A_130 : f32 to vector<16xf32>
      %parallel_loop3A_133 = arith.maximumf %parallel_loop3A_132, %parallel_loop3A_129 : vector<16xf32>
      %parallel_loop3A_134 = vector.broadcast %parallel_loop3A_131 : f32 to vector<16xf32>
      %parallel_loop3A_135 = arith.minimumf %parallel_loop3A_134, %parallel_loop3A_133 : vector<16xf32>
      %parallel_loop3A_136 = arith.constant 0 : i32
      %parallel_loop3A_137 = tpu.memref_slice %arg8[%parallel_loop3A_90, %parallel_loop3A_136] : memref<2x8192xf32, #tpu.memory_space<vmem>> -> memref<1x8192xf32, #tpu.memory_space<vmem>>
      %parallel_loop3A_138 = tpu.memref_squeeze %parallel_loop3A_137 : memref<1x8192xf32, #tpu.memory_space<vmem>> -> memref<8192xf32, #tpu.memory_space<vmem>>
      %parallel_loop3A_139 = arith.index_cast %parallel_loop3A_97 : i32 to index
      %parallel_loop3A_140 = tpu.vector_load %parallel_loop3A_138[%parallel_loop3A_139] {strides = array<i32>} : memref<8192xf32, #tpu.memory_space<vmem>>, vector<16xf32>,
      %parallel_loop3A_141 = vector.shape_cast %parallel_loop3A_140 : vector<16xf32> to vector<16xf32>
      %parallel_loop3A_142 = vector.shape_cast %parallel_loop3A_135 : vector<16xf32> to vector<16xf32>
      tpu.vector_store %parallel_loop3A_138[%parallel_loop3A_139], %parallel_loop3A_142 {strides = array<i32>} : memref<8192xf32, #tpu.memory_space<vmem>>, vector<16xf32>,
      %parallel_loop3A_143 = arith.constant 0 : i32
      %parallel_loop3A_144 = tpu.memref_slice %arg9[%parallel_loop3A_92, %parallel_loop3A_143] : memref<2x8192xf32, #tpu.memory_space<vmem>> -> memref<1x8192xf32, #tpu.memory_space<vmem>>
      %parallel_loop3A_145 = tpu.memref_squeeze %parallel_loop3A_144 : memref<1x8192xf32, #tpu.memory_space<vmem>> -> memref<8192xf32, #tpu.memory_space<vmem>>
      %parallel_loop3A_146 = arith.index_cast %parallel_loop3A_97 : i32 to index
      %parallel_loop3A_147 = tpu.vector_load %parallel_loop3A_145[%parallel_loop3A_146] {strides = array<i32>} : memref<8192xf32, #tpu.memory_space<vmem>>, vector<16xf32>,
      %parallel_loop3A_148 = vector.shape_cast %parallel_loop3A_147 : vector<16xf32> to vector<16xf32>
      %parallel_loop3A_149 = vector.shape_cast %parallel_loop3A_105 : vector<16xf32> to vector<16xf32>
      tpu.vector_store %parallel_loop3A_145[%parallel_loop3A_146], %parallel_loop3A_149 {strides = array<i32>} : memref<8192xf32, #tpu.memory_space<vmem>>, vector<16xf32>,
    } {sc.loop_unroll_factor = 4 : i64, sc.parallel_access}
    %run_scoped3A_93 = arith.constant 1 : i32
    "tpu.region"() ({
      %run_scoped3A_95 = tpu.sem_alloc : memref<!tpu.dma_semaphore, #tpu.memory_space<semaphore_mem>>
      %dma_start3A_96 = arith.constant 0 : i32
      %dma_start3A_97 = tpu.memref_slice %arg8[%run_scoped3A_93, %dma_start3A_96] : memref<2x8192xf32, #tpu.memory_space<vmem>> -> memref<1x8192xf32, #tpu.memory_space<vmem>>
      %dma_start3A_98 = tpu.memref_squeeze %dma_start3A_97 : memref<1x8192xf32, #tpu.memory_space<vmem>> -> memref<8192xf32, #tpu.memory_space<vmem>>
      %dma_start3A_99 = tpu.memref_slice %arg7[%add3A_84] : memref<1048576xf32, #tpu.memory_space<hbm>> -> memref<8192xf32, #tpu.memory_space<hbm>>
      %dma_start3A_100 = tpu.memref_slice %arg7[%add3A_84] : memref<1048576xf32, #tpu.memory_space<hbm>> -> memref<8192xf32, #tpu.memory_space<hbm>>
      %dma_start3A_101 = arith.constant 0 : i32
      %dma_start3A_102 = tpu.memref_slice %arg8[%run_scoped3A_93, %dma_start3A_101] : memref<2x8192xf32, #tpu.memory_space<vmem>> -> memref<1x8192xf32, #tpu.memory_space<vmem>>
      %dma_start3A_103 = tpu.memref_squeeze %dma_start3A_102 : memref<1x8192xf32, #tpu.memory_space<vmem>> -> memref<8192xf32, #tpu.memory_space<vmem>>
      tpu.enqueue_dma source(%dma_start3A_103 : memref<8192xf32, #tpu.memory_space<vmem>>) target(%dma_start3A_100 : memref<8192xf32, #tpu.memory_space<hbm>>) target_semaphore(%run_scoped3A_95 : memref<!tpu.dma_semaphore, #tpu.memory_space<semaphore_mem>>)
      %dma_wait3A_104 = arith.constant 0 : i32
      %dma_wait3A_105 = tpu.memref_slice %arg8[%run_scoped3A_93, %dma_wait3A_104] : memref<2x8192xf32, #tpu.memory_space<vmem>> -> memref<1x8192xf32, #tpu.memory_space<vmem>>
      %dma_wait3A_106 = tpu.memref_squeeze %dma_wait3A_105 : memref<1x8192xf32, #tpu.memory_space<vmem>> -> memref<8192xf32, #tpu.memory_space<vmem>>
      %dma_wait3A_107 = tpu.memref_slice %arg7[%add3A_84] : memref<1048576xf32, #tpu.memory_space<hbm>> -> memref<8192xf32, #tpu.memory_space<hbm>>
      %dma_wait3A_108 = tpu.memref_slice %arg7[%add3A_84] : memref<1048576xf32, #tpu.memory_space<hbm>> -> memref<8192xf32, #tpu.memory_space<hbm>>
      %dma_wait3A_109 = arith.constant 0 : i32
      %dma_wait3A_110 = tpu.memref_slice %arg8[%run_scoped3A_93, %dma_wait3A_109] : memref<2x8192xf32, #tpu.memory_space<vmem>> -> memref<1x8192xf32, #tpu.memory_space<vmem>>
      %dma_wait3A_111 = tpu.memref_squeeze %dma_wait3A_110 : memref<1x8192xf32, #tpu.memory_space<vmem>> -> memref<8192xf32, #tpu.memory_space<vmem>>
      tpu.wait_dma2 semaphore(%run_scoped3A_95 : memref<!tpu.dma_semaphore, #tpu.memory_space<semaphore_mem>>) src(%dma_wait3A_111 : memref<8192xf32, #tpu.memory_space<vmem>>) dst(%dma_wait3A_108 : memref<8192xf32, #tpu.memory_space<hbm>>)
      tpu.yield
    }) : () -> ()
    %run_scoped3A_94 = arith.constant 1 : i32
    "tpu.region"() ({
      %run_scoped3A_95 = tpu.sem_alloc : memref<!tpu.dma_semaphore, #tpu.memory_space<semaphore_mem>>
      %dma_start3A_96 = arith.constant 0 : i32
      %dma_start3A_97 = tpu.memref_slice %arg9[%run_scoped3A_94, %dma_start3A_96] : memref<2x8192xf32, #tpu.memory_space<vmem>> -> memref<1x8192xf32, #tpu.memory_space<vmem>>
      %dma_start3A_98 = tpu.memref_squeeze %dma_start3A_97 : memref<1x8192xf32, #tpu.memory_space<vmem>> -> memref<8192xf32, #tpu.memory_space<vmem>>
      %dma_start3A_99 = tpu.memref_slice %arg6[%add3A_84] : memref<1048576xf32, #tpu.memory_space<hbm>> -> memref<8192xf32, #tpu.memory_space<hbm>>
      %dma_start3A_100 = tpu.memref_slice %arg6[%add3A_84] : memref<1048576xf32, #tpu.memory_space<hbm>> -> memref<8192xf32, #tpu.memory_space<hbm>>
      %dma_start3A_101 = arith.constant 0 : i32
      %dma_start3A_102 = tpu.memref_slice %arg9[%run_scoped3A_94, %dma_start3A_101] : memref<2x8192xf32, #tpu.memory_space<vmem>> -> memref<1x8192xf32, #tpu.memory_space<vmem>>
      %dma_start3A_103 = tpu.memref_squeeze %dma_start3A_102 : memref<1x8192xf32, #tpu.memory_space<vmem>> -> memref<8192xf32, #tpu.memory_space<vmem>>
      tpu.enqueue_dma source(%dma_start3A_103 : memref<8192xf32, #tpu.memory_space<vmem>>) target(%dma_start3A_100 : memref<8192xf32, #tpu.memory_space<hbm>>) target_semaphore(%run_scoped3A_95 : memref<!tpu.dma_semaphore, #tpu.memory_space<semaphore_mem>>)
      %dma_wait3A_104 = arith.constant 0 : i32
      %dma_wait3A_105 = tpu.memref_slice %arg9[%run_scoped3A_94, %dma_wait3A_104] : memref<2x8192xf32, #tpu.memory_space<vmem>> -> memref<1x8192xf32, #tpu.memory_space<vmem>>
      %dma_wait3A_106 = tpu.memref_squeeze %dma_wait3A_105 : memref<1x8192xf32, #tpu.memory_space<vmem>> -> memref<8192xf32, #tpu.memory_space<vmem>>
      %dma_wait3A_107 = tpu.memref_slice %arg6[%add3A_84] : memref<1048576xf32, #tpu.memory_space<hbm>> -> memref<8192xf32, #tpu.memory_space<hbm>>
      %dma_wait3A_108 = tpu.memref_slice %arg6[%add3A_84] : memref<1048576xf32, #tpu.memory_space<hbm>> -> memref<8192xf32, #tpu.memory_space<hbm>>
      %dma_wait3A_109 = arith.constant 0 : i32
      %dma_wait3A_110 = tpu.memref_slice %arg9[%run_scoped3A_94, %dma_wait3A_109] : memref<2x8192xf32, #tpu.memory_space<vmem>> -> memref<1x8192xf32, #tpu.memory_space<vmem>>
      %dma_wait3A_111 = tpu.memref_squeeze %dma_wait3A_110 : memref<1x8192xf32, #tpu.memory_space<vmem>> -> memref<8192xf32, #tpu.memory_space<vmem>>
      tpu.wait_dma2 semaphore(%run_scoped3A_95 : memref<!tpu.dma_semaphore, #tpu.memory_space<semaphore_mem>>) src(%dma_wait3A_111 : memref<8192xf32, #tpu.memory_space<vmem>>) dst(%dma_wait3A_108 : memref<8192xf32, #tpu.memory_space<hbm>>)
      tpu.yield
    }) : () -> ()
    return
  }
}

module attributes {stable_mosaic.version = 14 : i64} {
  func.func @_pack_body(%arg0: memref<1024x1024xf32, #tpu.memory_space<vmem>>, %arg1: memref<1024x1024xf32, #tpu.memory_space<vmem>>, %arg2: memref<1024x1024xf32, #tpu.memory_space<vmem>>) attributes {dimension_semantics = [], scalar_prefetch = 0 : i64, scratch_operands = 0 : i64, tpu.core_type = #tpu.core_type<tc>} {
    %get3A = arith.constant 0 : index
    %get3A_0 = arith.constant 0 : index
    %get3A_1 = vector.load %arg0[%get3A, %get3A_0] : memref<1024x1024xf32, #tpu.memory_space<vmem>>, vector<1024x1024xf32>
    %bitcast_convert_type3A = tpu.bitcast %get3A_1 : vector<1024x1024xf32> -> vector<1024x1024xi32>
    %get3A_2 = arith.constant 0 : index
    %get3A_3 = arith.constant 0 : index
    %get3A_4 = vector.load %arg1[%get3A_2, %get3A_3] : memref<1024x1024xf32, #tpu.memory_space<vmem>>, vector<1024x1024xf32>
    %ne3A = arith.constant 0.000000e+00 : f32
    %ne3A_5 = vector.broadcast %ne3A : f32 to vector<1024x1024xf32>
    %ne3A_6 = arith.cmpf one, %get3A_4, %ne3A_5 : vector<1024x1024xf32>
    %convert_element_type3A = arith.extui %ne3A_6 : vector<1024x1024xi1> to vector<1024x1024xi32>
    %and3A = arith.constant -2 : i32
    %and3A_7 = vector.broadcast %and3A : i32 to vector<1024x1024xi32>
    %and3A_8 = arith.andi %bitcast_convert_type3A, %and3A_7 : vector<1024x1024xi32>
    %or3A = arith.ori %and3A_8, %convert_element_type3A : vector<1024x1024xi32>
    %bitcast_convert_type3A_9 = tpu.bitcast %or3A : vector<1024x1024xi32> -> vector<1024x1024xf32>
    %swap3A = arith.constant 0 : index
    %swap3A_10 = arith.constant 0 : index
    %swap3A_11 = vector.load %arg2[%swap3A, %swap3A_10] : memref<1024x1024xf32, #tpu.memory_space<vmem>>, vector<1024x1024xf32>
    tpu.vector_store %arg2[%swap3A, %swap3A_10], %bitcast_convert_type3A_9 {strides = array<i32>} : memref<1024x1024xf32, #tpu.memory_space<vmem>>, vector<1024x1024xf32>,
    return
  }
}

</mosaic_0001>

<sc_bundles>
// kernel: _run.4.cloned.1.call-start
scs
__scs_entry_jumppad:
0x0: {  	(pc) =	sbr.rel $0x88, $3  }
0x1: {  	(tag) =	ssettag $0x0;
	lr =	simm.s32 $0x1  }
0x2: {  	[smem:$0x3F9C] =	sst lr;
	_ =	strace $0xD0000000  }
0x3: {  	_ = 	snop  }
0x4: {  	_ = 	snop  }
0x5: {  	_ = 	snop  }
0x6: {  	_ = 	snop  }
0x7: {  	_ = 	snop  }
__scs_overlays_trampoline_lowered:
0x8: {  	[smem:$0x3FAB] =	sst s0  }
0x9: {  	[smem:$0x3FAC] =	sst s1  }
0xa: {  	[smem:$0x3FAD] =	sst s2  }
0xb: {  	[smem:$0x3FAE] =	sst s3  }
0xc: {  	[smem:$0x3FAF] =	sst s4  }
0xd: {  	[smem:$0x3FB0] =	sst s5  }
0xe: {  	[smem:$0x3FB1] =	sst s6  }
0xf: {  	[smem:$0x3FB2] =	sst s7  }
0x10: {  	[smem:$0x3FB3] =	sst s8  }
0x11: {  	[smem:$0x3FB4] =	sst s9;
	s0 =	simm.s32 @!p0 $0x0  }
0x12: {  	s1 =	sld [smem:$0x3F9A];
	s0 =	simm.s32 @p0 $0x1  }
0x13: {  	[smem:$0x3FB5] =	sst s0;
	s0 =	simm.s32 @!p1 $0x0  }
0x14: {  	s2 =	sld [smem:$0x3F99];
	s0 =	simm.s32 @p1 $0x1  }
0x15: {  	[smem:$0x3FB6] =	sst s0;
	s0 =	simm.s32 @!p2 $0x0  }
0x16: {  	s3 =	sld [smem:$0x3FDB];
	s0 =	simm.s32 @p2 $0x1  }
0x17: {  	s4 =	simm.s32 $0x1BF5;
	[smem:$0x3FB8] =	sst s0  }
0x18: {  	s0 =	sld [smem:$0x3F9B];
	_ =	swait.ge [sflag:s4], $0x0  }
0x19: {  	s7 =	sld [smem:$0x3F9C]  }
0x1a: {  	s8 =	sadd.s32 $0xFFFFE003, lr  }
0x1b: {  	s9 =	sadd.s32 $0xFFFFFEF7, lr;
	s5 =	simm.s32 $0xFFFFFFFF;
	p2 =	slt.u32 s8, $0xFFFFF086  }
0x1c: {  	p1 =	slt.u32 s9, $0xF7A;
	s5 =	simm.s32 @!p2 $0x0  }
0x1d: {  	s5 =	simm.s32 @p1 $0x1;
	p0 =	seq.s32 s7, s2  }
0x1e: {  	s7 =	smul.u32 @!p0 $0xF7A, s2;
	p2 =	seq.s32 @!p0 s5, $0x0  }
0x1f: {  	s9 =	smul.u32 $0xF7A, s1;
	s8 =	simm.s32 @!p0 $0x1BF5;
	p2 =	por !p2, p0  }
0x20: {  	[sflag:s8] =	ssyncset.s32 @!p0 $0xFFFFF086;
	s6 =	sadd.s32 @!p0 s3, s7;
	s7 =	simm.s32 @!p0 $0x108  }
0x21: {  	s3 =	sadd.s32 s3, s9;
	s6 =	sadd.s32 @!p0 $0x88, s6;
	s7 =	simm.s32 @p2 $0x1082  }
0x22: {  	[simem:s7], [sflag:s8] =	dma.local @!p0 [hbm:s6], $0xF7A  }
0x23: {  	s9 =	sor.u32 $0xD0000000, s2;
	s6 =	simm.s32 $0x108;
	_ =	swait.ge @!p0 [sflag:s8], $0x0  }
0x24: {  	s3 =	sadd.s32 $0x88, s3;
	s6 =	simm.s32 @!p1 $0x1082;
	[sflag:s4] =	ssyncset.s32 $0xFFFFF086  }
0x25: {  	[simem:s6], [sflag:s4] =	dma.local [hbm:s3], $0xF7A  }
0x26: {  	[smem:$0x3F9C] =	sst s1;
	(tag) =	ssettag s2;
	_ =	strace s9  }
0x27: {  	s1 =	sld [smem:$0x3FAC]  }
0x28: {  	s2 =	sld [smem:$0x3FAD]  }
0x29: {  	s4 =	sld [smem:$0x3FAF]  }
0x2a: {  	p0 =	seq.s32 s5, $0x0;
	s5 =	sld [smem:$0x3FB0]  }
0x2b: {  	s6 =	sld [smem:$0x3FB1]  }
0x2c: {  	s7 =	sld [smem:$0x3FB2]  }
0x2d: {  	s3 =	simm.s32 $0x108;
	s8 =	sld [smem:$0x3FB3]  }
0x2e: {  	s3 =	simm.s32 @!p0 $0x1082;
	s9 =	sld [smem:$0x3FB4]  }
0x2f: {  	lr =	sadd.s32 s0, s3;
	s0 =	sld [smem:$0x3FAB]  }
0x30: {  	s3 =	sld [smem:$0x3FAE]  }
0x31: {  	[smem:$0x3FB7] =	sst s10  }
0x32: {  	s10 =	sld [smem:$0x3FB5];
	_ =	sdelay $0x3  }
0x33: {  	p0 =	seq.s32 s10, $0x1;
	s10 =	sld [smem:$0x3FB7];
	_ =	sdelay $0x3  }
0x34: {  	[smem:$0x3FB7] =	sst s10  }
0x35: {  	s10 =	sld [smem:$0x3FB6];
	_ =	sdelay $0x3  }
0x36: {  	p1 =	seq.s32 s10, $0x1;
	s10 =	sld [smem:$0x3FB7];
	_ =	sdelay $0x3  }
0x37: {  	[smem:$0x3FB7] =	sst s10  }
0x38: {  	s10 =	sld [smem:$0x3FB8]  }
0x39: {  	_ = 	snop;
	(pc) =	sbr.ind lr, $3  }
0x3a: {  	_ = 	snop  }
0x3b: {  	_ = 	snop  }
0x3c: {  	p2 =	seq.s32 s10, $0x1;
	s10 =	sld [smem:$0x3FB7]  }
0x3d: {  	_ =	shalt  }
0x3e: {  	_ =	shalt  }
0x3f: {  	_ =	shalt  }
0x40: {  	_ =	shalt  }
0x41: {  	_ =	shalt  }
0x42: {  	_ =	shalt  }
0x43: {  	_ =	shalt  }
0x44: {  	_ =	shalt  }
0x45: {  	_ =	shalt  }
0x46: {  	_ =	shalt  }
0x47: {  	_ =	shalt  }
0x48: {  	_ =	shalt  }
0x49: {  	_ =	shalt  }
0x4a: {  	_ =	shalt  }
0x4b: {  	_ =	shalt  }
0x4c: {  	_ =	shalt  }
0x4d: {  	_ =	shalt  }
0x4e: {  	_ =	shalt  }
0x4f: {  	_ =	shalt  }
0x50: {  	_ =	shalt  }
0x51: {  	_ =	shalt  }
0x52: {  	_ =	shalt  }
0x53: {  	_ =	shalt  }
0x54: {  	_ =	shalt  }
0x55: {  	_ =	shalt  }
0x56: {  	_ =	shalt  }
0x57: {  	_ =	shalt  }
0x58: {  	_ =	shalt  }
0x59: {  	_ =	shalt  }
0x5a: {  	_ =	shalt  }
0x5b: {  	_ =	shalt  }
0x5c: {  	_ =	shalt  }
0x5d: {  	_ =	shalt  }
0x5e: {  	_ =	shalt  }
0x5f: {  	_ =	shalt  }
0x60: {  	_ =	shalt  }
0x61: {  	_ =	shalt  }
0x62: {  	_ =	shalt  }
0x63: {  	_ =	shalt  }
0x64: {  	_ =	shalt  }
0x65: {  	_ =	shalt  }
0x66: {  	_ =	shalt  }
0x67: {  	_ =	shalt  }
0x68: {  	_ =	shalt  }
0x69: {  	_ =	shalt  }
0x6a: {  	_ =	shalt  }
0x6b: {  	_ =	shalt  }
0x6c: {  	_ =	shalt  }
0x6d: {  	_ =	shalt  }
0x6e: {  	_ =	shalt  }
0x6f: {  	_ =	shalt  }
0x70: {  	_ =	shalt  }
0x71: {  	_ =	shalt  }
0x72: {  	_ =	shalt  }
0x73: {  	_ =	shalt  }
0x74: {  	_ =	shalt  }
0x75: {  	_ =	shalt  }
0x76: {  	_ =	shalt  }
0x77: {  	_ =	shalt  }
0x78: {  	_ =	shalt  }
0x79: {  	_ =	shalt  }
0x7a: {  	_ =	shalt  }
0x7b: {  	_ =	shalt  }
0x7c: {  	_ =	shalt  }
0x7d: {  	_ =	shalt  }
0x7e: {  	_ =	shalt  }
0x7f: {  	_ =	shalt  }
0x80: {  	_ =	shalt  }
0x81: {  	_ =	shalt  }
0x82: {  	_ =	shalt  }
0x83: {  	_ =	shalt  }
0x84: {  	_ =	shalt  }
0x85: {  	_ =	shalt  }
0x86: {  	_ =	shalt  }
0x87: {  	_ =	shalt  }
.Lfunc_end0:
.L_simem_size_0:
called_computation_lowered:
.L_overlay_start_0:
0x88: {  	s2 =	sld [smem:$0x3FD9]  }
0x89: {  	s3 =	sld [smem:$0x3FFE];
	_ =	sdelay $0x1  }
0x8a: {  	s1 =	srdreg.scid  }
0x8b: {  	s0 =	sand.u32 $0x1, s1  }
0x8c: {  	s14 =	sshll.u32 s0, $0xA;
	s2 =	sadd.s32 s3, s2  }
0x8d: {  	s2 =	sadd.s32 s2, s14  }
0x8e: {  	[smem:$0x3FC3] =	sst s2  }
0x8f: {  	_ = 	snop  }
0x90: {  	s2 =	sld [smem:$0x3FD0]  }
0x91: {  	s15 =	sld [smem:$0x3FC9]  }
0x92: {  	s4 =	sld [smem:$0x3FC8]  }
0x93: {  	s6 =	simm.s32 $0xA;
	s7 =	simm.s32 $0x10;
	s5 =	sld [smem:$0x3FC7]  }
0x94: {  	[smem:s7], [sflag:s6] =	dma.local [hbm:s2], $0x1  }
0x95: {  	_ =	swait.eq [sflag:s6], $0x1  }
0x96: {  	[sflag:s6] =	ssyncset.done $0x0  }
0x97: {  	s16 =	sld [smem:$0x10];
	[sflag:s6] =	ssyncadd.s32 $0xFFFFFFFF  }
0x98: {  	s17 =	sld [smem:$0x11];
	(tm) =	ssettm $0x1  }
0x99: {  	s18 =	sld [smem:$0x3FFB];
	_ =	sdelay $0x3  }
0x9a: {  	_ =	strace s18  }
0x9b: {  	s7 =	sld [smem:$0x3FFC];
	_ =	sdelay $0x3  }
0x9c: {  	_ =	strace s7  }
0x9d: {  	s7 =	sld [smem:$0x3FFD];
	_ =	sdelay $0x3  }
0x9e: {  	_ =	strace s7  }
0x9f: {  	_ =	strace $0x8FFFFFFF  }
0xa0: {  	s19 =	sld [smem:$0x3FDB];
	_ =	sdelay $0x1  }
0xa1: {  	s8 =	simm.s32 $_scs_section_size  }
0xa2: {  	s9 =	simm.s32 $_size__tile_overlayer_lowered;
	s10 =	simm.s32 $_tile_overlayer_lowered  }
0xa3: {  	s22 =	simm.s32 $0x1BFF;
	s21 =	sshll.u32 s10, $0x1;
	s7 =	sadd.s32 s8, s19  }
0xa4: {  	s11 =	simm.s32 $0x0;
	s20 =	sshll.u32 s9, $0x1;
	s9 =	sadd.s32 s21, s7  }
0xa5: {  	[timem:s11], [sflag:s22] =	dma.local [hbm:s9], s20  }
0xa6: {  	_ =	swait.ge [sflag:s22], s20  }
0xa7: {  	s8 =	ssub.s32 $0x0, s20;
	[sflag:s22] =	ssyncset.done $0x0  }
0xa8: {  	[sflag:s22] =	ssyncadd.s32 s8;
	_ =	sdelay $0x1  }
0xa9: {  	s23 =	simm.s32 $0x1B8B  }
0xaa: {  	_ =	swait.ge [sflag:s23], $0x1  }
0xab: {  	[sflag:s23] =	ssyncset.done $0x0  }
0xac: {  	s25 =	simm.s32 $0x1B8E;
	s24 =	sld [smem:$0x3FFE];
	[sflag:s23] =	ssyncadd.s32 $0xFFFFFFFF  }
0xad: {  	s26 =	simm.s32 $execute0_lowered;
	[smem:$0x3FD2] =	sst s25  }
0xae: {  	s9 =	sshll.u32 s26, $0x1;
	_ =	strace $0x80000046;
	[dreg:$0x1] =	wrdreg $0xFFFFFFFF  }
0xaf: {  	s28 =	simm.s32 $_size_execute0_lowered;
	s7 =	sadd.s32 s7, s9;
	[dreg:$0x0] =	wrdreg $0x0  }
0xb0: {  	s9 =	sshll.u32 s28, $0x1;
	[dreg:$0x2] =	wrdreg s7  }
0xb1: {  	[dreg:$0x3] =	wrdreg s9  }
0xb2: {  	[dreg:$0x4] =	wrdreg $0xC0  }
0xb3: {  	_ =	task [dreg:s11], $0x5FFFF  }
0xb4: {  	[dreg:$0x1] =	wrdreg $0xFFFFFFFF  }
0xb5: {  	[dreg:$0x0] =	wrdreg $0x60  }
0xb6: {  	[dreg:$0x2] =	wrdreg s15  }
0xb7: {  	[dreg:$0x3] =	wrdreg s4  }
0xb8: {  	[dreg:$0x4] =	wrdreg s5  }
0xb9: {  	[dreg:$0x5] =	wrdreg s24  }
0xba: {  	[dreg:$0x6] =	wrdreg s16  }
0xbb: {  	[dreg:$0x7] =	wrdreg s17  }
0xbc: {  	[dreg:$0x8] =	wrdreg $0x9  }
0xbd: {  	_ =	task.clear_ibuf [dreg:s11], $0x9FFFF;
	_ =	strace $0x90000046  }
0xbe: {  	s29 =	simm.s32 $0x9;
	_ =	strace $0x80000048  }
0xbf: {  	_ =	swait.ge [sflag:s29], $0x1  }
0xc0: {  	[sflag:s29] =	ssyncadd.s32 $0xFFFFFFFF  }
0xc1: {  	_ =	strace $0x90000048  }
0xc2: {  	_ =	sfence  }
0xc3: {  	s30 =	sld [smem:$0x0];
	_ =	sdelay $0x2  }
0xc4: {  	s31 =	sshll.u32 s1, $0xD;
	s1 =	sshrl.u32 s1, $0x2  }
0xc5: {  	s3 =	sand.u32 $0x4000, s31;
	s1 =	sadd.s32 s1, s30  }
0xc6: {  	s0 =	sor.u32 s3, s0;
	s1 =	sshll.u32 s1, $0x11  }
0xc7: {  	s0 =	sor.u32 s1, s0  }
0xc8: {  	s0 =	sadd.s32 $0x8F2B, s0  }
0xc9: {  	[sflag:s0] =	ssyncadd.remote.s32 $0x1  }
0xca: {  	_ =	sfence.sel $0xFFFF  }
0xcb: {  	[dreg:$0x0] =	wrdreg $0xFFFFFFFF;
	(pc) =	sbr.abs _section_cstart, $3  }
0xcc: {  	[dreg:$0x1] =	wrdreg $0xFFFFFFFF  }
0xcd: {  	_ =	task.clear_ibuf [dreg:s11], $0x2FFFF;
	_ =	strace $0x9FFFFFFF  }
0xce: {  	(tm) =	ssettm $0x7FFFFFFF  }
0xcf: {  	_ =	shalt  }
tec
execute0_lowered:
.L_overlay_start_1:
0x0: {  	(tag) =	ssettag $0x1  }
0x1: {  	s0 =	rddreg [dreg:$0x0]  }
0x2: {  	s2 =	rddreg [dreg:$0x1]  }
0x3: {  	s3 =	rddreg [dreg:$0x2]  }
0x4: {  	s4 =	rddreg [dreg:$0x3]  }
0x5: {  	s5 =	rddreg [dreg:$0x4]  }
0x6: {  	s6 =	rddreg [dreg:$0x5];
	s1 =	simm.s32 $0x0;
	s7 =	srdreg.scid  }
0x7: {  	s10 =	stileid.u32;
	[smem:$0x7FF] =	sst s1;
	s7 =	sand.u32 $0x1, s7  }
0x8: {  	s10 =	sshll.u32 s10, $0xD;
	s4 =	sadd.s32 $0xA00, s4;
	s8 =	ssub.s32 $0x2, s7  }
0x9: {  	_ =	strace $0x80000047;
	s7 =	sshll.u32 s7, $0xC;
	s9 =	sshrl.u32 s8, $0x1  }
0xa: {  	[dreg:$0x7] =	wrdreg s4;
	s7 =	sor.u32 s7, s10;
	s26 =	ssub.s32 s8, s9  }
0xb: {  	s8 =	sadd.s32 s2, s7;
	s9 =	sadd.s32 s3, s7;
	s16 =	sor.u32 $0x400, s7  }
0xc: {  	v0 =	vimm.f32 $4.999999910e-14;
	s10 =	sadd.s32 s0, s7;
	s13 =	sadd.s32 s6, s7;
	s21 =	sor.u32 $0x800, s7  }
0xd: {  	(erf) = vrcp.f32 v0;
	s28 =	sadd.s32 s5, s7;
	s7 =	sor.u32 $0xC00, s7;
	[dreg:$0xe] =	wrdreg s13  }
0xe: {  	s11 =	sadd.s32 s2, s16;
	s12 =	sadd.s32 s3, s16;
	[dreg:$0xf] =	wrdreg s28  }
0xf: {  	s31 =	sadd.s32 s0, s16;
	s29 =	sadd.s32 s2, s21;
	[dreg:$0x8] =	wrdreg s8  }
0x10: {  	s13 =	sadd.s32 s3, s21;
	s14 =	sadd.s32 s0, s21;
	[dreg:$0x9] =	wrdreg s9  }
0x11: {  	s15 =	sadd.s32 s6, s16;
	s16 =	sadd.s32 s5, s16;
	[dreg:$0xa] =	wrdreg s10  }
0x12: {  	s17 =	sadd.s32 s2, s7;
	s30 =	smax.u32 s26, $0x1;
	[dreg:$0x10] =	wrdreg s29  }
0x13: {  	s18 =	sadd.s32 s3, s7;
	s19 =	sadd.s32 s0, s7;
	[dreg:$0x11] =	wrdreg s30  }
0x14: {  	s20 =	sadd.s32 s6, s21;
	s21 =	sadd.s32 s5, s21;
	[dreg:$0xb] =	wrdreg s11  }
0x15: {  	s22 =	sadd.s32 s6, s7;
	s23 =	sadd.s32 s5, s7;
	[dreg:$0xc] =	wrdreg s12  }
0x16: {  	s6 =	simm.s32 $0x3;
	s2 =	simm.s32 $0x0;
	[dreg:$0xd] =	wrdreg s31;
	v0 =	vpop (erf)  }
.LBB2_1:
0x17: {  	[dreg:$0x12] =	wrdreg s2;
	s0 =	simm.s32 $0x10  }
0x18: {  	s4 =	sadd.s32 $0x0, s8;
	s2 =	simm.s32 $0x100;
	s3 =	simm.s32 $0x0  }
.LBB2_2:
0x19: {  	[tilespmem:s3], [sflag:$0x3] =	stream.linear.gather [hbm4b:s4+s1], $0x80, $0x38;
	[tilespmem:$0x14000] =	vst v63  }
0x1a: {  	s4 =	smov.u32 s0;
	s3 =	smov.u32 s2;
	p0 =	sne.s32 s0, $0x3F0  }
.Ltmp0:
0x1b: {  	s0 =	sadd.s32 $0x10, s0;
	(pc) =	sbr.rel @p0 .LBB2_2-.Ltmp0, $2  }
0x1c: {  	_ =	sdelay $0x2  }
0x1d: {  	s2 =	sadd.s32 $0x100, s2;
	s4 =	sadd.s32 s4, s8  }
0x1e: {  	[tilespmem:s3], [sflag:$0x3] =	stream.linear.gather [hbm4b:s4+s1], $0x80, $0x38;
	[tilespmem:$0x14000] =	vst v63  }
0x1f: {  	_ =	swait.ge [sflag:s6], $0x2000  }
0x20: {  	s0 =	simm.s32 $0x4000;
	s2 =	simm.s32 $0x10;
	[sflag:s6] =	ssyncset.done $0x0  }
0x21: {  	s4 =	sadd.s32 $0x0, s9;
	s3 =	simm.s32 $0x4100;
	[sflag:s6] =	ssyncadd.s32 $0xFFFFE000  }
.LBB2_4:
0x22: {  	[tilespmem:s0], [sflag:$0x3] =	stream.linear.gather [hbm4b:s4+s1], $0x80, $0x38;
	[tilespmem:$0x14000] =	vst v63  }
0x23: {  	s4 =	smov.u32 s2;
	s0 =	smov.u32 s3;
	p0 =	sne.s32 s2, $0x3F0  }
.Ltmp1:
0x24: {  	s2 =	sadd.s32 $0x10, s2;
	(pc) =	sbr.rel @p0 .LBB2_4-.Ltmp1, $2  }
0x25: {  	_ =	sdelay $0x2  }
0x26: {  	s3 =	sadd.s32 $0x100, s3;
	s4 =	sadd.s32 s4, s9  }
0x27: {  	[tilespmem:s0], [sflag:$0x3] =	stream.linear.gather [hbm4b:s4+s1], $0x80, $0x38;
	[tilespmem:$0x14000] =	vst v63  }
0x28: {  	s24 =	simm.s32 $0x0  }
0x29: {  	_ =	swait.ge [sflag:s6], $0x2000;
	s26 =	sand.u32 $0x40, s24  }
0x2a: {  	s5 =	sand.u32 $0x3F00, s24;
	[sflag:s6] =	ssyncset.done $0x0;
	s4 =	sor.u32 $0x30, s26  }
0x2b: {  	[sflag:s6] =	ssyncadd.s32 $0xFFFFE000;
	s28 =	sor.u32 s5, s4  }
0x2c: {  	s3 =	sor.u32 $0x10, s26;
	v1 =	vld [tilespmem:s28+$0x4000]  }
0x2d: {  	s2 =	sor.u32 $0x20, s26;
	s7 =	sor.u32 s5, s3;
	v2 =	vld [tilespmem:s28+$0x0]  }
0x2e: {  	s30 =	sor.u32 s5, s2;
	v3 =	vld [tilespmem:s7+$0x4000]  }
0x2f: {  	s0 =	sor.u32 s26, s5;
	v4 =	vld [tilespmem:s30+$0x4000]  }
0x30: {  	v5 =	vld [tilespmem:s0+$0x4000]  }
0x31: {  	v6 =	vld [tilespmem:s7+$0x0]  }
0x32: {  	v7 =	vld [tilespmem:s30+$0x0]  }
0x33: {  	v8 =	vld [tilespmem:s0+$0x0]  }
0x34: {  	s26 =	simm.s32 $0x40  }
0x35: {  	s7 =	sand.u32 $0x40, s26;
	s0 =	simm.s32 $0x80;
	v1 =	vmul.f32 $1.023000000e+03, v1;
	v2 =	vmul.f32 $1.023000000e+03, v2  }
0x36: {  	s8 =	sand.u32 $0x3F00, s0;
	s25 =	sor.u32 $0x10, s7;
	v3 =	vmul.f32 $1.023000000e+03, v3;
	v4 =	vmul.f32 $1.023000000e+03, v4  }
0x37: {  	s30 =	sor.u32 s8, s25;
	v5 =	vmul.f32 $1.023000000e+03, v5;
	v6 =	vmul.f32 $1.023000000e+03, v6  }
0x38: {  	s6 =	sor.u32 s7, s8;
	v10 =	vld [tilespmem:s30+$0x4000];
	v7 =	vmul.f32 $1.023000000e+03, v7;
	v8 =	vmul.f32 $1.023000000e+03, v8  }
0x39: {  	v12 =	vld [tilespmem:s6+$0x4000];
	v1 =	vtrunc.f32 v1;
	v2 =	vtrunc.f32 v2  }
0x3a: {  	v3 =	vtrunc.f32 v3;
	v5 =	vtrunc.f32 v5  }
0x3b: {  	v4 =	vtrunc.f32 v4;
	v1 =	vcvt.f32.s32 v1  }
0x3c: {  	v2 =	vcvt.f32.s32 v2;
	v3 =	vcvt.f32.s32 v3  }
0x3d: {  	v4 =	vcvt.f32.s32 v4;
	v10 =	vmul.f32 $1.023000000e+03, v10  }
0x3e: {  	v62 =	vmul.f32 $1.023000000e+03, v12;
	vm0 =	vgt.s32 v1, $0x0;
	vm9 =	vgt.s32 v2, $0x0  }
0x3f: {  	vm10 =	vgt.s32 v3, $0x0;
	vm1 =	vgt.s32 v4, $0x0;
	v1 =	vnsel vm0, $0x0, v1  }
0x40: {  	v2 =	vnsel vm9, $0x0, v2;
	v3 =	vnsel vm10, $0x0, v3;
	v1 =	vmin.u32 v1, $0x3FF  }
0x41: {  	s9 =	sor.u32 $0x30, s7;
	v4 =	vnsel vm1, $0x0, v4;
	v2 =	vmin.u32 v2, $0x3FF;
	v1 =	vshll.u32 v1, $0xA  }
0x42: {  	s29 =	sor.u32 s8, s9;
	v9 =	vor.u32 v2, v1;
	v1 =	vcvt.f32.s32 v5;
	v2 =	vtrunc.f32 v6  }
0x43: {  	v3 =	vmin.u32 v3, $0x3FF;
	v5 =	vtrunc.f32 v8;
	v6 =	vtrunc.f32 v7;
	v7 =	vld [tilespmem:s29+$0x4000]  }
0x44: {  	v4 =	vmin.u32 v4, $0x3FF;
	v8 =	vld [tilespmem:s29+$0x0];
	v2 =	vcvt.f32.s32 v2;
	v5 =	vcvt.f32.s32 v5  }
0x45: {  	v3 =	vshll.u32 v3, $0xA;
	v6 =	vcvt.f32.s32 v6;
	vm2 =	vgt.s32 v1, $0x0  }
0x46: {  	s28 =	sor.u32 $0x20, s7;
	v1 =	vnsel vm2, $0x0, v1;
	vm11 =	vgt.s32 v2, $0x0;
	vm12 =	vgt.s32 v5, $0x0  }
0x47: {  	s29 =	sor.u32 s8, s28;
	vm13 =	vgt.s32 v6, $0x0;
	v1 =	vmin.u32 v1, $0x3FF;
	v2 =	vnsel vm11, $0x0, v2  }
0x48: {  	v11 =	vld [tilespmem:s29+$0x4000];
	v5 =	vnsel vm12, $0x0, v5;
	v7 =	vmul.f32 $1.023000000e+03, v7;
	v14 =	vshll.u32 v1, $0xA  }
0x49: {  	v1 =	vshll.u32 v4, $0xA;
	v4 =	vld [tilespmem:s29+$0x0];
	v8 =	vmul.f32 $1.023000000e+03, v8;
	v2 =	vmin.u32 v2, $0x3FF  }
0x4a: {  	v13 =	vld [tilespmem:s30+$0x0];
	v6 =	vnsel vm13, $0x0, v6;
	v15 =	vor.u32 v2, v3;
	v2 =	vtrunc.f32 v7  }
0x4b: {  	v16 =	vmin.u32 v5, $0x3FF;
	v5 =	vcvt.f32.s32 v2;
	v2 =	vtrunc.f32 v8  }
0x4c: {  	s24 =	sand.u32 $0x1F80, s24;
	v63 =	vtrunc.f32 v10;
	v6 =	vmin.u32 v6, $0x3FF;
	v3 =	vld [tilespmem:s6+$0x0];
	v7 =	vcvt.f32.s32 v2  }
0x4d: {  	v6 =	vor.u32 v6, v1;
	s6 =	sor.u32 $0xC000, s24;
	v8 =	vmul.f32 $1.023000000e+03, v11;
	vm14 =	vgt.s32 v5, $0x0  }
0x4e: {  	s4 =	sor.u32 s4, s6;
	v1 =	vmul.f32 $1.023000000e+03, v4;
	v4 =	vnsel vm14, $0x0, v5;
	vm15 =	vgt.s32 v7, $0x0  }
0x4f: {  	s26 =	sand.u32 $0x1F80, s26;
	s3 =	sor.u32 s3, s6;
	s6 =	sor.u32 s2, s6;
	[tilespmem:s4+$0x0] =	vst v9;
	v2 =	vmul.f32 $1.023000000e+03, v13;
	v4 =	vmin.u32 v4, $0x3FF;
	v5 =	vnsel vm15, $0x0, v7  }
0x50: {  	s30 =	sor.u32 $0xC000, s26;
	[tilespmem:s6+$0x0] =	vst v6;
	v6 =	vtrunc.f32 v8;
	v5 =	vmin.u32 v5, $0x3FF;
	v4 =	vshll.u32 v4, $0xA  }
0x51: {  	s26 =	sor.u32 s25, s30;
	s29 =	simm.s32 $0x4;
	[tilespmem:s3+$0x0] =	vst v15;
	s4 =	sor.u32 s9, s30;
	v3 =	vmul.f32 $1.023000000e+03, v3;
	v7 =	vtrunc.f32 v62;
	v8 =	vor.u32 v5, v4  }
0x52: {  	s24 =	sor.u32 s28, s30;
	s2 =	simm.s32 $0xC000;
	s3 =	simm.s32 $0x80;
	v5 =	vcvt.f32.s32 v63;
	v4 =	vcvt.f32.s32 v6;
	v6 =	vor.u32 v16, v14;
	[tilespmem:s4+$0x0] =	vst v8  }
.LBB2_6:
0x53: {  	s6 =	sand.u32 $0x40, s3;
	s29 =	sadd.s32 $0x4, s29;
	v7 =	vcvt.f32.s32 v7;
	v2 =	vtrunc.f32 v2;
	s0 =	sadd.s32 $0x80, s0;
	[tilespmem:s2+$0x0] =	vst v6  }
0x54: {  	v3 =	vtrunc.f32 v3;
	v1 =	vtrunc.f32 v1;
	s7 =	sand.u32 $0x3F00, s0;
	s4 =	sor.u32 $0x30, s6;
	p0 =	slt.u32 s29, $0x1FC;
	vm0 =	vgt.s32 v5, $0x0  }
0x55: {  	s25 =	sor.u32 $0x10, s6;
	s5 =	sor.u32 $0x20, s6;
	v2 =	vcvt.f32.s32 v2;
	vm1 =	vgt.s32 v4, $0x0;
	v1 =	vcvt.f32.s32 v1;
	s28 =	sor.u32 s7, s4  }
0x56: {  	v3 =	vcvt.f32.s32 v3;
	s6 =	sor.u32 s6, s7;
	s30 =	sor.u32 s7, s25;
	s7 =	sor.u32 s7, s5;
	vm2 =	vgt.s32 v7, $0x0;
	v5 =	vnsel vm0, $0x0, v5;
	v6 =	vld [tilespmem:s28+$0x4000]  }
0x57: {  	v4 =	vnsel vm1, $0x0, v4;
	v7 =	vnsel vm2, $0x0, v7;
	vm0 =	vgt.s32 v2, $0x0;
	v8 =	vld [tilespmem:s28+$0x0]  }
0x58: {  	vm1 =	vgt.s32 v3, $0x0;
	v5 =	vmin.u32 v5, $0x3FF;
	vm2 =	vgt.s32 v1, $0x0;
	v9 =	vld [tilespmem:s30+$0x4000]  }
0x59: {  	v4 =	vmin.u32 v4, $0x3FF;
	v7 =	vmin.u32 v7, $0x3FF;
	v2 =	vnsel vm0, $0x0, v2;
	v10 =	vld [tilespmem:s7+$0x4000]  }
0x5a: {  	v3 =	vnsel vm1, $0x0, v3;
	v5 =	vshll.u32 v5, $0xA;
	v1 =	vnsel vm2, $0x0, v1;
	v11 =	vld [tilespmem:s6+$0x4000]  }
0x5b: {  	v4 =	vshll.u32 v4, $0xA;
	v13 =	vshll.u32 v7, $0xA;
	v12 =	vld [tilespmem:s30+$0x0];
	v6 =	vmul.f32 $1.023000000e+03, v6  }
0x5c: {  	v2 =	vmin.u32 v2, $0x3FF;
	v1 =	vmin.u32 v1, $0x3FF;
	v7 =	vld [tilespmem:s7+$0x0];
	v8 =	vmul.f32 $1.023000000e+03, v8  }
0x5d: {  	v15 =	vmin.u32 v3, $0x3FF;
	v14 =	vld [tilespmem:s6+$0x0];
	v9 =	vmul.f32 $1.023000000e+03, v9;
	v6 =	vtrunc.f32 v6  }
0x5e: {  	v2 =	vor.u32 v2, v5;
	v3 =	vcvt.f32.s32 v6;
	v6 =	vtrunc.f32 v8  }
0x5f: {  	v1 =	vor.u32 v1, v4;
	v5 =	vmul.f32 $1.023000000e+03, v10;
	v6 =	vcvt.f32.s32 v6;
	[tilespmem:s26+$0x0] =	vst v2  }
0x60: {  	v4 =	vmul.f32 $1.023000000e+03, v11;
	v2 =	vmul.f32 $1.023000000e+03, v12;
	vm0 =	vgt.s32 v3, $0x0;
	[tilespmem:s24+$0x0] =	vst v1  }
.Ltmp2:
0x61: {  	v1 =	vmul.f32 $1.023000000e+03, v7;
	v7 =	vnsel vm0, $0x0, v3;
	vm0 =	vgt.s32 v6, $0x0;
	(pc) =	sbr.rel @p0 .LBB2_6-.Ltmp2, $4  }
0x62: {  	s6 =	sand.u32 $0x1F80, s3;
	v3 =	vmul.f32 $1.023000000e+03, v14;
	v7 =	vmin.u32 v7, $0x3FF;
	v6 =	vnsel vm0, $0x0, v6  }
0x63: {  	s6 =	sor.u32 $0xC000, s6;
	v8 =	vtrunc.f32 v9;
	v6 =	vmin.u32 v6, $0x3FF;
	v9 =	vshll.u32 v7, $0xA  }
0x64: {  	s26 =	sor.u32 s25, s6;
	s4 =	sor.u32 s4, s6;
	s24 =	sor.u32 s5, s6;
	v7 =	vtrunc.f32 v4;
	v4 =	vtrunc.f32 v5;
	v6 =	vor.u32 v6, v9  }
0x65: {  	s2 =	sadd.s32 $0x40, s2;
	s3 =	sadd.s32 $0x40, s3;
	v5 =	vcvt.f32.s32 v8;
	v4 =	vcvt.f32.s32 v4;
	[tilespmem:s4+$0x0] =	vst v6;
	v6 =	vor.u32 v15, v13  }
0x66: {  	v7 =	vcvt.f32.s32 v7  }
0x67: {  	v2 =	vtrunc.f32 v2;
	v3 =	vtrunc.f32 v3  }
0x68: {  	v1 =	vtrunc.f32 v1;
	vm0 =	vgt.s32 v5, $0x0;
	v2 =	vcvt.f32.s32 v2  }
0x69: {  	v3 =	vcvt.f32.s32 v3;
	vm12 =	vgt.s32 v4, $0x0;
	v1 =	vcvt.f32.s32 v1  }
0x6a: {  	vm1 =	vgt.s32 v7, $0x0;
	v5 =	vnsel vm0, $0x0, v5;
	v4 =	vnsel vm12, $0x0, v4  }
0x6b: {  	v7 =	vnsel vm1, $0x0, v7;
	vm13 =	vgt.s32 v2, $0x0;
	vm14 =	vgt.s32 v3, $0x0  }
0x6c: {  	v5 =	vmin.u32 v5, $0x3FF;
	vm15 =	vgt.s32 v1, $0x0;
	v4 =	vmin.u32 v4, $0x3FF  }
0x6d: {  	v2 =	vnsel vm13, $0x0, v2;
	v7 =	vmin.u32 v7, $0x3FF;
	v3 =	vnsel vm14, $0x0, v3  }
0x6e: {  	v5 =	vshll.u32 v5, $0xA;
	v1 =	vnsel vm15, $0x0, v1;
	v2 =	vmin.u32 v2, $0x3FF  }
0x6f: {  	[tilespmem:s2+$0x0] =	vst v6;
	v4 =	vshll.u32 v4, $0xA;
	v1 =	vmin.u32 v1, $0x3FF;
	v2 =	vor.u32 v2, v5  }
0x70: {  	v63 =	vshll.u32 v7, $0xA;
	v3 =	vmin.u32 v3, $0x3FF;
	v1 =	vor.u32 v1, v4;
	[tilespmem:s26+$0x0] =	vst v2  }
0x71: {  	s0 =	sadd.s32 $0x40, s2;
	[tilespmem:s24+$0x0] =	vst v1;
	v1 =	vor.u32 v3, v63  }
0x72: {  	s30 =	simm.s32 $0x2000;
	s3 =	simm.s32 $0xC000;
	[tilespmem:s0+$0x0] =	vst v1  }
0x73: {  	s4 =	simm.s32 $0x10000;
	s2 =	simm.s32 $0x10;
	s0 =	rddreg [dreg:$0x7]  }
0x74: {  	[tilespmem:s4], [sflag:$0x1] =	stream.indirect.gather [hbm4b:s0+s30], $0x1, s3, s30, $0xb8;
	[tilespmem:$0x14000] =	vst v63  }
0x75: {  	s0 =	simm.s32 $0x8000;
	s4 =	sadd.s32 $0x0, s10;
	s3 =	simm.s32 $0x8100  }
.LBB2_8:
0x76: {  	[tilespmem:s0], [sflag:$0x3] =	stream.linear.gather [hbm4b:s4+s1], $0x80, $0x38;
	[tilespmem:$0x14000] =	vst v63  }
0x77: {  	s4 =	smov.u32 s2;
	s0 =	smov.u32 s3;
	p0 =	sne.s32 s2, $0x3F0  }
.Ltmp3:
0x78: {  	s2 =	sadd.s32 $0x10, s2;
	(pc) =	sbr.rel @p0 .LBB2_8-.Ltmp3, $2  }
0x79: {  	_ =	sdelay $0x2  }
0x7a: {  	s3 =	sadd.s32 $0x100, s3;
	s4 =	sadd.s32 s4, s10  }
0x7b: {  	[tilespmem:s0], [sflag:$0x3] =	stream.linear.gather [hbm4b:s4+s1], $0x80, $0x38;
	[tilespmem:$0x14000] =	vst v63  }
0x7c: {  	s6 =	simm.s32 $0x3  }
0x7d: {  	_ =	swait.ge [sflag:s6], $0x2000  }
0x7e: {  	s0 =	simm.s32 $0x80;
	s2 =	simm.s32 $0x10;
	[sflag:s6] =	ssyncset.done $0x0  }
0x7f: {  	s4 =	sadd.s32 $0x0, s11;
	s3 =	simm.s32 $0x180;
	[sflag:s6] =	ssyncadd.s32 $0xFFFFE000  }
.LBB2_10:
0x80: {  	[tilespmem:s0], [sflag:$0x3] =	stream.linear.gather [hbm4b:s4+s1], $0x80, $0x38;
	[tilespmem:$0x14000] =	vst v63  }
0x81: {  	s4 =	smov.u32 s2;
	s0 =	smov.u32 s3;
	p0 =	sne.s32 s2, $0x3F0  }
.Ltmp4:
0x82: {  	s2 =	sadd.s32 $0x10, s2;
	(pc) =	sbr.rel @p0 .LBB2_10-.Ltmp4, $2  }
0x83: {  	_ =	sdelay $0x2  }
0x84: {  	s3 =	sadd.s32 $0x100, s3;
	s4 =	sadd.s32 s4, s11  }
0x85: {  	[tilespmem:s0], [sflag:$0x3] =	stream.linear.gather [hbm4b:s4+s1], $0x80, $0x38;
	[tilespmem:$0x14000] =	vst v63  }
0x86: {  	_ =	swait.ge [sflag:s6], $0x2000  }
0x87: {  	s0 =	simm.s32 $0x4080;
	s2 =	simm.s32 $0x10;
	[sflag:s6] =	ssyncset.done $0x0  }
0x88: {  	s4 =	sadd.s32 $0x0, s12;
	s3 =	simm.s32 $0x4180;
	[sflag:s6] =	ssyncadd.s32 $0xFFFFE000  }
.LBB2_12:
0x89: {  	[tilespmem:s0], [sflag:$0x3] =	stream.linear.gather [hbm4b:s4+s1], $0x80, $0x38;
	[tilespmem:$0x14000] =	vst v63  }
0x8a: {  	s4 =	smov.u32 s2;
	s0 =	smov.u32 s3;
	p0 =	sne.s32 s2, $0x3F0  }
.Ltmp5:
0x8b: {  	s2 =	sadd.s32 $0x10, s2;
	(pc) =	sbr.rel @p0 .LBB2_12-.Ltmp5, $2  }
0x8c: {  	_ =	sdelay $0x2  }
0x8d: {  	s3 =	sadd.s32 $0x100, s3;
	s4 =	sadd.s32 s4, s12  }
0x8e: {  	[tilespmem:s0], [sflag:$0x3] =	stream.linear.gather [hbm4b:s4+s1], $0x80, $0x38;
	[tilespmem:$0x14000] =	vst v63  }
0x8f: {  	s24 =	simm.s32 $0x0  }
0x90: {  	_ =	swait.ge [sflag:s6], $0x2000;
	s30 =	sand.u32 $0x40, s24  }
0x91: {  	s5 =	sand.u32 $0x3F00, s24;
	[sflag:s6] =	ssyncset.done $0x0;
	s4 =	sor.u32 $0x30, s30  }
0x92: {  	[sflag:s6] =	ssyncadd.s32 $0xFFFFE000;
	s8 =	sor.u32 s5, s4  }
0x93: {  	s3 =	sor.u32 $0x10, s30;
	v1 =	vld [tilespmem:s8+$0x4080]  }
0x94: {  	s2 =	sor.u32 $0x20, s30;
	s7 =	sor.u32 s5, s3;
	v2 =	vld [tilespmem:s8+$0x80]  }
0x95: {  	s9 =	sor.u32 s5, s2;
	v3 =	vld [tilespmem:s7+$0x4080]  }
0x96: {  	s0 =	sor.u32 s30, s5;
	v4 =	vld [tilespmem:s9+$0x4080]  }
0x97: {  	v5 =	vld [tilespmem:s0+$0x4080]  }
0x98: {  	v6 =	vld [tilespmem:s7+$0x80]  }
0x99: {  	v7 =	vld [tilespmem:s9+$0x80]  }
0x9a: {  	v8 =	vld [tilespmem:s0+$0x80]  }
0x9b: {  	s26 =	simm.s32 $0x40  }
0x9c: {  	s10 =	sand.u32 $0x40, s26;
	s0 =	simm.s32 $0x80;
	v1 =	vmul.f32 $1.023000000e+03, v1;
	v2 =	vmul.f32 $1.023000000e+03, v2  }
0x9d: {  	s25 =	sor.u32 $0x10, s10;
	s11 =	sand.u32 $0x3F00, s0;
	v3 =	vmul.f32 $1.023000000e+03, v3;
	v4 =	vmul.f32 $1.023000000e+03, v4  }
0x9e: {  	s30 =	sor.u32 s11, s25;
	v5 =	vmul.f32 $1.023000000e+03, v5;
	v6 =	vmul.f32 $1.023000000e+03, v6  }
0x9f: {  	s6 =	sor.u32 s10, s11;
	v10 =	vld [tilespmem:s30+$0x4080];
	v7 =	vmul.f32 $1.023000000e+03, v7;
	v8 =	vmul.f32 $1.023000000e+03, v8  }
0xa0: {  	v12 =	vld [tilespmem:s6+$0x4080];
	v1 =	vtrunc.f32 v1;
	v2 =	vtrunc.f32 v2  }
0xa1: {  	v3 =	vtrunc.f32 v3;
	v5 =	vtrunc.f32 v5  }
0xa2: {  	v4 =	vtrunc.f32 v4;
	v1 =	vcvt.f32.s32 v1  }
0xa3: {  	v2 =	vcvt.f32.s32 v2;
	v3 =	vcvt.f32.s32 v3  }
0xa4: {  	v4 =	vcvt.f32.s32 v4;
	v10 =	vmul.f32 $1.023000000e+03, v10  }
0xa5: {  	v62 =	vmul.f32 $1.023000000e+03, v12;
	vm0 =	vgt.s32 v1, $0x0;
	vm9 =	vgt.s32 v2, $0x0  }
0xa6: {  	vm10 =	vgt.s32 v3, $0x0;
	vm1 =	vgt.s32 v4, $0x0;
	v1 =	vnsel vm0, $0x0, v1  }
0xa7: {  	v2 =	vnsel vm9, $0x0, v2;
	v3 =	vnsel vm10, $0x0, v3;
	v1 =	vmin.u32 v1, $0x3FF  }
0xa8: {  	s12 =	sor.u32 $0x30, s10;
	v4 =	vnsel vm1, $0x0, v4;
	v2 =	vmin.u32 v2, $0x3FF;
	v1 =	vshll.u32 v1, $0xA  }
0xa9: {  	s29 =	sor.u32 s11, s12;
	v9 =	vor.u32 v2, v1;
	v1 =	vcvt.f32.s32 v5;
	v2 =	vtrunc.f32 v6  }
0xaa: {  	v3 =	vmin.u32 v3, $0x3FF;
	v5 =	vtrunc.f32 v8;
	v6 =	vtrunc.f32 v7;
	v7 =	vld [tilespmem:s29+$0x4080]  }
0xab: {  	v4 =	vmin.u32 v4, $0x3FF;
	v8 =	vld [tilespmem:s29+$0x80];
	v2 =	vcvt.f32.s32 v2;
	v5 =	vcvt.f32.s32 v5  }
0xac: {  	v3 =	vshll.u32 v3, $0xA;
	v6 =	vcvt.f32.s32 v6;
	vm2 =	vgt.s32 v1, $0x0  }
0xad: {  	s28 =	sor.u32 $0x20, s10;
	v1 =	vnsel vm2, $0x0, v1;
	vm11 =	vgt.s32 v2, $0x0;
	vm12 =	vgt.s32 v5, $0x0  }
0xae: {  	s29 =	sor.u32 s11, s28;
	vm13 =	vgt.s32 v6, $0x0;
	v1 =	vmin.u32 v1, $0x3FF;
	v2 =	vnsel vm11, $0x0, v2  }
0xaf: {  	v11 =	vld [tilespmem:s29+$0x4080];
	v5 =	vnsel vm12, $0x0, v5;
	v7 =	vmul.f32 $1.023000000e+03, v7;
	v14 =	vshll.u32 v1, $0xA  }
0xb0: {  	v1 =	vshll.u32 v4, $0xA;
	v4 =	vld [tilespmem:s29+$0x80];
	v8 =	vmul.f32 $1.023000000e+03, v8;
	v2 =	vmin.u32 v2, $0x3FF  }
0xb1: {  	v13 =	vld [tilespmem:s30+$0x80];
	v6 =	vnsel vm13, $0x0, v6;
	v15 =	vor.u32 v2, v3;
	v2 =	vtrunc.f32 v7  }
0xb2: {  	v16 =	vmin.u32 v5, $0x3FF;
	v5 =	vcvt.f32.s32 v2;
	v2 =	vtrunc.f32 v8  }
0xb3: {  	s24 =	sand.u32 $0x1F80, s24;
	v63 =	vtrunc.f32 v10;
	v6 =	vmin.u32 v6, $0x3FF;
	v3 =	vld [tilespmem:s6+$0x80];
	v7 =	vcvt.f32.s32 v2  }
0xb4: {  	v6 =	vor.u32 v6, v1;
	s6 =	sor.u32 $0xE000, s24;
	v8 =	vmul.f32 $1.023000000e+03, v11;
	vm14 =	vgt.s32 v5, $0x0  }
0xb5: {  	s4 =	sor.u32 s4, s6;
	v1 =	vmul.f32 $1.023000000e+03, v4;
	v4 =	vnsel vm14, $0x0, v5;
	vm15 =	vgt.s32 v7, $0x0  }
0xb6: {  	s26 =	sand.u32 $0x1F80, s26;
	s3 =	sor.u32 s3, s6;
	s6 =	sor.u32 s2, s6;
	[tilespmem:s4+$0x0] =	vst v9;
	v2 =	vmul.f32 $1.023000000e+03, v13;
	v4 =	vmin.u32 v4, $0x3FF;
	v5 =	vnsel vm15, $0x0, v7  }
0xb7: {  	s30 =	sor.u32 $0xE000, s26;
	[tilespmem:s6+$0x0] =	vst v6;
	v6 =	vtrunc.f32 v8;
	v5 =	vmin.u32 v5, $0x3FF;
	v4 =	vshll.u32 v4, $0xA  }
0xb8: {  	s26 =	sor.u32 s25, s30;
	s29 =	simm.s32 $0x4;
	[tilespmem:s3+$0x0] =	vst v15;
	s4 =	sor.u32 s12, s30;
	v3 =	vmul.f32 $1.023000000e+03, v3;
	v7 =	vtrunc.f32 v62;
	v8 =	vor.u32 v5, v4  }
0xb9: {  	s24 =	sor.u32 s28, s30;
	s2 =	simm.s32 $0xE000;
	s3 =	simm.s32 $0x80;
	v5 =	vcvt.f32.s32 v63;
	v4 =	vcvt.f32.s32 v6;
	v6 =	vor.u32 v16, v14;
	[tilespmem:s4+$0x0] =	vst v8  }
.LBB2_14:
0xba: {  	s6 =	sand.u32 $0x40, s3;
	s29 =	sadd.s32 $0x4, s29;
	v7 =	vcvt.f32.s32 v7;
	v2 =	vtrunc.f32 v2;
	s0 =	sadd.s32 $0x80, s0;
	[tilespmem:s2+$0x0] =	vst v6  }
0xbb: {  	v3 =	vtrunc.f32 v3;
	v1 =	vtrunc.f32 v1;
	s7 =	sand.u32 $0x3F00, s0;
	s4 =	sor.u32 $0x30, s6;
	p0 =	slt.u32 s29, $0x1FC;
	vm0 =	vgt.s32 v5, $0x0  }
0xbc: {  	s25 =	sor.u32 $0x10, s6;
	s5 =	sor.u32 $0x20, s6;
	v2 =	vcvt.f32.s32 v2;
	vm1 =	vgt.s32 v4, $0x0;
	v1 =	vcvt.f32.s32 v1;
	s28 =	sor.u32 s7, s4  }
0xbd: {  	v3 =	vcvt.f32.s32 v3;
	s6 =	sor.u32 s6, s7;
	s30 =	sor.u32 s7, s25;
	s7 =	sor.u32 s7, s5;
	vm2 =	vgt.s32 v7, $0x0;
	v5 =	vnsel vm0, $0x0, v5;
	v6 =	vld [tilespmem:s28+$0x4080]  }
0xbe: {  	v4 =	vnsel vm1, $0x0, v4;
	v7 =	vnsel vm2, $0x0, v7;
	vm0 =	vgt.s32 v2, $0x0;
	v8 =	vld [tilespmem:s28+$0x80]  }
0xbf: {  	vm1 =	vgt.s32 v3, $0x0;
	v5 =	vmin.u32 v5, $0x3FF;
	vm2 =	vgt.s32 v1, $0x0;
	v9 =	vld [tilespmem:s30+$0x4080]  }
0xc0: {  	v4 =	vmin.u32 v4, $0x3FF;
	v7 =	vmin.u32 v7, $0x3FF;
	v2 =	vnsel vm0, $0x0, v2;
	v10 =	vld [tilespmem:s7+$0x4080]  }
0xc1: {  	v3 =	vnsel vm1, $0x0, v3;
	v5 =	vshll.u32 v5, $0xA;
	v1 =	vnsel vm2, $0x0, v1;
	v11 =	vld [tilespmem:s6+$0x4080]  }
0xc2: {  	v4 =	vshll.u32 v4, $0xA;
	v13 =	vshll.u32 v7, $0xA;
	v12 =	vld [tilespmem:s30+$0x80];
	v6 =	vmul.f32 $1.023000000e+03, v6  }
0xc3: {  	v2 =	vmin.u32 v2, $0x3FF;
	v1 =	vmin.u32 v1, $0x3FF;
	v7 =	vld [tilespmem:s7+$0x80];
	v8 =	vmul.f32 $1.023000000e+03, v8  }
0xc4: {  	v15 =	vmin.u32 v3, $0x3FF;
	v14 =	vld [tilespmem:s6+$0x80];
	v9 =	vmul.f32 $1.023000000e+03, v9;
	v6 =	vtrunc.f32 v6  }
0xc5: {  	v2 =	vor.u32 v2, v5;
	v3 =	vcvt.f32.s32 v6;
	v6 =	vtrunc.f32 v8  }
0xc6: {  	v1 =	vor.u32 v1, v4;
	v5 =	vmul.f32 $1.023000000e+03, v10;
	v6 =	vcvt.f32.s32 v6;
	[tilespmem:s26+$0x0] =	vst v2  }
0xc7: {  	v4 =	vmul.f32 $1.023000000e+03, v11;
	v2 =	vmul.f32 $1.023000000e+03, v12;
	vm0 =	vgt.s32 v3, $0x0;
	[tilespmem:s24+$0x0] =	vst v1  }
.Ltmp6:
0xc8: {  	v1 =	vmul.f32 $1.023000000e+03, v7;
	v7 =	vnsel vm0, $0x0, v3;
	vm0 =	vgt.s32 v6, $0x0;
	(pc) =	sbr.rel @p0 .LBB2_14-.Ltmp6, $4  }
0xc9: {  	s6 =	sand.u32 $0x1F80, s3;
	v3 =	vmul.f32 $1.023000000e+03, v14;
	v7 =	vmin.u32 v7, $0x3FF;
	v6 =	vnsel vm0, $0x0, v6  }
0xca: {  	s6 =	sor.u32 $0xE000, s6;
	v8 =	vtrunc.f32 v9;
	v6 =	vmin.u32 v6, $0x3FF;
	v9 =	vshll.u32 v7, $0xA  }
0xcb: {  	s26 =	sor.u32 s25, s6;
	s4 =	sor.u32 s4, s6;
	s24 =	sor.u32 s5, s6;
	v7 =	vtrunc.f32 v4;
	v4 =	vtrunc.f32 v5;
	v6 =	vor.u32 v6, v9  }
0xcc: {  	s2 =	sadd.s32 $0x40, s2;
	s3 =	sadd.s32 $0x40, s3;
	v5 =	vcvt.f32.s32 v8;
	v4 =	vcvt.f32.s32 v4;
	[tilespmem:s4+$0x0] =	vst v6;
	v6 =	vor.u32 v15, v13  }
0xcd: {  	v7 =	vcvt.f32.s32 v7  }
0xce: {  	v2 =	vtrunc.f32 v2;
	v3 =	vtrunc.f32 v3  }
0xcf: {  	v1 =	vtrunc.f32 v1;
	vm0 =	vgt.s32 v5, $0x0;
	v2 =	vcvt.f32.s32 v2  }
0xd0: {  	v3 =	vcvt.f32.s32 v3;
	vm12 =	vgt.s32 v4, $0x0;
	v1 =	vcvt.f32.s32 v1  }
0xd1: {  	vm1 =	vgt.s32 v7, $0x0;
	v5 =	vnsel vm0, $0x0, v5;
	v4 =	vnsel vm12, $0x0, v4  }
0xd2: {  	v7 =	vnsel vm1, $0x0, v7;
	vm13 =	vgt.s32 v2, $0x0;
	vm14 =	vgt.s32 v3, $0x0  }
0xd3: {  	v5 =	vmin.u32 v5, $0x3FF;
	vm15 =	vgt.s32 v1, $0x0;
	v4 =	vmin.u32 v4, $0x3FF  }
0xd4: {  	v2 =	vnsel vm13, $0x0, v2;
	v7 =	vmin.u32 v7, $0x3FF;
	v3 =	vnsel vm14, $0x0, v3  }
0xd5: {  	v5 =	vshll.u32 v5, $0xA;
	v1 =	vnsel vm15, $0x0, v1;
	v2 =	vmin.u32 v2, $0x3FF  }
0xd6: {  	[tilespmem:s2+$0x0] =	vst v6;
	v4 =	vshll.u32 v4, $0xA;
	v1 =	vmin.u32 v1, $0x3FF;
	v2 =	vor.u32 v2, v5  }
0xd7: {  	v63 =	vshll.u32 v7, $0xA;
	v3 =	vmin.u32 v3, $0x3FF;
	v1 =	vor.u32 v1, v4;
	[tilespmem:s26+$0x0] =	vst v2  }
0xd8: {  	s0 =	sadd.s32 $0x40, s2;
	[tilespmem:s24+$0x0] =	vst v1;
	v1 =	vor.u32 v3, v63  }
0xd9: {  	s30 =	simm.s32 $0x2000;
	s3 =	simm.s32 $0xE000;
	[tilespmem:s0+$0x0] =	vst v1  }
0xda: {  	s4 =	simm.s32 $0x12000;
	s2 =	simm.s32 $0x10;
	s0 =	rddreg [dreg:$0x7]  }
0xdb: {  	[tilespmem:s4], [sflag:$0x2] =	stream.indirect.gather [hbm4b:s0+s30], $0x1, s3, s30, $0xb8;
	[tilespmem:$0x14000] =	vst v63  }
0xdc: {  	s0 =	simm.s32 $0x8080;
	s4 =	sadd.s32 $0x0, s31;
	s3 =	simm.s32 $0x8180  }
.LBB2_16:
0xdd: {  	[tilespmem:s0], [sflag:$0x3] =	stream.linear.gather [hbm4b:s4+s1], $0x80, $0x38;
	[tilespmem:$0x14000] =	vst v63  }
0xde: {  	s4 =	smov.u32 s2;
	s0 =	smov.u32 s3;
	p0 =	sne.s32 s2, $0x3F0  }
.Ltmp7:
0xdf: {  	s2 =	sadd.s32 $0x10, s2;
	(pc) =	sbr.rel @p0 .LBB2_16-.Ltmp7, $2  }
0xe0: {  	_ =	sdelay $0x2  }
0xe1: {  	s3 =	sadd.s32 $0x100, s3;
	s4 =	sadd.s32 s4, s31  }
0xe2: {  	[tilespmem:s0], [sflag:$0x3] =	stream.linear.gather [hbm4b:s4+s1], $0x80, $0x38;
	[tilespmem:$0x14000] =	vst v63  }
0xe3: {  	s24 =	simm.s32 $0x3  }
0xe4: {  	_ =	swait.ge [sflag:s24], $0x2000  }
0xe5: {  	[sflag:s24] =	ssyncset.done $0x0  }
0xe6: {  	s25 =	simm.s32 $0x1;
	[sflag:s24] =	ssyncadd.s32 $0xFFFFE000  }
0xe7: {  	_ =	swait.ge [sflag:s25], $0x2000  }
0xe8: {  	s26 =	simm.s32 $0x0;
	s2 =	simm.s32 $0x10000;
	[sflag:s25] =	ssyncset.done $0x0  }
0xe9: {  	s3 =	sand.u32 $0x40, s26;
	s5 =	sand.u32 $0x1F80, s26;
	[sflag:s25] =	ssyncadd.s32 $0xFFFFE000  }
0xea: {  	s6 =	simm.s32 $0x10040;
	s5 =	sor.u32 $0x10000, s5;
	s7 =	sor.u32 $0x30, s3;
	v1 =	vld [tilespmem:s2+$0x0]  }
0xeb: {  	s0 =	sand.u32 $0x3F00, s26;
	s8 =	sor.u32 s7, s5;
	v2 =	vld [tilespmem:s6+$0x0]  }
0xec: {  	s4 =	sor.u32 s0, s7;
	s7 =	sor.u32 $0x20, s3;
	v3 =	vld [tilespmem:s8+$0x0]  }
0xed: {  	s30 =	sor.u32 s0, s7;
	v4 =	vld [tilespmem:s4+$0x8000]  }
0xee: {  	s29 =	sor.u32 s3, s0;
	s6 =	sor.u32 $0x10, s3;
	v8 =	vld [tilespmem:s30+$0x8000]  }
0xef: {  	v11 =	vld [tilespmem:s29+$0x8000];
	s9 =	sor.u32 s6, s5  }
0xf0: {  	s5 =	sor.u32 s7, s5;
	v5 =	vld [tilespmem:s9+$0x0]  }
0xf1: {  	s10 =	simm.s32 $0x40;
	s26 =	sor.u32 s0, s6;
	v6 =	vld [tilespmem:s5+$0x0]  }
0xf2: {  	s3 =	sand.u32 $0x40, s10;
	s0 =	sand.u32 $0x1F80, s10;
	v7 =	vld [tilespmem:s26+$0x8000]  }
0xf3: {  	v12 =	vld [tilespmem:s4+$0x0];
	s7 =	sor.u32 $0x30, s3;
	s24 =	sor.u32 $0x10000, s0;
	v9 =	vand.u32 $0xFFFFFFFE, v3;
	v10 =	vand.u32 $0x1, v1  }
0xf4: {  	v14 =	vld [tilespmem:s30+$0x0];
	s9 =	sor.u32 s7, s24;
	v3 =	vand.u32 $0x1, v3;
	v4 =	vadd.f32 v9, v4;
	v9 =	vcvt.s32.f32 v10  }
0xf5: {  	v10 =	vand.u32 $0xFFFFFFFE, v1;
	v17 =	vcvt.s32.f32 v3;
	v3 =	vld [tilespmem:s9+$0x0];
	v1 =	vand.u32 $0x1, v5  }
0xf6: {  	s12 =	simm.s32 $0x80;
	v16 =	vld [tilespmem:s29+$0x0];
	s25 =	sor.u32 $0x20, s3;
	v5 =	vand.u32 $0xFFFFFFFE, v5;
	v4 =	vmul.f32 v4, v0;
	[tilespmem:s29+$0x4000] =	vst v9;
	v9 =	vand.u32 $0x1, v6  }
0xf7: {  	s8 =	sand.u32 $0x3F00, s12;
	v13 =	vld [tilespmem:s26+$0x0];
	s6 =	sor.u32 s25, s24;
	v6 =	vand.u32 $0xFFFFFFFE, v6;
	v5 =	vadd.f32 v5, v7;
	v15 =	vcvt.s32.f32 v1  }
0xf8: {  	s0 =	sor.u32 s8, s7;
	v19 =	vld [tilespmem:s6+$0x0];
	v7 =	vadd.f32 v10, v11;
	v6 =	vadd.f32 v6, v8;
	v8 =	vcvt.s32.f32 v9  }
0xf9: {  	s11 =	simm.s32 $0x10080;
	s10 =	sor.u32 $0x10, s3;
	v10 =	vand.u32 $0x1, v2;
	v9 =	vld [tilespmem:s0+$0x8000];
	v4 =	vmul.f32 $9.999999970e-07, v4;
	v5 =	vmul.f32 v5, v0  }
0xfa: {  	v1 =	vld [tilespmem:s11+$0x0];
	s11 =	sor.u32 s10, s24;
	v7 =	vmul.f32 v7, v0;
	v6 =	vmul.f32 v6, v0;
	v21 =	vand.u32 $0x1, v3  }
0xfb: {  	v18 =	vld [tilespmem:s11+$0x0];
	v3 =	vand.u32 $0xFFFFFFFE, v3;
	v4 =	vadd.f32 v4, v12;
	v5 =	vmul.f32 $9.999999970e-07, v5  }
0xfc: {  	s24 =	sor.u32 s8, s10;
	v11 =	vmul.f32 $9.999999970e-07, v7;
	v7 =	vand.u32 $0xFFFFFFFE, v2;
	v6 =	vmul.f32 $9.999999970e-07, v6  }
0xfd: {  	s31 =	sor.u32 s8, s25;
	v2 =	vld [tilespmem:s24+$0x8000];
	v4 =	vmax.f32 v4, $0.0e+00;
	v5 =	vadd.f32 v5, v13;
	v13 =	vcvt.s32.f32 v10  }
0xfe: {  	s2 =	sor.u32 s3, s8;
	v20 =	vld [tilespmem:s31+$0x8000];
	[tilespmem:s26+$0x4000] =	vst v15;
	v15 =	vadd.f32 v3, v9;
	v4 =	vmin.f32 v4, $1.000000000e+00;
	v6 =	vadd.f32 v6, v14  }
0xff: {  	v14 =	vadd.f32 v11, v16;
	v11 =	vld [tilespmem:s2+$0x8000];
	v16 =	vand.u32 $0xFFFFFFFE, v19;
	v12 =	vmax.f32 v5, $0.0e+00  }
0x100: {  	s28 =	simm.s32 $0x80;
	v10 =	vld [tilespmem:s0+$0x0];
	v5 =	vand.u32 $0x1, v18;
	[tilespmem:s4+$0x0] =	vst v4;
	v4 =	vand.u32 $0x1, v19;
	v9 =	vmax.f32 v6, $0.0e+00  }
0x101: {  	s12 =	sand.u32 $0x1F80, s28;
	[tilespmem:s30+$0x4000] =	vst v8;
	v3 =	vld [tilespmem:s24+$0x0];
	v6 =	vand.u32 $0xFFFFFFFE, v18;
	v8 =	vmax.f32 v14, $0.0e+00;
	v18 =	vmul.f32 v15, v0  }
0x102: {  	s3 =	simm.s32 $0x100C0;
	s5 =	sand.u32 $0x40, s28;
	s25 =	simm.s32 $0x100;
	[tilespmem:s2+$0x4000] =	vst v13;
	v13 =	vcvt.s32.f32 v5;
	v5 =	vcvt.s32.f32 v4;
	v4 =	vld [tilespmem:s2+$0x0];
	v14 =	vadd.f32 v6, v2  }
0x103: {  	s7 =	sor.u32 $0x30, s5;
	s6 =	sor.u32 $0x10000, s12;
	[tilespmem:s4+$0x4000] =	vst v17;
	s4 =	simm.s32 $0x8;
	v15 =	vadd.f32 v16, v20;
	v6 =	vld [tilespmem:s31+$0x0];
	v2 =	vcvt.s32.f32 v21;
	v16 =	vmul.f32 $9.999999970e-07, v18  }
.LBB2_18:
0x104: {  	v17 =	vld [tilespmem:s3+$0x0];
	s8 =	sand.u32 $0x3F00, s25;
	s9 =	sor.u32 $0x10, s5;
	s10 =	sor.u32 s7, s6;
	v7 =	vadd.f32 v7, v11;
	v11 =	vmul.f32 v14, v0;
	[tilespmem:s24+$0x4000] =	vst v13;
	v12 =	vmin.f32 v12, $1.000000000e+00  }
0x105: {  	s12 =	sor.u32 $0x20, s5;
	v9 =	vmin.f32 v9, $1.000000000e+00;
	s11 =	sor.u32 s9, s6;
	v13 =	vld [tilespmem:s10+$0x0];
	s7 =	sor.u32 s8, s7;
	v14 =	vmul.f32 v15, v0;
	v10 =	vadd.f32 v16, v10;
	[tilespmem:s26+$0x0] =	vst v12  }
0x106: {  	v8 =	vmin.f32 v8, $1.000000000e+00;
	s9 =	sor.u32 s8, s9;
	s6 =	sor.u32 s12, s6;
	s10 =	sor.u32 s8, s12;
	v12 =	vld [tilespmem:s7+$0x8000];
	v7 =	vmul.f32 v7, v0;
	v11 =	vmul.f32 $9.999999970e-07, v11;
	[tilespmem:s30+$0x0] =	vst v9  }
0x107: {  	s5 =	sor.u32 s5, s8;
	s26 =	smov.u32 s24;
	v9 =	vand.u32 $0x1, v1;
	s24 =	smov.u32 s9;
	v15 =	vld [tilespmem:s11+$0x0];
	v14 =	vmul.f32 $9.999999970e-07, v14;
	v10 =	vmax.f32 v10, $0.0e+00;
	[tilespmem:s29+$0x0] =	vst v8  }
0x108: {  	s30 =	smov.u32 s31;
	s29 =	smov.u32 s2;
	v16 =	vld [tilespmem:s6+$0x0];
	v8 =	vmul.f32 $9.999999970e-07, v7;
	v3 =	vadd.f32 v11, v3;
	[tilespmem:s31+$0x4000] =	vst v5;
	v5 =	vmin.f32 v10, $1.000000000e+00;
	s31 =	smov.u32 s10  }
0x109: {  	s4 =	sadd.s32 $0x4, s4;
	v9 =	vcvt.s32.f32 v9;
	s2 =	smov.u32 s5;
	v7 =	vand.u32 $0xFFFFFFFE, v1;
	v18 =	vld [tilespmem:s24+$0x8000];
	v6 =	vadd.f32 v14, v6;
	[tilespmem:s0+$0x0] =	vst v5;
	v1 =	vmovc v17  }
0x10a: {  	p0 =	slt.u32 s4, $0x1FC;
	v17 =	vld [tilespmem:s31+$0x8000];
	v19 =	vand.u32 $0x1, v13;
	v5 =	vand.u32 $0xFFFFFFFE, v13;
	v4 =	vadd.f32 v8, v4;
	[tilespmem:s0+$0x4000] =	vst v2;
	s0 =	smov.u32 s7  }
.Ltmp8:
0x10b: {  	v11 =	vld [tilespmem:s2+$0x8000];
	[tilespmem:s2+$0x4000] =	vst v9;
	v2 =	vadd.f32 v5, v12;
	v12 =	vmax.f32 v3, $0.0e+00;
	v9 =	vmax.f32 v6, $0.0e+00;
	(pc) =	sbr.rel @p0 .LBB2_18-.Ltmp8, $4  }
0x10c: {  	v5 =	vand.u32 $0x1, v15;
	v6 =	vand.u32 $0xFFFFFFFE, v15;
	v10 =	vld [tilespmem:s0+$0x0];
	v8 =	vmax.f32 v4, $0.0e+00  }
0x10d: {  	s3 =	sadd.s32 $0x40, s3;
	s25 =	sadd.s32 $0x80, s25;
	s28 =	sadd.s32 $0x40, s28;
	v3 =	vld [tilespmem:s24+$0x0];
	v4 =	vand.u32 $0x1, v16;
	v15 =	vand.u32 $0xFFFFFFFE, v16;
	v16 =	vmul.f32 v2, v0  }
0x10e: {  	s5 =	sand.u32 $0x40, s28;
	s6 =	sand.u32 $0x1F80, s28;
	v13 =	vcvt.s32.f32 v5;
	v14 =	vadd.f32 v6, v18;
	v5 =	vcvt.s32.f32 v4;
	v6 =	vld [tilespmem:s31+$0x0]  }
0x10f: {  	s6 =	sor.u32 $0x10000, s6;
	s7 =	sor.u32 $0x30, s5;
	v2 =	vcvt.s32.f32 v19;
	v4 =	vld [tilespmem:s2+$0x0];
	v15 =	vadd.f32 v15, v17;
	v16 =	vmul.f32 $9.999999970e-07, v16  }
0x110: {  	s8 =	sand.u32 $0x3F00, s25;
	s3 =	sor.u32 s7, s6  }
0x111: {  	s4 =	sor.u32 $0x10, s5;
	v7 =	vadd.f32 v7, v11;
	v41 =	vmul.f32 v14, v0;
	v12 =	vmin.f32 v12, $1.000000000e+00;
	v42 =	vld [tilespmem:s3+$0x0];
	s11 =	sor.u32 s8, s7  }
0x112: {  	s9 =	sor.u32 $0x20, s5;
	v9 =	vmin.f32 v9, $1.000000000e+00;
	v8 =	vmin.f32 v8, $1.000000000e+00;
	s12 =	sor.u32 s4, s6;
	v15 =	vmul.f32 v15, v0;
	v43 =	vld [tilespmem:s11+$0x8000]  }
0x113: {  	v18 =	vand.u32 $0x1, v1;
	v10 =	vadd.f32 v16, v10;
	s25 =	sor.u32 s9, s6;
	v7 =	vmul.f32 v7, v0;
	v17 =	vld [tilespmem:s12+$0x0]  }
0x114: {  	v1 =	vand.u32 $0xFFFFFFFE, v1;
	s28 =	sor.u32 s5, s8;
	v11 =	vmul.f32 $9.999999970e-07, v41;
	v19 =	vld [tilespmem:s25+$0x0];
	v15 =	vmul.f32 $9.999999970e-07, v15  }
0x115: {  	[tilespmem:s24+$0x4000] =	vst v13;
	s4 =	sor.u32 s8, s4;
	v45 =	vcvt.s32.f32 v18;
	v50 =	vld [tilespmem:s28+$0x8000];
	v10 =	vmax.f32 v10, $0.0e+00;
	v7 =	vmul.f32 $9.999999970e-07, v7  }
0x116: {  	[tilespmem:s31+$0x4000] =	vst v5;
	s25 =	sor.u32 s8, s9;
	v44 =	vld [tilespmem:s4+$0x8000];
	v3 =	vadd.f32 v11, v3;
	v10 =	vmin.f32 v10, $1.000000000e+00;
	v6 =	vadd.f32 v15, v6  }
0x117: {  	[tilespmem:s26+$0x0] =	vst v12;
	v46 =	vld [tilespmem:s25+$0x8000];
	v47 =	vand.u32 $0xFFFFFFFE, v42;
	v48 =	vand.u32 $0x1, v42;
	v4 =	vadd.f32 v7, v4  }
0x118: {  	[tilespmem:s30+$0x0] =	vst v9;
	v3 =	vmax.f32 v3, $0.0e+00;
	v49 =	vadd.f32 v47, v43;
	v6 =	vmax.f32 v6, $0.0e+00  }
0x119: {  	[tilespmem:s29+$0x0] =	vst v8;
	v52 =	vand.u32 $0x1, v17;
	v53 =	vand.u32 $0xFFFFFFFE, v17;
	v54 =	vand.u32 $0xFFFFFFFE, v19  }
0x11a: {  	[tilespmem:s0+$0x4000] =	vst v2;
	v51 =	vld [tilespmem:s11+$0x0];
	v56 =	vand.u32 $0x1, v19;
	v1 =	vadd.f32 v1, v50;
	v3 =	vmin.f32 v3, $1.000000000e+00  }
0x11b: {  	v58 =	vld [tilespmem:s28+$0x0];
	[tilespmem:s28+$0x4000] =	vst v45;
	v63 =	vcvt.s32.f32 v48;
	v8 =	vadd.f32 v53, v44;
	v14 =	vmul.f32 v49, v0  }
0x11c: {  	v2 =	vld [tilespmem:s4+$0x0];
	[tilespmem:s0+$0x0] =	vst v10;
	v5 =	vcvt.s32.f32 v52;
	v10 =	vadd.f32 v54, v46;
	v1 =	vmul.f32 v1, v0  }
0x11d: {  	v57 =	vld [tilespmem:s25+$0x0];
	[tilespmem:s24+$0x0] =	vst v3;
	v3 =	vmin.f32 v6, $1.000000000e+00;
	v8 =	vmul.f32 v8, v0;
	v55 =	vmul.f32 $9.999999970e-07, v14  }
0x11e: {  	v4 =	vmax.f32 v4, $0.0e+00;
	[tilespmem:s31+$0x0] =	vst v3;
	v59 =	vmul.f32 v10, v0;
	v1 =	vmul.f32 $9.999999970e-07, v1  }
0x11f: {  	v61 =	vcvt.s32.f32 v56;
	[tilespmem:s11+$0x4000] =	vst v63;
	v60 =	vmul.f32 $9.999999970e-07, v8;
	v7 =	vadd.f32 v55, v51  }
0x120: {  	v4 =	vmin.f32 v4, $1.000000000e+00;
	[tilespmem:s4+$0x4000] =	vst v5;
	v3 =	vmul.f32 $9.999999970e-07, v59;
	v1 =	vadd.f32 v1, v58  }
0x121: {  	[tilespmem:s2+$0x0] =	vst v4;
	v2 =	vadd.f32 v60, v2;
	v62 =	vmax.f32 v7, $0.0e+00  }
0x122: {  	[tilespmem:s25+$0x4000] =	vst v61;
	v3 =	vadd.f32 v3, v57;
	v1 =	vmax.f32 v1, $0.0e+00;
	v5 =	vmin.f32 v62, $1.000000000e+00  }
0x123: {  	v2 =	vmax.f32 v2, $0.0e+00;
	v1 =	vmin.f32 v1, $1.000000000e+00;
	[tilespmem:s11+$0x0] =	vst v5  }
0x124: {  	v3 =	vmax.f32 v3, $0.0e+00;
	v2 =	vmin.f32 v2, $1.000000000e+00;
	[tilespmem:s28+$0x0] =	vst v1  }
0x125: {  	[tilespmem:s4+$0x0] =	vst v2;
	v2 =	vmin.f32 v3, $1.000000000e+00  }
0x126: {  	[tilespmem:s25+$0x0] =	vst v2  }
0x127: {  	s3 =	simm.s32 $0x100;
	s5 =	rddreg [dreg:$0xe]  }
0x128: {  	s0 =	simm.s32 $0x0;
	s2 =	simm.s32 $0x10;
	s4 =	sadd.s32 $0x0, s5  }
.LBB2_20:
0x129: {  	[hbm4b:s4+s1] =	stream.linear.scatter [tilespmem:s0], [sflag:$0x3], $0x80, $0x38;
	[tilespmem:$0x14000] =	vst v63  }
0x12a: {  	s4 =	smov.u32 s2;
	s0 =	smov.u32 s3;
	p0 =	sne.s32 s2, $0x3F0  }
.Ltmp9:
0x12b: {  	s2 =	sadd.s32 $0x10, s2;
	(pc) =	sbr.rel @p0 .LBB2_20-.Ltmp9, $2  }
0x12c: {  	_ =	sdelay $0x2  }
0x12d: {  	s3 =	sadd.s32 $0x100, s3;
	s4 =	sadd.s32 s4, s5  }
0x12e: {  	[hbm4b:s4+s1] =	stream.linear.scatter [tilespmem:s0], [sflag:$0x3], $0x80, $0x38;
	[tilespmem:$0x14000] =	vst v63  }
0x12f: {  	s10 =	simm.s32 $0x3  }
0x130: {  	s0 =	simm.s32 $0x4000;
	_ =	swait.ge [sflag:s10], $0x2000  }
0x131: {  	s2 =	simm.s32 $0x10;
	[sflag:s10] =	ssyncset.done $0x0;
	s5 =	rddreg [dreg:$0xf]  }
0x132: {  	s3 =	simm.s32 $0x4100;
	[sflag:s10] =	ssyncadd.s32 $0xFFFFE000;
	s4 =	sadd.s32 $0x0, s5  }
.LBB2_22:
0x133: {  	[hbm4b:s4+s1] =	stream.linear.scatter [tilespmem:s0], [sflag:$0x3], $0x80, $0x38;
	[tilespmem:$0x14000] =	vst v63  }
0x134: {  	s4 =	smov.u32 s2;
	s0 =	smov.u32 s3;
	p0 =	sne.s32 s2, $0x3F0  }
.Ltmp10:
0x135: {  	s2 =	sadd.s32 $0x10, s2;
	(pc) =	sbr.rel @p0 .LBB2_22-.Ltmp10, $2  }
0x136: {  	_ =	sdelay $0x2  }
0x137: {  	s3 =	sadd.s32 $0x100, s3;
	s4 =	sadd.s32 s4, s5  }
0x138: {  	[hbm4b:s4+s1] =	stream.linear.scatter [tilespmem:s0], [sflag:$0x3], $0x80, $0x38;
	[tilespmem:$0x14000] =	vst v63  }
0x139: {  	s0 =	simm.s32 $0x0;
	_ =	swait.ge [sflag:s10], $0x2000  }
0x13a: {  	s2 =	simm.s32 $0x10;
	[sflag:s10] =	ssyncset.done $0x0;
	s5 =	rddreg [dreg:$0x10]  }
0x13b: {  	s3 =	simm.s32 $0x100;
	[sflag:s10] =	ssyncadd.s32 $0xFFFFE000;
	s4 =	sadd.s32 $0x0, s5  }
.LBB2_24:
0x13c: {  	[tilespmem:s0], [sflag:$0x3] =	stream.linear.gather [hbm4b:s4+s1], $0x80, $0x38;
	[tilespmem:$0x14000] =	vst v63  }
0x13d: {  	s4 =	smov.u32 s2;
	s0 =	smov.u32 s3;
	p0 =	sne.s32 s2, $0x3F0  }
.Ltmp11:
0x13e: {  	s2 =	sadd.s32 $0x10, s2;
	(pc) =	sbr.rel @p0 .LBB2_24-.Ltmp11, $2  }
0x13f: {  	_ =	sdelay $0x2  }
0x140: {  	s3 =	sadd.s32 $0x100, s3;
	s4 =	sadd.s32 s4, s5  }
0x141: {  	[tilespmem:s0], [sflag:$0x3] =	stream.linear.gather [hbm4b:s4+s1], $0x80, $0x38;
	[tilespmem:$0x14000] =	vst v63  }
0x142: {  	_ =	swait.ge [sflag:s10], $0x2000  }
0x143: {  	s0 =	simm.s32 $0x4000;
	s2 =	simm.s32 $0x10;
	[sflag:s10] =	ssyncset.done $0x0  }
0x144: {  	s4 =	sadd.s32 $0x0, s13;
	s3 =	simm.s32 $0x4100;
	[sflag:s10] =	ssyncadd.s32 $0xFFFFE000  }
.LBB2_26:
0x145: {  	[tilespmem:s0], [sflag:$0x3] =	stream.linear.gather [hbm4b:s4+s1], $0x80, $0x38;
	[tilespmem:$0x14000] =	vst v63  }
0x146: {  	s4 =	smov.u32 s2;
	s0 =	smov.u32 s3;
	p0 =	sne.s32 s2, $0x3F0  }
.Ltmp12:
0x147: {  	s2 =	sadd.s32 $0x10, s2;
	(pc) =	sbr.rel @p0 .LBB2_26-.Ltmp12, $2  }
0x148: {  	_ =	sdelay $0x2  }
0x149: {  	s3 =	sadd.s32 $0x100, s3;
	s4 =	sadd.s32 s4, s13  }
0x14a: {  	[tilespmem:s0], [sflag:$0x3] =	stream.linear.gather [hbm4b:s4+s1], $0x80, $0x38;
	[tilespmem:$0x14000] =	vst v63  }
0x14b: {  	s24 =	simm.s32 $0x0  }
0x14c: {  	_ =	swait.ge [sflag:s10], $0x2000;
	s28 =	sand.u32 $0x40, s24  }
0x14d: {  	s5 =	sand.u32 $0x3F00, s24;
	[sflag:s10] =	ssyncset.done $0x0;
	s4 =	sor.u32 $0x30, s28  }
0x14e: {  	[sflag:s10] =	ssyncadd.s32 $0xFFFFE000;
	s6 =	sor.u32 s5, s4  }
0x14f: {  	s3 =	sor.u32 $0x10, s28;
	v1 =	vld [tilespmem:s6+$0x4000]  }
0x150: {  	s2 =	sor.u32 $0x20, s28;
	s7 =	sor.u32 s5, s3;
	v2 =	vld [tilespmem:s6+$0x0]  }
0x151: {  	s30 =	sor.u32 s5, s2;
	v3 =	vld [tilespmem:s7+$0x4000]  }
0x152: {  	s0 =	sor.u32 s28, s5;
	v4 =	vld [tilespmem:s30+$0x4000]  }
0x153: {  	v5 =	vld [tilespmem:s0+$0x4000]  }
0x154: {  	v6 =	vld [tilespmem:s7+$0x0]  }
0x155: {  	v7 =	vld [tilespmem:s30+$0x0]  }
0x156: {  	v8 =	vld [tilespmem:s0+$0x0]  }
0x157: {  	s26 =	simm.s32 $0x40  }
0x158: {  	s31 =	sand.u32 $0x40, s26;
	s0 =	simm.s32 $0x80;
	v1 =	vmul.f32 $1.023000000e+03, v1;
	v2 =	vmul.f32 $1.023000000e+03, v2  }
0x159: {  	s25 =	sor.u32 $0x10, s31;
	s5 =	sand.u32 $0x3F00, s0;
	v3 =	vmul.f32 $1.023000000e+03, v3;
	v4 =	vmul.f32 $1.023000000e+03, v4  }
0x15a: {  	s9 =	sor.u32 s5, s25;
	v5 =	vmul.f32 $1.023000000e+03, v5;
	v6 =	vmul.f32 $1.023000000e+03, v6  }
0x15b: {  	s6 =	sor.u32 s31, s5;
	v10 =	vld [tilespmem:s9+$0x4000];
	v7 =	vmul.f32 $1.023000000e+03, v7;
	v8 =	vmul.f32 $1.023000000e+03, v8  }
0x15c: {  	v12 =	vld [tilespmem:s6+$0x4000];
	v1 =	vtrunc.f32 v1;
	v2 =	vtrunc.f32 v2  }
0x15d: {  	v3 =	vtrunc.f32 v3;
	v5 =	vtrunc.f32 v5  }
0x15e: {  	v4 =	vtrunc.f32 v4;
	v1 =	vcvt.f32.s32 v1  }
0x15f: {  	v2 =	vcvt.f32.s32 v2;
	v3 =	vcvt.f32.s32 v3  }
0x160: {  	v4 =	vcvt.f32.s32 v4;
	v10 =	vmul.f32 $1.023000000e+03, v10  }
0x161: {  	v62 =	vmul.f32 $1.023000000e+03, v12;
	vm0 =	vgt.s32 v1, $0x0;
	vm9 =	vgt.s32 v2, $0x0  }
0x162: {  	vm10 =	vgt.s32 v3, $0x0;
	vm1 =	vgt.s32 v4, $0x0;
	v1 =	vnsel vm0, $0x0, v1  }
0x163: {  	v2 =	vnsel vm9, $0x0, v2;
	v3 =	vnsel vm10, $0x0, v3;
	v1 =	vmin.u32 v1, $0x3FF  }
0x164: {  	s11 =	sor.u32 $0x30, s31;
	v4 =	vnsel vm1, $0x0, v4;
	v2 =	vmin.u32 v2, $0x3FF;
	v1 =	vshll.u32 v1, $0xA  }
0x165: {  	s8 =	sor.u32 s5, s11;
	v9 =	vor.u32 v2, v1;
	v1 =	vcvt.f32.s32 v5;
	v2 =	vtrunc.f32 v6  }
0x166: {  	v3 =	vmin.u32 v3, $0x3FF;
	v5 =	vtrunc.f32 v8;
	v6 =	vtrunc.f32 v7;
	v7 =	vld [tilespmem:s8+$0x4000]  }
0x167: {  	v4 =	vmin.u32 v4, $0x3FF;
	v8 =	vld [tilespmem:s8+$0x0];
	v2 =	vcvt.f32.s32 v2;
	v5 =	vcvt.f32.s32 v5  }
0x168: {  	v3 =	vshll.u32 v3, $0xA;
	v6 =	vcvt.f32.s32 v6;
	vm2 =	vgt.s32 v1, $0x0  }
0x169: {  	s28 =	sor.u32 $0x20, s31;
	v1 =	vnsel vm2, $0x0, v1;
	vm11 =	vgt.s32 v2, $0x0;
	vm12 =	vgt.s32 v5, $0x0  }
0x16a: {  	s12 =	sor.u32 s5, s28;
	vm13 =	vgt.s32 v6, $0x0;
	v1 =	vmin.u32 v1, $0x3FF;
	v2 =	vnsel vm11, $0x0, v2  }
0x16b: {  	v11 =	vld [tilespmem:s12+$0x4000];
	v5 =	vnsel vm12, $0x0, v5;
	v7 =	vmul.f32 $1.023000000e+03, v7;
	v14 =	vshll.u32 v1, $0xA  }
0x16c: {  	v1 =	vshll.u32 v4, $0xA;
	v4 =	vld [tilespmem:s12+$0x0];
	v8 =	vmul.f32 $1.023000000e+03, v8;
	v2 =	vmin.u32 v2, $0x3FF  }
0x16d: {  	v13 =	vld [tilespmem:s9+$0x0];
	v6 =	vnsel vm13, $0x0, v6;
	v15 =	vor.u32 v2, v3;
	v2 =	vtrunc.f32 v7  }
0x16e: {  	v16 =	vmin.u32 v5, $0x3FF;
	v5 =	vcvt.f32.s32 v2;
	v2 =	vtrunc.f32 v8  }
0x16f: {  	s24 =	sand.u32 $0x1F80, s24;
	v63 =	vtrunc.f32 v10;
	v6 =	vmin.u32 v6, $0x3FF;
	v3 =	vld [tilespmem:s6+$0x0];
	v7 =	vcvt.f32.s32 v2  }
0x170: {  	v6 =	vor.u32 v6, v1;
	s6 =	sor.u32 $0xC000, s24;
	v8 =	vmul.f32 $1.023000000e+03, v11;
	vm14 =	vgt.s32 v5, $0x0  }
0x171: {  	s4 =	sor.u32 s4, s6;
	v1 =	vmul.f32 $1.023000000e+03, v4;
	v4 =	vnsel vm14, $0x0, v5;
	vm15 =	vgt.s32 v7, $0x0  }
0x172: {  	s30 =	sand.u32 $0x1F80, s26;
	s3 =	sor.u32 s3, s6;
	s6 =	sor.u32 s2, s6;
	[tilespmem:s4+$0x0] =	vst v9;
	v2 =	vmul.f32 $1.023000000e+03, v13;
	v4 =	vmin.u32 v4, $0x3FF;
	v5 =	vnsel vm15, $0x0, v7  }
0x173: {  	s31 =	sor.u32 $0xC000, s30;
	[tilespmem:s6+$0x0] =	vst v6;
	v6 =	vtrunc.f32 v8;
	v5 =	vmin.u32 v5, $0x3FF;
	v4 =	vshll.u32 v4, $0xA  }
0x174: {  	s29 =	simm.s32 $0x4;
	s26 =	sor.u32 s25, s31;
	[tilespmem:s3+$0x0] =	vst v15;
	s4 =	sor.u32 s11, s31;
	v3 =	vmul.f32 $1.023000000e+03, v3;
	v7 =	vtrunc.f32 v62;
	v8 =	vor.u32 v5, v4  }
0x175: {  	s24 =	sor.u32 s28, s31;
	s2 =	simm.s32 $0xC000;
	s3 =	simm.s32 $0x80;
	v5 =	vcvt.f32.s32 v63;
	v4 =	vcvt.f32.s32 v6;
	v6 =	vor.u32 v16, v14;
	[tilespmem:s4+$0x0] =	vst v8  }
.LBB2_28:
0x176: {  	s6 =	sand.u32 $0x40, s3;
	s29 =	sadd.s32 $0x4, s29;
	v7 =	vcvt.f32.s32 v7;
	v2 =	vtrunc.f32 v2;
	s0 =	sadd.s32 $0x80, s0;
	[tilespmem:s2+$0x0] =	vst v6  }
0x177: {  	v3 =	vtrunc.f32 v3;
	v1 =	vtrunc.f32 v1;
	s7 =	sand.u32 $0x3F00, s0;
	s4 =	sor.u32 $0x30, s6;
	p0 =	slt.u32 s29, $0x1FC;
	vm0 =	vgt.s32 v5, $0x0  }
0x178: {  	s25 =	sor.u32 $0x10, s6;
	s5 =	sor.u32 $0x20, s6;
	v2 =	vcvt.f32.s32 v2;
	vm1 =	vgt.s32 v4, $0x0;
	v1 =	vcvt.f32.s32 v1;
	s8 =	sor.u32 s7, s4  }
0x179: {  	v3 =	vcvt.f32.s32 v3;
	s6 =	sor.u32 s6, s7;
	s9 =	sor.u32 s7, s25;
	s7 =	sor.u32 s7, s5;
	vm2 =	vgt.s32 v7, $0x0;
	v5 =	vnsel vm0, $0x0, v5;
	v6 =	vld [tilespmem:s8+$0x4000]  }
0x17a: {  	v4 =	vnsel vm1, $0x0, v4;
	v7 =	vnsel vm2, $0x0, v7;
	vm0 =	vgt.s32 v2, $0x0;
	v8 =	vld [tilespmem:s8+$0x0]  }
0x17b: {  	vm1 =	vgt.s32 v3, $0x0;
	v5 =	vmin.u32 v5, $0x3FF;
	vm2 =	vgt.s32 v1, $0x0;
	v9 =	vld [tilespmem:s9+$0x4000]  }
0x17c: {  	v4 =	vmin.u32 v4, $0x3FF;
	v7 =	vmin.u32 v7, $0x3FF;
	v2 =	vnsel vm0, $0x0, v2;
	v10 =	vld [tilespmem:s7+$0x4000]  }
0x17d: {  	v3 =	vnsel vm1, $0x0, v3;
	v5 =	vshll.u32 v5, $0xA;
	v1 =	vnsel vm2, $0x0, v1;
	v11 =	vld [tilespmem:s6+$0x4000]  }
0x17e: {  	v4 =	vshll.u32 v4, $0xA;
	v13 =	vshll.u32 v7, $0xA;
	v12 =	vld [tilespmem:s9+$0x0];
	v6 =	vmul.f32 $1.023000000e+03, v6  }
0x17f: {  	v2 =	vmin.u32 v2, $0x3FF;
	v1 =	vmin.u32 v1, $0x3FF;
	v7 =	vld [tilespmem:s7+$0x0];
	v8 =	vmul.f32 $1.023000000e+03, v8  }
0x180: {  	v15 =	vmin.u32 v3, $0x3FF;
	v14 =	vld [tilespmem:s6+$0x0];
	v9 =	vmul.f32 $1.023000000e+03, v9;
	v6 =	vtrunc.f32 v6  }
0x181: {  	v2 =	vor.u32 v2, v5;
	v3 =	vcvt.f32.s32 v6;
	v6 =	vtrunc.f32 v8  }
0x182: {  	v1 =	vor.u32 v1, v4;
	v5 =	vmul.f32 $1.023000000e+03, v10;
	v6 =	vcvt.f32.s32 v6;
	[tilespmem:s26+$0x0] =	vst v2  }
0x183: {  	v4 =	vmul.f32 $1.023000000e+03, v11;
	v2 =	vmul.f32 $1.023000000e+03, v12;
	vm0 =	vgt.s32 v3, $0x0;
	[tilespmem:s24+$0x0] =	vst v1  }
.Ltmp13:
0x184: {  	v1 =	vmul.f32 $1.023000000e+03, v7;
	v7 =	vnsel vm0, $0x0, v3;
	vm0 =	vgt.s32 v6, $0x0;
	(pc) =	sbr.rel @p0 .LBB2_28-.Ltmp13, $4  }
0x185: {  	s6 =	sand.u32 $0x1F80, s3;
	v3 =	vmul.f32 $1.023000000e+03, v14;
	v7 =	vmin.u32 v7, $0x3FF;
	v6 =	vnsel vm0, $0x0, v6  }
0x186: {  	s6 =	sor.u32 $0xC000, s6;
	v8 =	vtrunc.f32 v9;
	v6 =	vmin.u32 v6, $0x3FF;
	v9 =	vshll.u32 v7, $0xA  }
0x187: {  	s26 =	sor.u32 s25, s6;
	s4 =	sor.u32 s4, s6;
	s24 =	sor.u32 s5, s6;
	v7 =	vtrunc.f32 v4;
	v4 =	vtrunc.f32 v5;
	v6 =	vor.u32 v6, v9  }
0x188: {  	s2 =	sadd.s32 $0x40, s2;
	s3 =	sadd.s32 $0x40, s3;
	v5 =	vcvt.f32.s32 v8;
	v4 =	vcvt.f32.s32 v4;
	[tilespmem:s4+$0x0] =	vst v6;
	v6 =	vor.u32 v15, v13  }
0x189: {  	v7 =	vcvt.f32.s32 v7  }
0x18a: {  	v2 =	vtrunc.f32 v2;
	v3 =	vtrunc.f32 v3  }
0x18b: {  	v1 =	vtrunc.f32 v1;
	vm0 =	vgt.s32 v5, $0x0;
	v2 =	vcvt.f32.s32 v2  }
0x18c: {  	v3 =	vcvt.f32.s32 v3;
	vm12 =	vgt.s32 v4, $0x0;
	v1 =	vcvt.f32.s32 v1  }
0x18d: {  	vm1 =	vgt.s32 v7, $0x0;
	v5 =	vnsel vm0, $0x0, v5;
	v4 =	vnsel vm12, $0x0, v4  }
0x18e: {  	v7 =	vnsel vm1, $0x0, v7;
	vm13 =	vgt.s32 v2, $0x0;
	vm14 =	vgt.s32 v3, $0x0  }
0x18f: {  	v5 =	vmin.u32 v5, $0x3FF;
	vm15 =	vgt.s32 v1, $0x0;
	v4 =	vmin.u32 v4, $0x3FF  }
0x190: {  	v2 =	vnsel vm13, $0x0, v2;
	v7 =	vmin.u32 v7, $0x3FF;
	v3 =	vnsel vm14, $0x0, v3  }
0x191: {  	v5 =	vshll.u32 v5, $0xA;
	v1 =	vnsel vm15, $0x0, v1;
	v2 =	vmin.u32 v2, $0x3FF  }
0x192: {  	[tilespmem:s2+$0x0] =	vst v6;
	v4 =	vshll.u32 v4, $0xA;
	v1 =	vmin.u32 v1, $0x3FF;
	v2 =	vor.u32 v2, v5  }
0x193: {  	v63 =	vshll.u32 v7, $0xA;
	v3 =	vmin.u32 v3, $0x3FF;
	v1 =	vor.u32 v1, v4;
	[tilespmem:s26+$0x0] =	vst v2  }
0x194: {  	s0 =	sadd.s32 $0x40, s2;
	[tilespmem:s24+$0x0] =	vst v1;
	v1 =	vor.u32 v3, v63  }
0x195: {  	s31 =	simm.s32 $0x2000;
	s3 =	simm.s32 $0xC000;
	[tilespmem:s0+$0x0] =	vst v1  }
0x196: {  	s4 =	simm.s32 $0x10000;
	s2 =	simm.s32 $0x10;
	s0 =	rddreg [dreg:$0x7]  }
0x197: {  	[tilespmem:s4], [sflag:$0x1] =	stream.indirect.gather [hbm4b:s0+s31], $0x1, s3, s31, $0xb8;
	[tilespmem:$0x14000] =	vst v63  }
0x198: {  	s0 =	simm.s32 $0x8000;
	s4 =	sadd.s32 $0x0, s14;
	s3 =	simm.s32 $0x8100  }
.LBB2_30:
0x199: {  	[tilespmem:s0], [sflag:$0x3] =	stream.linear.gather [hbm4b:s4+s1], $0x80, $0x38;
	[tilespmem:$0x14000] =	vst v63  }
0x19a: {  	s4 =	smov.u32 s2;
	s0 =	smov.u32 s3;
	p0 =	sne.s32 s2, $0x3F0  }
.Ltmp14:
0x19b: {  	s2 =	sadd.s32 $0x10, s2;
	(pc) =	sbr.rel @p0 .LBB2_30-.Ltmp14, $2  }
0x19c: {  	_ =	sdelay $0x2  }
0x19d: {  	s3 =	sadd.s32 $0x100, s3;
	s4 =	sadd.s32 s4, s14  }
0x19e: {  	[tilespmem:s0], [sflag:$0x3] =	stream.linear.gather [hbm4b:s4+s1], $0x80, $0x38;
	[tilespmem:$0x14000] =	vst v63  }
0x19f: {  	_ =	swait.ge [sflag:s10], $0x2000  }
0x1a0: {  	[sflag:s10] =	ssyncset.done $0x0  }
0x1a1: {  	s11 =	simm.s32 $0x2;
	[sflag:s10] =	ssyncadd.s32 $0xFFFFE000  }
0x1a2: {  	_ =	swait.ge [sflag:s11], $0x2000  }
0x1a3: {  	s12 =	simm.s32 $0x0;
	s2 =	simm.s32 $0x12000;
	[sflag:s11] =	ssyncset.done $0x0  }
0x1a4: {  	s3 =	sand.u32 $0x40, s12;
	s24 =	sand.u32 $0x1F80, s12;
	[sflag:s11] =	ssyncadd.s32 $0xFFFFE000  }
0x1a5: {  	s25 =	simm.s32 $0x12040;
	s5 =	sor.u32 $0x12000, s24;
	s26 =	sor.u32 $0x30, s3;
	v1 =	vld [tilespmem:s2+$0x0]  }
0x1a6: {  	s0 =	sand.u32 $0x3F00, s12;
	s7 =	sor.u32 s26, s5;
	v2 =	vld [tilespmem:s25+$0x0]  }
0x1a7: {  	s6 =	sor.u32 $0x10, s3;
	s4 =	sor.u32 s0, s26;
	v3 =	vld [tilespmem:s7+$0x0]  }
0x1a8: {  	s8 =	sor.u32 s6, s5;
	v4 =	vld [tilespmem:s4+$0x8080]  }
0x1a9: {  	s26 =	sor.u32 s0, s6;
	v5 =	vld [tilespmem:s8+$0x0]  }
0x1aa: {  	s29 =	sor.u32 s3, s0;
	v7 =	vld [tilespmem:s26+$0x8080]  }
0x1ab: {  	s7 =	sor.u32 $0x20, s3;
	v11 =	vld [tilespmem:s29+$0x8080]  }
0x1ac: {  	v12 =	vld [tilespmem:s4+$0x80];
	s5 =	sor.u32 s7, s5  }
0x1ad: {  	s30 =	sor.u32 s0, s7;
	v6 =	vld [tilespmem:s5+$0x0]  }
0x1ae: {  	s9 =	simm.s32 $0x40;
	v8 =	vld [tilespmem:s30+$0x8080];
	v9 =	vand.u32 $0xFFFFFFFE, v3;
	v10 =	vand.u32 $0x1, v1;
	v3 =	vand.u32 $0x1, v3  }
0x1af: {  	v13 =	vld [tilespmem:s26+$0x80];
	s3 =	sand.u32 $0x40, s9;
	s0 =	sand.u32 $0x1F80, s9;
	v4 =	vadd.f32 v9, v4;
	v9 =	vcvt.s32.f32 v10;
	v10 =	vand.u32 $0xFFFFFFFE, v1  }
0x1b0: {  	v16 =	vld [tilespmem:s29+$0x80];
	s24 =	sor.u32 $0x30, s3;
	s12 =	sor.u32 $0x12000, s0;
	v1 =	vand.u32 $0x1, v5;
	v5 =	vand.u32 $0xFFFFFFFE, v5;
	v17 =	vcvt.s32.f32 v3  }
0x1b1: {  	s11 =	simm.s32 $0x80;
	v14 =	vld [tilespmem:s30+$0x80];
	s9 =	sor.u32 s24, s12;
	v5 =	vadd.f32 v5, v7;
	v15 =	vcvt.s32.f32 v1;
	v7 =	vadd.f32 v10, v11  }
0x1b2: {  	s10 =	simm.s32 $0x12080;
	s25 =	sand.u32 $0x3F00, s11;
	v3 =	vld [tilespmem:s9+$0x0];
	v4 =	vmul.f32 v4, v0;
	[tilespmem:s29+$0x4080] =	vst v9;
	v9 =	vand.u32 $0x1, v6;
	v6 =	vand.u32 $0xFFFFFFFE, v6  }
0x1b3: {  	s0 =	sor.u32 s25, s24;
	v1 =	vld [tilespmem:s10+$0x0];
	s10 =	sor.u32 $0x10, s3;
	v6 =	vadd.f32 v6, v8;
	v8 =	vcvt.s32.f32 v9;
	v5 =	vmul.f32 v5, v0  }
0x1b4: {  	s8 =	sor.u32 $0x20, s3;
	s11 =	sor.u32 s10, s12;
	v9 =	vld [tilespmem:s0+$0x8080];
	v7 =	vmul.f32 v7, v0;
	v4 =	vmul.f32 $9.999999970e-07, v4  }
0x1b5: {  	s6 =	sor.u32 s8, s12;
	v10 =	vand.u32 $0x1, v2;
	v18 =	vld [tilespmem:s11+$0x0];
	v6 =	vmul.f32 v6, v0;
	v5 =	vmul.f32 $9.999999970e-07, v5  }
0x1b6: {  	v19 =	vld [tilespmem:s6+$0x0];
	v11 =	vmul.f32 $9.999999970e-07, v7;
	v7 =	vand.u32 $0xFFFFFFFE, v2;
	v4 =	vadd.f32 v4, v12  }
0x1b7: {  	s24 =	sor.u32 s25, s10;
	v21 =	vand.u32 $0x1, v3;
	v3 =	vand.u32 $0xFFFFFFFE, v3;
	v6 =	vmul.f32 $9.999999970e-07, v6  }
0x1b8: {  	s31 =	sor.u32 s25, s8;
	v2 =	vld [tilespmem:s24+$0x8080];
	v5 =	vadd.f32 v5, v13;
	v13 =	vcvt.s32.f32 v10;
	v4 =	vmax.f32 v4, $0.0e+00  }
0x1b9: {  	s2 =	sor.u32 s3, s25;
	v20 =	vld [tilespmem:s31+$0x8080];
	[tilespmem:s26+$0x4080] =	vst v15;
	v15 =	vadd.f32 v3, v9;
	v4 =	vmin.f32 v4, $1.000000000e+00;
	v6 =	vadd.f32 v6, v14  }
0x1ba: {  	v14 =	vadd.f32 v11, v16;
	v11 =	vld [tilespmem:s2+$0x8080];
	v12 =	vmax.f32 v5, $0.0e+00;
	v5 =	vand.u32 $0x1, v18;
	[tilespmem:s2+$0x4080] =	vst v13  }
0x1bb: {  	s28 =	simm.s32 $0x80;
	v10 =	vld [tilespmem:s0+$0x80];
	v16 =	vand.u32 $0xFFFFFFFE, v19;
	[tilespmem:s4+$0x80] =	vst v4;
	v4 =	vand.u32 $0x1, v19;
	v13 =	vcvt.s32.f32 v5  }
0x1bc: {  	s5 =	sand.u32 $0x40, s28;
	v3 =	vld [tilespmem:s24+$0x80];
	v9 =	vmax.f32 v6, $0.0e+00;
	v6 =	vand.u32 $0xFFFFFFFE, v18;
	v18 =	vmul.f32 v15, v0  }
0x1bd: {  	s7 =	sor.u32 $0x30, s5;
	s3 =	simm.s32 $0x120C0;
	s12 =	sand.u32 $0x1F80, s28;
	[tilespmem:s30+$0x4080] =	vst v8;
	v8 =	vmax.f32 v14, $0.0e+00;
	v5 =	vcvt.s32.f32 v4;
	v4 =	vld [tilespmem:s2+$0x80];
	v14 =	vadd.f32 v6, v2  }
0x1be: {  	s25 =	simm.s32 $0x100;
	[tilespmem:s4+$0x4080] =	vst v17;
	s6 =	sor.u32 $0x12000, s12;
	s4 =	simm.s32 $0x8;
	v15 =	vadd.f32 v16, v20;
	v6 =	vld [tilespmem:s31+$0x80];
	v2 =	vcvt.s32.f32 v21;
	v16 =	vmul.f32 $9.999999970e-07, v18  }
.LBB2_32:
0x1bf: {  	v17 =	vld [tilespmem:s3+$0x0];
	s8 =	sand.u32 $0x3F00, s25;
	s9 =	sor.u32 $0x10, s5;
	s10 =	sor.u32 s7, s6;
	v7 =	vadd.f32 v7, v11;
	v11 =	vmul.f32 v14, v0;
	[tilespmem:s24+$0x4080] =	vst v13;
	v12 =	vmin.f32 v12, $1.000000000e+00  }
0x1c0: {  	s12 =	sor.u32 $0x20, s5;
	v9 =	vmin.f32 v9, $1.000000000e+00;
	s11 =	sor.u32 s9, s6;
	v13 =	vld [tilespmem:s10+$0x0];
	s7 =	sor.u32 s8, s7;
	v14 =	vmul.f32 v15, v0;
	v10 =	vadd.f32 v16, v10;
	[tilespmem:s26+$0x80] =	vst v12  }
0x1c1: {  	v8 =	vmin.f32 v8, $1.000000000e+00;
	s9 =	sor.u32 s8, s9;
	s6 =	sor.u32 s12, s6;
	s10 =	sor.u32 s8, s12;
	v12 =	vld [tilespmem:s7+$0x8080];
	v7 =	vmul.f32 v7, v0;
	v11 =	vmul.f32 $9.999999970e-07, v11;
	[tilespmem:s30+$0x80] =	vst v9  }
0x1c2: {  	s5 =	sor.u32 s5, s8;
	s26 =	smov.u32 s24;
	v9 =	vand.u32 $0x1, v1;
	s24 =	smov.u32 s9;
	v15 =	vld [tilespmem:s11+$0x0];
	v14 =	vmul.f32 $9.999999970e-07, v14;
	v10 =	vmax.f32 v10, $0.0e+00;
	[tilespmem:s29+$0x80] =	vst v8  }
0x1c3: {  	s30 =	smov.u32 s31;
	s29 =	smov.u32 s2;
	v16 =	vld [tilespmem:s6+$0x0];
	v8 =	vmul.f32 $9.999999970e-07, v7;
	v3 =	vadd.f32 v11, v3;
	[tilespmem:s31+$0x4080] =	vst v5;
	v5 =	vmin.f32 v10, $1.000000000e+00;
	s31 =	smov.u32 s10  }
0x1c4: {  	s4 =	sadd.s32 $0x4, s4;
	v9 =	vcvt.s32.f32 v9;
	s2 =	smov.u32 s5;
	v7 =	vand.u32 $0xFFFFFFFE, v1;
	v18 =	vld [tilespmem:s24+$0x8080];
	v6 =	vadd.f32 v14, v6;
	[tilespmem:s0+$0x80] =	vst v5;
	v1 =	vmovc v17  }
0x1c5: {  	p0 =	slt.u32 s4, $0x1FC;
	v17 =	vld [tilespmem:s31+$0x8080];
	v19 =	vand.u32 $0x1, v13;
	v5 =	vand.u32 $0xFFFFFFFE, v13;
	v4 =	vadd.f32 v8, v4;
	[tilespmem:s0+$0x4080] =	vst v2;
	s0 =	smov.u32 s7  }
.Ltmp15:
0x1c6: {  	v11 =	vld [tilespmem:s2+$0x8080];
	[tilespmem:s2+$0x4080] =	vst v9;
	v2 =	vadd.f32 v5, v12;
	v12 =	vmax.f32 v3, $0.0e+00;
	v9 =	vmax.f32 v6, $0.0e+00;
	(pc) =	sbr.rel @p0 .LBB2_32-.Ltmp15, $4  }
0x1c7: {  	v5 =	vand.u32 $0x1, v15;
	v6 =	vand.u32 $0xFFFFFFFE, v15;
	v10 =	vld [tilespmem:s0+$0x80];
	v8 =	vmax.f32 v4, $0.0e+00  }
0x1c8: {  	s3 =	sadd.s32 $0x40, s3;
	s25 =	sadd.s32 $0x80, s25;
	s28 =	sadd.s32 $0x40, s28;
	v3 =	vld [tilespmem:s24+$0x80];
	v4 =	vand.u32 $0x1, v16;
	v15 =	vand.u32 $0xFFFFFFFE, v16;
	v16 =	vmul.f32 v2, v0  }
0x1c9: {  	s5 =	sand.u32 $0x40, s28;
	s6 =	sand.u32 $0x1F80, s28;
	v13 =	vcvt.s32.f32 v5;
	v14 =	vadd.f32 v6, v18;
	v5 =	vcvt.s32.f32 v4;
	v6 =	vld [tilespmem:s31+$0x80]  }
0x1ca: {  	s6 =	sor.u32 $0x12000, s6;
	s7 =	sor.u32 $0x30, s5;
	v2 =	vcvt.s32.f32 v19;
	v4 =	vld [tilespmem:s2+$0x80];
	v15 =	vadd.f32 v15, v17;
	v16 =	vmul.f32 $9.999999970e-07, v16  }
0x1cb: {  	s8 =	sand.u32 $0x3F00, s25;
	s3 =	sor.u32 s7, s6  }
0x1cc: {  	s4 =	sor.u32 $0x10, s5;
	v7 =	vadd.f32 v7, v11;
	v41 =	vmul.f32 v14, v0;
	v12 =	vmin.f32 v12, $1.000000000e+00;
	v42 =	vld [tilespmem:s3+$0x0];
	s11 =	sor.u32 s8, s7  }
0x1cd: {  	s9 =	sor.u32 $0x20, s5;
	v9 =	vmin.f32 v9, $1.000000000e+00;
	v8 =	vmin.f32 v8, $1.000000000e+00;
	s12 =	sor.u32 s4, s6;
	v15 =	vmul.f32 v15, v0;
	v43 =	vld [tilespmem:s11+$0x8080]  }
0x1ce: {  	v18 =	vand.u32 $0x1, v1;
	v10 =	vadd.f32 v16, v10;
	s25 =	sor.u32 s9, s6;
	v7 =	vmul.f32 v7, v0;
	v17 =	vld [tilespmem:s12+$0x0]  }
0x1cf: {  	v1 =	vand.u32 $0xFFFFFFFE, v1;
	s28 =	sor.u32 s5, s8;
	v11 =	vmul.f32 $9.999999970e-07, v41;
	v19 =	vld [tilespmem:s25+$0x0];
	v15 =	vmul.f32 $9.999999970e-07, v15  }
0x1d0: {  	[tilespmem:s24+$0x4080] =	vst v13;
	s4 =	sor.u32 s8, s4;
	v45 =	vcvt.s32.f32 v18;
	v50 =	vld [tilespmem:s28+$0x8080];
	v10 =	vmax.f32 v10, $0.0e+00;
	v7 =	vmul.f32 $9.999999970e-07, v7  }
0x1d1: {  	[tilespmem:s31+$0x4080] =	vst v5;
	s25 =	sor.u32 s8, s9;
	v44 =	vld [tilespmem:s4+$0x8080];
	v3 =	vadd.f32 v11, v3;
	v10 =	vmin.f32 v10, $1.000000000e+00;
	v6 =	vadd.f32 v15, v6  }
0x1d2: {  	[tilespmem:s26+$0x80] =	vst v12;
	v46 =	vld [tilespmem:s25+$0x8080];
	v47 =	vand.u32 $0xFFFFFFFE, v42;
	v48 =	vand.u32 $0x1, v42;
	v4 =	vadd.f32 v7, v4  }
0x1d3: {  	[tilespmem:s30+$0x80] =	vst v9;
	v3 =	vmax.f32 v3, $0.0e+00;
	v49 =	vadd.f32 v47, v43;
	v6 =	vmax.f32 v6, $0.0e+00  }
0x1d4: {  	[tilespmem:s29+$0x80] =	vst v8;
	v52 =	vand.u32 $0x1, v17;
	v53 =	vand.u32 $0xFFFFFFFE, v17;
	v54 =	vand.u32 $0xFFFFFFFE, v19  }
0x1d5: {  	[tilespmem:s0+$0x4080] =	vst v2;
	v51 =	vld [tilespmem:s11+$0x80];
	v56 =	vand.u32 $0x1, v19;
	v1 =	vadd.f32 v1, v50;
	v3 =	vmin.f32 v3, $1.000000000e+00  }
0x1d6: {  	v58 =	vld [tilespmem:s28+$0x80];
	[tilespmem:s28+$0x4080] =	vst v45;
	v63 =	vcvt.s32.f32 v48;
	v8 =	vadd.f32 v53, v44;
	v14 =	vmul.f32 v49, v0  }
0x1d7: {  	v2 =	vld [tilespmem:s4+$0x80];
	[tilespmem:s0+$0x80] =	vst v10;
	v5 =	vcvt.s32.f32 v52;
	v10 =	vadd.f32 v54, v46;
	v1 =	vmul.f32 v1, v0  }
0x1d8: {  	v57 =	vld [tilespmem:s25+$0x80];
	[tilespmem:s24+$0x80] =	vst v3;
	v3 =	vmin.f32 v6, $1.000000000e+00;
	v8 =	vmul.f32 v8, v0;
	v55 =	vmul.f32 $9.999999970e-07, v14  }
0x1d9: {  	v4 =	vmax.f32 v4, $0.0e+00;
	[tilespmem:s31+$0x80] =	vst v3;
	v59 =	vmul.f32 v10, v0;
	v1 =	vmul.f32 $9.999999970e-07, v1  }
0x1da: {  	v61 =	vcvt.s32.f32 v56;
	[tilespmem:s11+$0x4080] =	vst v63;
	v60 =	vmul.f32 $9.999999970e-07, v8;
	v7 =	vadd.f32 v55, v51  }
0x1db: {  	v4 =	vmin.f32 v4, $1.000000000e+00;
	[tilespmem:s4+$0x4080] =	vst v5;
	v3 =	vmul.f32 $9.999999970e-07, v59;
	v1 =	vadd.f32 v1, v58  }
0x1dc: {  	[tilespmem:s2+$0x80] =	vst v4;
	v2 =	vadd.f32 v60, v2;
	v62 =	vmax.f32 v7, $0.0e+00  }
0x1dd: {  	[tilespmem:s25+$0x4080] =	vst v61;
	v3 =	vadd.f32 v3, v57;
	v1 =	vmax.f32 v1, $0.0e+00;
	v5 =	vmin.f32 v62, $1.000000000e+00  }
0x1de: {  	v2 =	vmax.f32 v2, $0.0e+00;
	v1 =	vmin.f32 v1, $1.000000000e+00;
	[tilespmem:s11+$0x80] =	vst v5  }
0x1df: {  	v3 =	vmax.f32 v3, $0.0e+00;
	v2 =	vmin.f32 v2, $1.000000000e+00;
	[tilespmem:s28+$0x80] =	vst v1  }
0x1e0: {  	s3 =	simm.s32 $0x180;
	[tilespmem:s4+$0x80] =	vst v2;
	v2 =	vmin.f32 v3, $1.000000000e+00  }
0x1e1: {  	s0 =	simm.s32 $0x80;
	s2 =	simm.s32 $0x10;
	s4 =	sadd.s32 $0x0, s15;
	[tilespmem:s25+$0x80] =	vst v2  }
.LBB2_34:
0x1e2: {  	[hbm4b:s4+s1] =	stream.linear.scatter [tilespmem:s0], [sflag:$0x3], $0x80, $0x38;
	[tilespmem:$0x14000] =	vst v63  }
0x1e3: {  	s4 =	smov.u32 s2;
	s0 =	smov.u32 s3;
	p0 =	sne.s32 s2, $0x3F0  }
.Ltmp16:
0x1e4: {  	s2 =	sadd.s32 $0x10, s2;
	(pc) =	sbr.rel @p0 .LBB2_34-.Ltmp16, $2  }
0x1e5: {  	_ =	sdelay $0x2  }
0x1e6: {  	s3 =	sadd.s32 $0x100, s3;
	s4 =	sadd.s32 s4, s15  }
0x1e7: {  	[hbm4b:s4+s1] =	stream.linear.scatter [tilespmem:s0], [sflag:$0x3], $0x80, $0x38;
	[tilespmem:$0x14000] =	vst v63  }
0x1e8: {  	s10 =	simm.s32 $0x3  }
0x1e9: {  	_ =	swait.ge [sflag:s10], $0x2000  }
0x1ea: {  	s0 =	simm.s32 $0x4080;
	s2 =	simm.s32 $0x10;
	[sflag:s10] =	ssyncset.done $0x0  }
0x1eb: {  	s4 =	sadd.s32 $0x0, s16;
	s3 =	simm.s32 $0x4180;
	[sflag:s10] =	ssyncadd.s32 $0xFFFFE000  }
.LBB2_36:
0x1ec: {  	[hbm4b:s4+s1] =	stream.linear.scatter [tilespmem:s0], [sflag:$0x3], $0x80, $0x38;
	[tilespmem:$0x14000] =	vst v63  }
0x1ed: {  	s4 =	smov.u32 s2;
	s0 =	smov.u32 s3;
	p0 =	sne.s32 s2, $0x3F0  }
.Ltmp17:
0x1ee: {  	s2 =	sadd.s32 $0x10, s2;
	(pc) =	sbr.rel @p0 .LBB2_36-.Ltmp17, $2  }
0x1ef: {  	_ =	sdelay $0x2  }
0x1f0: {  	s3 =	sadd.s32 $0x100, s3;
	s4 =	sadd.s32 s4, s16  }
0x1f1: {  	[hbm4b:s4+s1] =	stream.linear.scatter [tilespmem:s0], [sflag:$0x3], $0x80, $0x38;
	[tilespmem:$0x14000] =	vst v63  }
0x1f2: {  	_ =	swait.ge [sflag:s10], $0x2000  }
0x1f3: {  	s0 =	simm.s32 $0x80;
	s2 =	simm.s32 $0x10;
	[sflag:s10] =	ssyncset.done $0x0  }
0x1f4: {  	s4 =	sadd.s32 $0x0, s17;
	s3 =	simm.s32 $0x180;
	[sflag:s10] =	ssyncadd.s32 $0xFFFFE000  }
.LBB2_38:
0x1f5: {  	[tilespmem:s0], [sflag:$0x3] =	stream.linear.gather [hbm4b:s4+s1], $0x80, $0x38;
	[tilespmem:$0x14000] =	vst v63  }
0x1f6: {  	s4 =	smov.u32 s2;
	s0 =	smov.u32 s3;
	p0 =	sne.s32 s2, $0x3F0  }
.Ltmp18:
0x1f7: {  	s2 =	sadd.s32 $0x10, s2;
	(pc) =	sbr.rel @p0 .LBB2_38-.Ltmp18, $2  }
0x1f8: {  	_ =	sdelay $0x2  }
0x1f9: {  	s3 =	sadd.s32 $0x100, s3;
	s4 =	sadd.s32 s4, s17  }
0x1fa: {  	[tilespmem:s0], [sflag:$0x3] =	stream.linear.gather [hbm4b:s4+s1], $0x80, $0x38;
	[tilespmem:$0x14000] =	vst v63  }
0x1fb: {  	_ =	swait.ge [sflag:s10], $0x2000  }
0x1fc: {  	s0 =	simm.s32 $0x4080;
	s2 =	simm.s32 $0x10;
	[sflag:s10] =	ssyncset.done $0x0  }
0x1fd: {  	s4 =	sadd.s32 $0x0, s18;
	s3 =	simm.s32 $0x4180;
	[sflag:s10] =	ssyncadd.s32 $0xFFFFE000  }
.LBB2_40:
0x1fe: {  	[tilespmem:s0], [sflag:$0x3] =	stream.linear.gather [hbm4b:s4+s1], $0x80, $0x38;
	[tilespmem:$0x14000] =	vst v63  }
0x1ff: {  	s4 =	smov.u32 s2;
	s0 =	smov.u32 s3;
	p0 =	sne.s32 s2, $0x3F0  }
.Ltmp19:
0x200: {  	s2 =	sadd.s32 $0x10, s2;
	(pc) =	sbr.rel @p0 .LBB2_40-.Ltmp19, $2  }
0x201: {  	_ =	sdelay $0x2  }
0x202: {  	s3 =	sadd.s32 $0x100, s3;
	s4 =	sadd.s32 s4, s18  }
0x203: {  	[tilespmem:s0], [sflag:$0x3] =	stream.linear.gather [hbm4b:s4+s1], $0x80, $0x38;
	[tilespmem:$0x14000] =	vst v63  }
0x204: {  	s24 =	simm.s32 $0x0  }
0x205: {  	_ =	swait.ge [sflag:s10], $0x2000;
	s28 =	sand.u32 $0x40, s24  }
0x206: {  	s5 =	sand.u32 $0x3F00, s24;
	[sflag:s10] =	ssyncset.done $0x0;
	s4 =	sor.u32 $0x30, s28  }
0x207: {  	[sflag:s10] =	ssyncadd.s32 $0xFFFFE000;
	s6 =	sor.u32 s5, s4  }
0x208: {  	s3 =	sor.u32 $0x10, s28;
	v1 =	vld [tilespmem:s6+$0x4080]  }
0x209: {  	s2 =	sor.u32 $0x20, s28;
	s7 =	sor.u32 s5, s3;
	v2 =	vld [tilespmem:s6+$0x80]  }
0x20a: {  	s30 =	sor.u32 s5, s2;
	v3 =	vld [tilespmem:s7+$0x4080]  }
0x20b: {  	s0 =	sor.u32 s28, s5;
	v4 =	vld [tilespmem:s30+$0x4080]  }
0x20c: {  	v5 =	vld [tilespmem:s0+$0x4080]  }
0x20d: {  	v6 =	vld [tilespmem:s7+$0x80]  }
0x20e: {  	v7 =	vld [tilespmem:s30+$0x80]  }
0x20f: {  	v8 =	vld [tilespmem:s0+$0x80]  }
0x210: {  	s26 =	simm.s32 $0x40  }
0x211: {  	s31 =	sand.u32 $0x40, s26;
	s0 =	simm.s32 $0x80;
	v1 =	vmul.f32 $1.023000000e+03, v1;
	v2 =	vmul.f32 $1.023000000e+03, v2  }
0x212: {  	s25 =	sor.u32 $0x10, s31;
	s5 =	sand.u32 $0x3F00, s0;
	v3 =	vmul.f32 $1.023000000e+03, v3;
	v4 =	vmul.f32 $1.023000000e+03, v4  }
0x213: {  	s9 =	sor.u32 s5, s25;
	v5 =	vmul.f32 $1.023000000e+03, v5;
	v6 =	vmul.f32 $1.023000000e+03, v6  }
0x214: {  	s6 =	sor.u32 s31, s5;
	v10 =	vld [tilespmem:s9+$0x4080];
	v7 =	vmul.f32 $1.023000000e+03, v7;
	v8 =	vmul.f32 $1.023000000e+03, v8  }
0x215: {  	v12 =	vld [tilespmem:s6+$0x4080];
	v1 =	vtrunc.f32 v1;
	v2 =	vtrunc.f32 v2  }
0x216: {  	v3 =	vtrunc.f32 v3;
	v5 =	vtrunc.f32 v5  }
0x217: {  	v4 =	vtrunc.f32 v4;
	v1 =	vcvt.f32.s32 v1  }
0x218: {  	v2 =	vcvt.f32.s32 v2;
	v3 =	vcvt.f32.s32 v3  }
0x219: {  	v4 =	vcvt.f32.s32 v4;
	v10 =	vmul.f32 $1.023000000e+03, v10  }
0x21a: {  	v62 =	vmul.f32 $1.023000000e+03, v12;
	vm0 =	vgt.s32 v1, $0x0;
	vm9 =	vgt.s32 v2, $0x0  }
0x21b: {  	vm10 =	vgt.s32 v3, $0x0;
	vm1 =	vgt.s32 v4, $0x0;
	v1 =	vnsel vm0, $0x0, v1  }
0x21c: {  	v2 =	vnsel vm9, $0x0, v2;
	v3 =	vnsel vm10, $0x0, v3;
	v1 =	vmin.u32 v1, $0x3FF  }
0x21d: {  	s11 =	sor.u32 $0x30, s31;
	v4 =	vnsel vm1, $0x0, v4;
	v2 =	vmin.u32 v2, $0x3FF;
	v1 =	vshll.u32 v1, $0xA  }
0x21e: {  	s8 =	sor.u32 s5, s11;
	v9 =	vor.u32 v2, v1;
	v1 =	vcvt.f32.s32 v5;
	v2 =	vtrunc.f32 v6  }
0x21f: {  	v3 =	vmin.u32 v3, $0x3FF;
	v5 =	vtrunc.f32 v8;
	v6 =	vtrunc.f32 v7;
	v7 =	vld [tilespmem:s8+$0x4080]  }
0x220: {  	v4 =	vmin.u32 v4, $0x3FF;
	v8 =	vld [tilespmem:s8+$0x80];
	v2 =	vcvt.f32.s32 v2;
	v5 =	vcvt.f32.s32 v5  }
0x221: {  	v3 =	vshll.u32 v3, $0xA;
	v6 =	vcvt.f32.s32 v6;
	vm2 =	vgt.s32 v1, $0x0  }
0x222: {  	s28 =	sor.u32 $0x20, s31;
	v1 =	vnsel vm2, $0x0, v1;
	vm11 =	vgt.s32 v2, $0x0;
	vm12 =	vgt.s32 v5, $0x0  }
0x223: {  	s12 =	sor.u32 s5, s28;
	vm13 =	vgt.s32 v6, $0x0;
	v1 =	vmin.u32 v1, $0x3FF;
	v2 =	vnsel vm11, $0x0, v2  }
0x224: {  	v11 =	vld [tilespmem:s12+$0x4080];
	v5 =	vnsel vm12, $0x0, v5;
	v7 =	vmul.f32 $1.023000000e+03, v7;
	v14 =	vshll.u32 v1, $0xA  }
0x225: {  	v1 =	vshll.u32 v4, $0xA;
	v4 =	vld [tilespmem:s12+$0x80];
	v8 =	vmul.f32 $1.023000000e+03, v8;
	v2 =	vmin.u32 v2, $0x3FF  }
0x226: {  	v13 =	vld [tilespmem:s9+$0x80];
	v6 =	vnsel vm13, $0x0, v6;
	v15 =	vor.u32 v2, v3;
	v2 =	vtrunc.f32 v7  }
0x227: {  	v16 =	vmin.u32 v5, $0x3FF;
	v5 =	vcvt.f32.s32 v2;
	v2 =	vtrunc.f32 v8  }
0x228: {  	s24 =	sand.u32 $0x1F80, s24;
	v63 =	vtrunc.f32 v10;
	v6 =	vmin.u32 v6, $0x3FF;
	v3 =	vld [tilespmem:s6+$0x80];
	v7 =	vcvt.f32.s32 v2  }
0x229: {  	v6 =	vor.u32 v6, v1;
	s6 =	sor.u32 $0xE000, s24;
	v8 =	vmul.f32 $1.023000000e+03, v11;
	vm14 =	vgt.s32 v5, $0x0  }
0x22a: {  	s4 =	sor.u32 s4, s6;
	v1 =	vmul.f32 $1.023000000e+03, v4;
	v4 =	vnsel vm14, $0x0, v5;
	vm15 =	vgt.s32 v7, $0x0  }
0x22b: {  	s30 =	sand.u32 $0x1F80, s26;
	s3 =	sor.u32 s3, s6;
	s6 =	sor.u32 s2, s6;
	[tilespmem:s4+$0x0] =	vst v9;
	v2 =	vmul.f32 $1.023000000e+03, v13;
	v4 =	vmin.u32 v4, $0x3FF;
	v5 =	vnsel vm15, $0x0, v7  }
0x22c: {  	s31 =	sor.u32 $0xE000, s30;
	[tilespmem:s6+$0x0] =	vst v6;
	v6 =	vtrunc.f32 v8;
	v5 =	vmin.u32 v5, $0x3FF;
	v4 =	vshll.u32 v4, $0xA  }
0x22d: {  	s29 =	simm.s32 $0x4;
	s26 =	sor.u32 s25, s31;
	[tilespmem:s3+$0x0] =	vst v15;
	s4 =	sor.u32 s11, s31;
	v3 =	vmul.f32 $1.023000000e+03, v3;
	v7 =	vtrunc.f32 v62;
	v8 =	vor.u32 v5, v4  }
0x22e: {  	s24 =	sor.u32 s28, s31;
	s2 =	simm.s32 $0xE000;
	s3 =	simm.s32 $0x80;
	v5 =	vcvt.f32.s32 v63;
	v4 =	vcvt.f32.s32 v6;
	v6 =	vor.u32 v16, v14;
	[tilespmem:s4+$0x0] =	vst v8  }
.LBB2_42:
0x22f: {  	s6 =	sand.u32 $0x40, s3;
	s29 =	sadd.s32 $0x4, s29;
	v7 =	vcvt.f32.s32 v7;
	v2 =	vtrunc.f32 v2;
	s0 =	sadd.s32 $0x80, s0;
	[tilespmem:s2+$0x0] =	vst v6  }
0x230: {  	v3 =	vtrunc.f32 v3;
	v1 =	vtrunc.f32 v1;
	s7 =	sand.u32 $0x3F00, s0;
	s4 =	sor.u32 $0x30, s6;
	p0 =	slt.u32 s29, $0x1FC;
	vm0 =	vgt.s32 v5, $0x0  }
0x231: {  	s25 =	sor.u32 $0x10, s6;
	s5 =	sor.u32 $0x20, s6;
	v2 =	vcvt.f32.s32 v2;
	vm1 =	vgt.s32 v4, $0x0;
	v1 =	vcvt.f32.s32 v1;
	s8 =	sor.u32 s7, s4  }
0x232: {  	v3 =	vcvt.f32.s32 v3;
	s6 =	sor.u32 s6, s7;
	s9 =	sor.u32 s7, s25;
	s7 =	sor.u32 s7, s5;
	vm2 =	vgt.s32 v7, $0x0;
	v5 =	vnsel vm0, $0x0, v5;
	v6 =	vld [tilespmem:s8+$0x4080]  }
0x233: {  	v4 =	vnsel vm1, $0x0, v4;
	v7 =	vnsel vm2, $0x0, v7;
	vm0 =	vgt.s32 v2, $0x0;
	v8 =	vld [tilespmem:s8+$0x80]  }
0x234: {  	vm1 =	vgt.s32 v3, $0x0;
	v5 =	vmin.u32 v5, $0x3FF;
	vm2 =	vgt.s32 v1, $0x0;
	v9 =	vld [tilespmem:s9+$0x4080]  }
0x235: {  	v4 =	vmin.u32 v4, $0x3FF;
	v7 =	vmin.u32 v7, $0x3FF;
	v2 =	vnsel vm0, $0x0, v2;
	v10 =	vld [tilespmem:s7+$0x4080]  }
0x236: {  	v3 =	vnsel vm1, $0x0, v3;
	v5 =	vshll.u32 v5, $0xA;
	v1 =	vnsel vm2, $0x0, v1;
	v11 =	vld [tilespmem:s6+$0x4080]  }
0x237: {  	v4 =	vshll.u32 v4, $0xA;
	v13 =	vshll.u32 v7, $0xA;
	v12 =	vld [tilespmem:s9+$0x80];
	v6 =	vmul.f32 $1.023000000e+03, v6  }
0x238: {  	v2 =	vmin.u32 v2, $0x3FF;
	v1 =	vmin.u32 v1, $0x3FF;
	v7 =	vld [tilespmem:s7+$0x80];
	v8 =	vmul.f32 $1.023000000e+03, v8  }
0x239: {  	v15 =	vmin.u32 v3, $0x3FF;
	v14 =	vld [tilespmem:s6+$0x80];
	v9 =	vmul.f32 $1.023000000e+03, v9;
	v6 =	vtrunc.f32 v6  }
0x23a: {  	v2 =	vor.u32 v2, v5;
	v3 =	vcvt.f32.s32 v6;
	v6 =	vtrunc.f32 v8  }
0x23b: {  	v1 =	vor.u32 v1, v4;
	v5 =	vmul.f32 $1.023000000e+03, v10;
	v6 =	vcvt.f32.s32 v6;
	[tilespmem:s26+$0x0] =	vst v2  }
0x23c: {  	v4 =	vmul.f32 $1.023000000e+03, v11;
	v2 =	vmul.f32 $1.023000000e+03, v12;
	vm0 =	vgt.s32 v3, $0x0;
	[tilespmem:s24+$0x0] =	vst v1  }
.Ltmp20:
0x23d: {  	v1 =	vmul.f32 $1.023000000e+03, v7;
	v7 =	vnsel vm0, $0x0, v3;
	vm0 =	vgt.s32 v6, $0x0;
	(pc) =	sbr.rel @p0 .LBB2_42-.Ltmp20, $4  }
0x23e: {  	s6 =	sand.u32 $0x1F80, s3;
	v3 =	vmul.f32 $1.023000000e+03, v14;
	v7 =	vmin.u32 v7, $0x3FF;
	v6 =	vnsel vm0, $0x0, v6  }
0x23f: {  	s6 =	sor.u32 $0xE000, s6;
	v8 =	vtrunc.f32 v9;
	v6 =	vmin.u32 v6, $0x3FF;
	v9 =	vshll.u32 v7, $0xA  }
0x240: {  	s26 =	sor.u32 s25, s6;
	s4 =	sor.u32 s4, s6;
	s24 =	sor.u32 s5, s6;
	v7 =	vtrunc.f32 v4;
	v4 =	vtrunc.f32 v5;
	v6 =	vor.u32 v6, v9  }
0x241: {  	s2 =	sadd.s32 $0x40, s2;
	s3 =	sadd.s32 $0x40, s3;
	v5 =	vcvt.f32.s32 v8;
	v4 =	vcvt.f32.s32 v4;
	[tilespmem:s4+$0x0] =	vst v6;
	v6 =	vor.u32 v15, v13  }
0x242: {  	v7 =	vcvt.f32.s32 v7  }
0x243: {  	v2 =	vtrunc.f32 v2;
	v3 =	vtrunc.f32 v3  }
0x244: {  	v1 =	vtrunc.f32 v1;
	vm0 =	vgt.s32 v5, $0x0;
	v2 =	vcvt.f32.s32 v2  }
0x245: {  	v3 =	vcvt.f32.s32 v3;
	vm12 =	vgt.s32 v4, $0x0;
	v1 =	vcvt.f32.s32 v1  }
0x246: {  	vm1 =	vgt.s32 v7, $0x0;
	v5 =	vnsel vm0, $0x0, v5;
	v4 =	vnsel vm12, $0x0, v4  }
0x247: {  	v7 =	vnsel vm1, $0x0, v7;
	vm13 =	vgt.s32 v2, $0x0;
	vm14 =	vgt.s32 v3, $0x0  }
0x248: {  	v5 =	vmin.u32 v5, $0x3FF;
	vm15 =	vgt.s32 v1, $0x0;
	v4 =	vmin.u32 v4, $0x3FF  }
0x249: {  	v2 =	vnsel vm13, $0x0, v2;
	v7 =	vmin.u32 v7, $0x3FF;
	v3 =	vnsel vm14, $0x0, v3  }
0x24a: {  	v5 =	vshll.u32 v5, $0xA;
	v1 =	vnsel vm15, $0x0, v1;
	v2 =	vmin.u32 v2, $0x3FF  }
0x24b: {  	[tilespmem:s2+$0x0] =	vst v6;
	v4 =	vshll.u32 v4, $0xA;
	v1 =	vmin.u32 v1, $0x3FF;
	v2 =	vor.u32 v2, v5  }
0x24c: {  	v63 =	vshll.u32 v7, $0xA;
	v3 =	vmin.u32 v3, $0x3FF;
	v1 =	vor.u32 v1, v4;
	[tilespmem:s26+$0x0] =	vst v2  }
0x24d: {  	s0 =	sadd.s32 $0x40, s2;
	[tilespmem:s24+$0x0] =	vst v1;
	v1 =	vor.u32 v3, v63  }
0x24e: {  	s31 =	simm.s32 $0x2000;
	s3 =	simm.s32 $0xE000;
	[tilespmem:s0+$0x0] =	vst v1  }
0x24f: {  	s4 =	simm.s32 $0x12000;
	s2 =	simm.s32 $0x10;
	s0 =	rddreg [dreg:$0x7]  }
0x250: {  	[tilespmem:s4], [sflag:$0x2] =	stream.indirect.gather [hbm4b:s0+s31], $0x1, s3, s31, $0xb8;
	[tilespmem:$0x14000] =	vst v63  }
0x251: {  	s0 =	simm.s32 $0x8080;
	s4 =	sadd.s32 $0x0, s19;
	s3 =	simm.s32 $0x8180  }
.LBB2_44:
0x252: {  	[tilespmem:s0], [sflag:$0x3] =	stream.linear.gather [hbm4b:s4+s1], $0x80, $0x38;
	[tilespmem:$0x14000] =	vst v63  }
0x253: {  	s4 =	smov.u32 s2;
	s0 =	smov.u32 s3;
	p0 =	sne.s32 s2, $0x3F0  }
.Ltmp21:
0x254: {  	s2 =	sadd.s32 $0x10, s2;
	(pc) =	sbr.rel @p0 .LBB2_44-.Ltmp21, $2  }
0x255: {  	_ =	sdelay $0x2  }
0x256: {  	s3 =	sadd.s32 $0x100, s3;
	s4 =	sadd.s32 s4, s19  }
0x257: {  	[tilespmem:s0], [sflag:$0x3] =	stream.linear.gather [hbm4b:s4+s1], $0x80, $0x38;
	[tilespmem:$0x14000] =	vst v63  }
0x258: {  	_ =	swait.ge [sflag:s10], $0x2000  }
0x259: {  	[sflag:s10] =	ssyncset.done $0x0  }
0x25a: {  	s11 =	simm.s32 $0x1;
	[sflag:s10] =	ssyncadd.s32 $0xFFFFE000  }
0x25b: {  	_ =	swait.ge [sflag:s11], $0x2000  }
0x25c: {  	s12 =	simm.s32 $0x0;
	s2 =	simm.s32 $0x10000;
	[sflag:s11] =	ssyncset.done $0x0  }
0x25d: {  	s3 =	sand.u32 $0x40, s12;
	s24 =	sand.u32 $0x1F80, s12;
	[sflag:s11] =	ssyncadd.s32 $0xFFFFE000  }
0x25e: {  	s25 =	simm.s32 $0x10040;
	s5 =	sor.u32 $0x10000, s24;
	s26 =	sor.u32 $0x30, s3;
	v1 =	vld [tilespmem:s2+$0x0]  }
0x25f: {  	s0 =	sand.u32 $0x3F00, s12;
	s7 =	sor.u32 s26, s5;
	v2 =	vld [tilespmem:s25+$0x0]  }
0x260: {  	s6 =	sor.u32 $0x10, s3;
	s4 =	sor.u32 s0, s26;
	v3 =	vld [tilespmem:s7+$0x0]  }
0x261: {  	s8 =	sor.u32 s6, s5;
	v4 =	vld [tilespmem:s4+$0x8000]  }
0x262: {  	s26 =	sor.u32 s0, s6;
	v5 =	vld [tilespmem:s8+$0x0]  }
0x263: {  	s29 =	sor.u32 s3, s0;
	v7 =	vld [tilespmem:s26+$0x8000]  }
0x264: {  	s7 =	sor.u32 $0x20, s3;
	v11 =	vld [tilespmem:s29+$0x8000]  }
0x265: {  	v12 =	vld [tilespmem:s4+$0x0];
	s5 =	sor.u32 s7, s5  }
0x266: {  	s30 =	sor.u32 s0, s7;
	v6 =	vld [tilespmem:s5+$0x0]  }
0x267: {  	s9 =	simm.s32 $0x40;
	v8 =	vld [tilespmem:s30+$0x8000];
	v9 =	vand.u32 $0xFFFFFFFE, v3;
	v10 =	vand.u32 $0x1, v1;
	v3 =	vand.u32 $0x1, v3  }
0x268: {  	v13 =	vld [tilespmem:s26+$0x0];
	s3 =	sand.u32 $0x40, s9;
	s0 =	sand.u32 $0x1F80, s9;
	v4 =	vadd.f32 v9, v4;
	v9 =	vcvt.s32.f32 v10;
	v10 =	vand.u32 $0xFFFFFFFE, v1  }
0x269: {  	v16 =	vld [tilespmem:s29+$0x0];
	s24 =	sor.u32 $0x30, s3;
	s12 =	sor.u32 $0x10000, s0;
	v1 =	vand.u32 $0x1, v5;
	v5 =	vand.u32 $0xFFFFFFFE, v5;
	v17 =	vcvt.s32.f32 v3  }
0x26a: {  	s11 =	simm.s32 $0x80;
	v14 =	vld [tilespmem:s30+$0x0];
	s9 =	sor.u32 s24, s12;
	v5 =	vadd.f32 v5, v7;
	v15 =	vcvt.s32.f32 v1;
	v7 =	vadd.f32 v10, v11  }
0x26b: {  	s10 =	simm.s32 $0x10080;
	s25 =	sand.u32 $0x3F00, s11;
	v3 =	vld [tilespmem:s9+$0x0];
	v4 =	vmul.f32 v4, v0;
	[tilespmem:s29+$0x4000] =	vst v9;
	v9 =	vand.u32 $0x1, v6;
	v6 =	vand.u32 $0xFFFFFFFE, v6  }
0x26c: {  	s0 =	sor.u32 s25, s24;
	v1 =	vld [tilespmem:s10+$0x0];
	s10 =	sor.u32 $0x10, s3;
	v6 =	vadd.f32 v6, v8;
	v8 =	vcvt.s32.f32 v9;
	v5 =	vmul.f32 v5, v0  }
0x26d: {  	s8 =	sor.u32 $0x20, s3;
	s11 =	sor.u32 s10, s12;
	v9 =	vld [tilespmem:s0+$0x8000];
	v7 =	vmul.f32 v7, v0;
	v4 =	vmul.f32 $9.999999970e-07, v4  }
0x26e: {  	s6 =	sor.u32 s8, s12;
	v10 =	vand.u32 $0x1, v2;
	v18 =	vld [tilespmem:s11+$0x0];
	v6 =	vmul.f32 v6, v0;
	v5 =	vmul.f32 $9.999999970e-07, v5  }
0x26f: {  	v19 =	vld [tilespmem:s6+$0x0];
	v11 =	vmul.f32 $9.999999970e-07, v7;
	v7 =	vand.u32 $0xFFFFFFFE, v2;
	v4 =	vadd.f32 v4, v12  }
0x270: {  	s24 =	sor.u32 s25, s10;
	v21 =	vand.u32 $0x1, v3;
	v3 =	vand.u32 $0xFFFFFFFE, v3;
	v6 =	vmul.f32 $9.999999970e-07, v6  }
0x271: {  	s31 =	sor.u32 s25, s8;
	v2 =	vld [tilespmem:s24+$0x8000];
	v5 =	vadd.f32 v5, v13;
	v13 =	vcvt.s32.f32 v10;
	v4 =	vmax.f32 v4, $0.0e+00  }
0x272: {  	s2 =	sor.u32 s3, s25;
	v20 =	vld [tilespmem:s31+$0x8000];
	[tilespmem:s26+$0x4000] =	vst v15;
	v15 =	vadd.f32 v3, v9;
	v4 =	vmin.f32 v4, $1.000000000e+00;
	v6 =	vadd.f32 v6, v14  }
0x273: {  	v14 =	vadd.f32 v11, v16;
	v11 =	vld [tilespmem:s2+$0x8000];
	v12 =	vmax.f32 v5, $0.0e+00;
	v5 =	vand.u32 $0x1, v18;
	[tilespmem:s2+$0x4000] =	vst v13  }
0x274: {  	s28 =	simm.s32 $0x80;
	v10 =	vld [tilespmem:s0+$0x0];
	v16 =	vand.u32 $0xFFFFFFFE, v19;
	[tilespmem:s4+$0x0] =	vst v4;
	v4 =	vand.u32 $0x1, v19;
	v13 =	vcvt.s32.f32 v5  }
0x275: {  	s5 =	sand.u32 $0x40, s28;
	v3 =	vld [tilespmem:s24+$0x0];
	v9 =	vmax.f32 v6, $0.0e+00;
	v6 =	vand.u32 $0xFFFFFFFE, v18;
	v18 =	vmul.f32 v15, v0  }
0x276: {  	s7 =	sor.u32 $0x30, s5;
	s3 =	simm.s32 $0x100C0;
	s12 =	sand.u32 $0x1F80, s28;
	[tilespmem:s30+$0x4000] =	vst v8;
	v8 =	vmax.f32 v14, $0.0e+00;
	v5 =	vcvt.s32.f32 v4;
	v4 =	vld [tilespmem:s2+$0x0];
	v14 =	vadd.f32 v6, v2  }
0x277: {  	s25 =	simm.s32 $0x100;
	[tilespmem:s4+$0x4000] =	vst v17;
	s6 =	sor.u32 $0x10000, s12;
	s4 =	simm.s32 $0x8;
	v15 =	vadd.f32 v16, v20;
	v6 =	vld [tilespmem:s31+$0x0];
	v2 =	vcvt.s32.f32 v21;
	v16 =	vmul.f32 $9.999999970e-07, v18  }
.LBB2_46:
0x278: {  	v17 =	vld [tilespmem:s3+$0x0];
	s8 =	sand.u32 $0x3F00, s25;
	s9 =	sor.u32 $0x10, s5;
	s10 =	sor.u32 s7, s6;
	v7 =	vadd.f32 v7, v11;
	v11 =	vmul.f32 v14, v0;
	[tilespmem:s24+$0x4000] =	vst v13;
	v12 =	vmin.f32 v12, $1.000000000e+00  }
0x279: {  	s12 =	sor.u32 $0x20, s5;
	v9 =	vmin.f32 v9, $1.000000000e+00;
	s11 =	sor.u32 s9, s6;
	v13 =	vld [tilespmem:s10+$0x0];
	s7 =	sor.u32 s8, s7;
	v14 =	vmul.f32 v15, v0;
	v10 =	vadd.f32 v16, v10;
	[tilespmem:s26+$0x0] =	vst v12  }
0x27a: {  	v8 =	vmin.f32 v8, $1.000000000e+00;
	s9 =	sor.u32 s8, s9;
	s6 =	sor.u32 s12, s6;
	s10 =	sor.u32 s8, s12;
	v12 =	vld [tilespmem:s7+$0x8000];
	v7 =	vmul.f32 v7, v0;
	v11 =	vmul.f32 $9.999999970e-07, v11;
	[tilespmem:s30+$0x0] =	vst v9  }
0x27b: {  	s5 =	sor.u32 s5, s8;
	s26 =	smov.u32 s24;
	v9 =	vand.u32 $0x1, v1;
	s24 =	smov.u32 s9;
	v15 =	vld [tilespmem:s11+$0x0];
	v14 =	vmul.f32 $9.999999970e-07, v14;
	v10 =	vmax.f32 v10, $0.0e+00;
	[tilespmem:s29+$0x0] =	vst v8  }
0x27c: {  	s30 =	smov.u32 s31;
	s29 =	smov.u32 s2;
	v16 =	vld [tilespmem:s6+$0x0];
	v8 =	vmul.f32 $9.999999970e-07, v7;
	v3 =	vadd.f32 v11, v3;
	[tilespmem:s31+$0x4000] =	vst v5;
	v5 =	vmin.f32 v10, $1.000000000e+00;
	s31 =	smov.u32 s10  }
0x27d: {  	s4 =	sadd.s32 $0x4, s4;
	v9 =	vcvt.s32.f32 v9;
	s2 =	smov.u32 s5;
	v7 =	vand.u32 $0xFFFFFFFE, v1;
	v18 =	vld [tilespmem:s24+$0x8000];
	v6 =	vadd.f32 v14, v6;
	[tilespmem:s0+$0x0] =	vst v5;
	v1 =	vmovc v17  }
0x27e: {  	p0 =	slt.u32 s4, $0x1FC;
	v17 =	vld [tilespmem:s31+$0x8000];
	v19 =	vand.u32 $0x1, v13;
	v5 =	vand.u32 $0xFFFFFFFE, v13;
	v4 =	vadd.f32 v8, v4;
	[tilespmem:s0+$0x4000] =	vst v2;
	s0 =	smov.u32 s7  }
.Ltmp22:
0x27f: {  	v11 =	vld [tilespmem:s2+$0x8000];
	[tilespmem:s2+$0x4000] =	vst v9;
	v2 =	vadd.f32 v5, v12;
	v12 =	vmax.f32 v3, $0.0e+00;
	v9 =	vmax.f32 v6, $0.0e+00;
	(pc) =	sbr.rel @p0 .LBB2_46-.Ltmp22, $4  }
0x280: {  	v5 =	vand.u32 $0x1, v15;
	v6 =	vand.u32 $0xFFFFFFFE, v15;
	v10 =	vld [tilespmem:s0+$0x0];
	v8 =	vmax.f32 v4, $0.0e+00  }
0x281: {  	s3 =	sadd.s32 $0x40, s3;
	s25 =	sadd.s32 $0x80, s25;
	s28 =	sadd.s32 $0x40, s28;
	v3 =	vld [tilespmem:s24+$0x0];
	v4 =	vand.u32 $0x1, v16;
	v15 =	vand.u32 $0xFFFFFFFE, v16;
	v16 =	vmul.f32 v2, v0  }
0x282: {  	s5 =	sand.u32 $0x40, s28;
	s6 =	sand.u32 $0x1F80, s28;
	v13 =	vcvt.s32.f32 v5;
	v14 =	vadd.f32 v6, v18;
	v5 =	vcvt.s32.f32 v4;
	v6 =	vld [tilespmem:s31+$0x0]  }
0x283: {  	s6 =	sor.u32 $0x10000, s6;
	s7 =	sor.u32 $0x30, s5;
	v2 =	vcvt.s32.f32 v19;
	v4 =	vld [tilespmem:s2+$0x0];
	v15 =	vadd.f32 v15, v17;
	v16 =	vmul.f32 $9.999999970e-07, v16  }
0x284: {  	s8 =	sand.u32 $0x3F00, s25;
	s3 =	sor.u32 s7, s6  }
0x285: {  	s4 =	sor.u32 $0x10, s5;
	v7 =	vadd.f32 v7, v11;
	v41 =	vmul.f32 v14, v0;
	v12 =	vmin.f32 v12, $1.000000000e+00;
	v42 =	vld [tilespmem:s3+$0x0];
	s11 =	sor.u32 s8, s7  }
0x286: {  	s9 =	sor.u32 $0x20, s5;
	v9 =	vmin.f32 v9, $1.000000000e+00;
	v8 =	vmin.f32 v8, $1.000000000e+00;
	s12 =	sor.u32 s4, s6;
	v15 =	vmul.f32 v15, v0;
	v43 =	vld [tilespmem:s11+$0x8000]  }
0x287: {  	v18 =	vand.u32 $0x1, v1;
	v10 =	vadd.f32 v16, v10;
	s25 =	sor.u32 s9, s6;
	v7 =	vmul.f32 v7, v0;
	v17 =	vld [tilespmem:s12+$0x0]  }
0x288: {  	v1 =	vand.u32 $0xFFFFFFFE, v1;
	s28 =	sor.u32 s5, s8;
	v11 =	vmul.f32 $9.999999970e-07, v41;
	v19 =	vld [tilespmem:s25+$0x0];
	v15 =	vmul.f32 $9.999999970e-07, v15  }
0x289: {  	[tilespmem:s24+$0x4000] =	vst v13;
	s4 =	sor.u32 s8, s4;
	v45 =	vcvt.s32.f32 v18;
	v50 =	vld [tilespmem:s28+$0x8000];
	v10 =	vmax.f32 v10, $0.0e+00;
	v7 =	vmul.f32 $9.999999970e-07, v7  }
0x28a: {  	[tilespmem:s31+$0x4000] =	vst v5;
	s25 =	sor.u32 s8, s9;
	v44 =	vld [tilespmem:s4+$0x8000];
	v3 =	vadd.f32 v11, v3;
	v10 =	vmin.f32 v10, $1.000000000e+00;
	v6 =	vadd.f32 v15, v6  }
0x28b: {  	[tilespmem:s26+$0x0] =	vst v12;
	v46 =	vld [tilespmem:s25+$0x8000];
	v47 =	vand.u32 $0xFFFFFFFE, v42;
	v48 =	vand.u32 $0x1, v42;
	v4 =	vadd.f32 v7, v4  }
0x28c: {  	[tilespmem:s30+$0x0] =	vst v9;
	v3 =	vmax.f32 v3, $0.0e+00;
	v49 =	vadd.f32 v47, v43;
	v6 =	vmax.f32 v6, $0.0e+00  }
0x28d: {  	[tilespmem:s29+$0x0] =	vst v8;
	v52 =	vand.u32 $0x1, v17;
	v53 =	vand.u32 $0xFFFFFFFE, v17;
	v54 =	vand.u32 $0xFFFFFFFE, v19  }
0x28e: {  	[tilespmem:s0+$0x4000] =	vst v2;
	v51 =	vld [tilespmem:s11+$0x0];
	v56 =	vand.u32 $0x1, v19;
	v1 =	vadd.f32 v1, v50;
	v3 =	vmin.f32 v3, $1.000000000e+00  }
0x28f: {  	v58 =	vld [tilespmem:s28+$0x0];
	[tilespmem:s28+$0x4000] =	vst v45;
	v63 =	vcvt.s32.f32 v48;
	v8 =	vadd.f32 v53, v44;
	v14 =	vmul.f32 v49, v0  }
0x290: {  	v2 =	vld [tilespmem:s4+$0x0];
	[tilespmem:s0+$0x0] =	vst v10;
	v5 =	vcvt.s32.f32 v52;
	v10 =	vadd.f32 v54, v46;
	v1 =	vmul.f32 v1, v0  }
0x291: {  	v57 =	vld [tilespmem:s25+$0x0];
	[tilespmem:s24+$0x0] =	vst v3;
	v3 =	vmin.f32 v6, $1.000000000e+00;
	v8 =	vmul.f32 v8, v0;
	v55 =	vmul.f32 $9.999999970e-07, v14  }
0x292: {  	v4 =	vmax.f32 v4, $0.0e+00;
	[tilespmem:s31+$0x0] =	vst v3;
	v59 =	vmul.f32 v10, v0;
	v1 =	vmul.f32 $9.999999970e-07, v1  }
0x293: {  	v61 =	vcvt.s32.f32 v56;
	[tilespmem:s11+$0x4000] =	vst v63;
	v60 =	vmul.f32 $9.999999970e-07, v8;
	v7 =	vadd.f32 v55, v51  }
0x294: {  	v4 =	vmin.f32 v4, $1.000000000e+00;
	[tilespmem:s4+$0x4000] =	vst v5;
	v3 =	vmul.f32 $9.999999970e-07, v59;
	v1 =	vadd.f32 v1, v58  }
0x295: {  	[tilespmem:s2+$0x0] =	vst v4;
	v2 =	vadd.f32 v60, v2;
	v62 =	vmax.f32 v7, $0.0e+00  }
0x296: {  	[tilespmem:s25+$0x4000] =	vst v61;
	v3 =	vadd.f32 v3, v57;
	v1 =	vmax.f32 v1, $0.0e+00;
	v5 =	vmin.f32 v62, $1.000000000e+00  }
0x297: {  	v2 =	vmax.f32 v2, $0.0e+00;
	v1 =	vmin.f32 v1, $1.000000000e+00;
	[tilespmem:s11+$0x0] =	vst v5  }
0x298: {  	v3 =	vmax.f32 v3, $0.0e+00;
	v2 =	vmin.f32 v2, $1.000000000e+00;
	[tilespmem:s28+$0x0] =	vst v1  }
0x299: {  	s3 =	simm.s32 $0x100;
	[tilespmem:s4+$0x0] =	vst v2;
	v2 =	vmin.f32 v3, $1.000000000e+00  }
0x29a: {  	s0 =	simm.s32 $0x0;
	s2 =	simm.s32 $0x10;
	s4 =	sadd.s32 $0x0, s20;
	[tilespmem:s25+$0x0] =	vst v2  }
.LBB2_48:
0x29b: {  	[hbm4b:s4+s1] =	stream.linear.scatter [tilespmem:s0], [sflag:$0x3], $0x80, $0x38;
	[tilespmem:$0x14000] =	vst v63  }
0x29c: {  	s4 =	smov.u32 s2;
	s0 =	smov.u32 s3;
	p0 =	sne.s32 s2, $0x3F0  }
.Ltmp23:
0x29d: {  	s2 =	sadd.s32 $0x10, s2;
	(pc) =	sbr.rel @p0 .LBB2_48-.Ltmp23, $2  }
0x29e: {  	_ =	sdelay $0x2  }
0x29f: {  	s3 =	sadd.s32 $0x100, s3;
	s4 =	sadd.s32 s4, s20  }
0x2a0: {  	[hbm4b:s4+s1] =	stream.linear.scatter [tilespmem:s0], [sflag:$0x3], $0x80, $0x38;
	[tilespmem:$0x14000] =	vst v63  }
0x2a1: {  	s5 =	simm.s32 $0x3  }
0x2a2: {  	_ =	swait.ge [sflag:s5], $0x2000  }
0x2a3: {  	s0 =	simm.s32 $0x4000;
	s2 =	simm.s32 $0x10;
	[sflag:s5] =	ssyncset.done $0x0  }
0x2a4: {  	s4 =	sadd.s32 $0x0, s21;
	s3 =	simm.s32 $0x4100;
	[sflag:s5] =	ssyncadd.s32 $0xFFFFE000  }
.LBB2_50:
0x2a5: {  	[hbm4b:s4+s1] =	stream.linear.scatter [tilespmem:s0], [sflag:$0x3], $0x80, $0x38;
	[tilespmem:$0x14000] =	vst v63  }
0x2a6: {  	s4 =	smov.u32 s2;
	s0 =	smov.u32 s3;
	p0 =	sne.s32 s2, $0x3F0  }
.Ltmp24:
0x2a7: {  	s2 =	sadd.s32 $0x10, s2;
	(pc) =	sbr.rel @p0 .LBB2_50-.Ltmp24, $2  }
0x2a8: {  	_ =	sdelay $0x2  }
0x2a9: {  	s3 =	sadd.s32 $0x100, s3;
	s4 =	sadd.s32 s4, s21  }
0x2aa: {  	[hbm4b:s4+s1] =	stream.linear.scatter [tilespmem:s0], [sflag:$0x3], $0x80, $0x38;
	[tilespmem:$0x14000] =	vst v63  }
0x2ab: {  	_ =	swait.ge [sflag:s5], $0x2000  }
0x2ac: {  	[sflag:s5] =	ssyncset.done $0x0  }
0x2ad: {  	s10 =	simm.s32 $0x2;
	[sflag:s5] =	ssyncadd.s32 $0xFFFFE000  }
0x2ae: {  	_ =	swait.ge [sflag:s10], $0x2000  }
0x2af: {  	s11 =	simm.s32 $0x0;
	s2 =	simm.s32 $0x12000;
	[sflag:s10] =	ssyncset.done $0x0  }
0x2b0: {  	s3 =	sand.u32 $0x40, s11;
	s12 =	sand.u32 $0x1F80, s11;
	[sflag:s10] =	ssyncadd.s32 $0xFFFFE000  }
0x2b1: {  	s24 =	simm.s32 $0x12040;
	s25 =	sor.u32 $0x12000, s12;
	s26 =	sor.u32 $0x30, s3;
	v1 =	vld [tilespmem:s2+$0x0]  }
0x2b2: {  	s0 =	sand.u32 $0x3F00, s11;
	s7 =	sor.u32 s26, s25;
	v2 =	vld [tilespmem:s24+$0x0]  }
0x2b3: {  	s6 =	sor.u32 $0x10, s3;
	s4 =	sor.u32 s0, s26;
	v3 =	vld [tilespmem:s7+$0x0]  }
0x2b4: {  	s8 =	sor.u32 s6, s25;
	v4 =	vld [tilespmem:s4+$0x8080]  }
0x2b5: {  	s26 =	sor.u32 s0, s6;
	v5 =	vld [tilespmem:s8+$0x0]  }
0x2b6: {  	s29 =	sor.u32 s3, s0;
	v7 =	vld [tilespmem:s26+$0x8080]  }
0x2b7: {  	s7 =	sor.u32 $0x20, s3;
	v11 =	vld [tilespmem:s29+$0x8080]  }
0x2b8: {  	v12 =	vld [tilespmem:s4+$0x80];
	s5 =	sor.u32 s7, s25  }
0x2b9: {  	s30 =	sor.u32 s0, s7;
	v6 =	vld [tilespmem:s5+$0x0]  }
0x2ba: {  	s9 =	simm.s32 $0x40;
	v8 =	vld [tilespmem:s30+$0x8080];
	v9 =	vand.u32 $0xFFFFFFFE, v3;
	v10 =	vand.u32 $0x1, v1;
	v3 =	vand.u32 $0x1, v3  }
0x2bb: {  	v13 =	vld [tilespmem:s26+$0x80];
	s3 =	sand.u32 $0x40, s9;
	s0 =	sand.u32 $0x1F80, s9;
	v4 =	vadd.f32 v9, v4;
	v9 =	vcvt.s32.f32 v10;
	v10 =	vand.u32 $0xFFFFFFFE, v1  }
0x2bc: {  	v16 =	vld [tilespmem:s29+$0x80];
	s24 =	sor.u32 $0x30, s3;
	s12 =	sor.u32 $0x12000, s0;
	v1 =	vand.u32 $0x1, v5;
	v5 =	vand.u32 $0xFFFFFFFE, v5;
	v17 =	vcvt.s32.f32 v3  }
0x2bd: {  	s11 =	simm.s32 $0x80;
	v14 =	vld [tilespmem:s30+$0x80];
	s9 =	sor.u32 s24, s12;
	v5 =	vadd.f32 v5, v7;
	v15 =	vcvt.s32.f32 v1;
	v7 =	vadd.f32 v10, v11  }
0x2be: {  	s10 =	simm.s32 $0x12080;
	s25 =	sand.u32 $0x3F00, s11;
	v3 =	vld [tilespmem:s9+$0x0];
	v4 =	vmul.f32 v4, v0;
	[tilespmem:s29+$0x4080] =	vst v9;
	v9 =	vand.u32 $0x1, v6;
	v6 =	vand.u32 $0xFFFFFFFE, v6  }
0x2bf: {  	s0 =	sor.u32 s25, s24;
	v1 =	vld [tilespmem:s10+$0x0];
	s10 =	sor.u32 $0x10, s3;
	v6 =	vadd.f32 v6, v8;
	v8 =	vcvt.s32.f32 v9;
	v5 =	vmul.f32 v5, v0  }
0x2c0: {  	s8 =	sor.u32 $0x20, s3;
	s11 =	sor.u32 s10, s12;
	v9 =	vld [tilespmem:s0+$0x8080];
	v7 =	vmul.f32 v7, v0;
	v4 =	vmul.f32 $9.999999970e-07, v4  }
0x2c1: {  	s6 =	sor.u32 s8, s12;
	v10 =	vand.u32 $0x1, v2;
	v18 =	vld [tilespmem:s11+$0x0];
	v6 =	vmul.f32 v6, v0;
	v5 =	vmul.f32 $9.999999970e-07, v5  }
0x2c2: {  	v19 =	vld [tilespmem:s6+$0x0];
	v11 =	vmul.f32 $9.999999970e-07, v7;
	v7 =	vand.u32 $0xFFFFFFFE, v2;
	v4 =	vadd.f32 v4, v12  }
0x2c3: {  	s24 =	sor.u32 s25, s10;
	v21 =	vand.u32 $0x1, v3;
	v3 =	vand.u32 $0xFFFFFFFE, v3;
	v6 =	vmul.f32 $9.999999970e-07, v6  }
0x2c4: {  	s31 =	sor.u32 s25, s8;
	v2 =	vld [tilespmem:s24+$0x8080];
	v5 =	vadd.f32 v5, v13;
	v13 =	vcvt.s32.f32 v10;
	v4 =	vmax.f32 v4, $0.0e+00  }
0x2c5: {  	s2 =	sor.u32 s3, s25;
	v20 =	vld [tilespmem:s31+$0x8080];
	[tilespmem:s26+$0x4080] =	vst v15;
	v15 =	vadd.f32 v3, v9;
	v4 =	vmin.f32 v4, $1.000000000e+00;
	v6 =	vadd.f32 v6, v14  }
0x2c6: {  	v14 =	vadd.f32 v11, v16;
	v11 =	vld [tilespmem:s2+$0x8080];
	v12 =	vmax.f32 v5, $0.0e+00;
	v5 =	vand.u32 $0x1, v18;
	[tilespmem:s2+$0x4080] =	vst v13  }
0x2c7: {  	s28 =	simm.s32 $0x80;
	v10 =	vld [tilespmem:s0+$0x80];
	v16 =	vand.u32 $0xFFFFFFFE, v19;
	[tilespmem:s4+$0x80] =	vst v4;
	v4 =	vand.u32 $0x1, v19;
	v13 =	vcvt.s32.f32 v5  }
0x2c8: {  	s5 =	sand.u32 $0x40, s28;
	v3 =	vld [tilespmem:s24+$0x80];
	v9 =	vmax.f32 v6, $0.0e+00;
	v6 =	vand.u32 $0xFFFFFFFE, v18;
	v18 =	vmul.f32 v15, v0  }
0x2c9: {  	s7 =	sor.u32 $0x30, s5;
	s3 =	simm.s32 $0x120C0;
	s12 =	sand.u32 $0x1F80, s28;
	[tilespmem:s30+$0x4080] =	vst v8;
	v8 =	vmax.f32 v14, $0.0e+00;
	v5 =	vcvt.s32.f32 v4;
	v4 =	vld [tilespmem:s2+$0x80];
	v14 =	vadd.f32 v6, v2  }
0x2ca: {  	s25 =	simm.s32 $0x100;
	[tilespmem:s4+$0x4080] =	vst v17;
	s6 =	sor.u32 $0x12000, s12;
	s4 =	simm.s32 $0x8;
	v15 =	vadd.f32 v16, v20;
	v6 =	vld [tilespmem:s31+$0x80];
	v2 =	vcvt.s32.f32 v21;
	v16 =	vmul.f32 $9.999999970e-07, v18  }
.LBB2_52:
0x2cb: {  	v17 =	vld [tilespmem:s3+$0x0];
	s8 =	sand.u32 $0x3F00, s25;
	s9 =	sor.u32 $0x10, s5;
	s10 =	sor.u32 s7, s6;
	v7 =	vadd.f32 v7, v11;
	v11 =	vmul.f32 v14, v0;
	[tilespmem:s24+$0x4080] =	vst v13;
	v12 =	vmin.f32 v12, $1.000000000e+00  }
0x2cc: {  	s12 =	sor.u32 $0x20, s5;
	v9 =	vmin.f32 v9, $1.000000000e+00;
	s11 =	sor.u32 s9, s6;
	v13 =	vld [tilespmem:s10+$0x0];
	s7 =	sor.u32 s8, s7;
	v14 =	vmul.f32 v15, v0;
	v10 =	vadd.f32 v16, v10;
	[tilespmem:s26+$0x80] =	vst v12  }
0x2cd: {  	v8 =	vmin.f32 v8, $1.000000000e+00;
	s9 =	sor.u32 s8, s9;
	s6 =	sor.u32 s12, s6;
	s10 =	sor.u32 s8, s12;
	v12 =	vld [tilespmem:s7+$0x8080];
	v7 =	vmul.f32 v7, v0;
	v11 =	vmul.f32 $9.999999970e-07, v11;
	[tilespmem:s30+$0x80] =	vst v9  }
0x2ce: {  	s5 =	sor.u32 s5, s8;
	s26 =	smov.u32 s24;
	v9 =	vand.u32 $0x1, v1;
	s24 =	smov.u32 s9;
	v15 =	vld [tilespmem:s11+$0x0];
	v14 =	vmul.f32 $9.999999970e-07, v14;
	v10 =	vmax.f32 v10, $0.0e+00;
	[tilespmem:s29+$0x80] =	vst v8  }
0x2cf: {  	s30 =	smov.u32 s31;
	s29 =	smov.u32 s2;
	v16 =	vld [tilespmem:s6+$0x0];
	v8 =	vmul.f32 $9.999999970e-07, v7;
	v3 =	vadd.f32 v11, v3;
	[tilespmem:s31+$0x4080] =	vst v5;
	v5 =	vmin.f32 v10, $1.000000000e+00;
	s31 =	smov.u32 s10  }
0x2d0: {  	s4 =	sadd.s32 $0x4, s4;
	v9 =	vcvt.s32.f32 v9;
	s2 =	smov.u32 s5;
	v7 =	vand.u32 $0xFFFFFFFE, v1;
	v18 =	vld [tilespmem:s24+$0x8080];
	v6 =	vadd.f32 v14, v6;
	[tilespmem:s0+$0x80] =	vst v5;
	v1 =	vmovc v17  }
0x2d1: {  	p0 =	slt.u32 s4, $0x1FC;
	v17 =	vld [tilespmem:s31+$0x8080];
	v19 =	vand.u32 $0x1, v13;
	v5 =	vand.u32 $0xFFFFFFFE, v13;
	v4 =	vadd.f32 v8, v4;
	[tilespmem:s0+$0x4080] =	vst v2;
	s0 =	smov.u32 s7  }
.Ltmp25:
0x2d2: {  	v11 =	vld [tilespmem:s2+$0x8080];
	[tilespmem:s2+$0x4080] =	vst v9;
	v2 =	vadd.f32 v5, v12;
	v12 =	vmax.f32 v3, $0.0e+00;
	v9 =	vmax.f32 v6, $0.0e+00;
	(pc) =	sbr.rel @p0 .LBB2_52-.Ltmp25, $4  }
0x2d3: {  	v5 =	vand.u32 $0x1, v15;
	v6 =	vand.u32 $0xFFFFFFFE, v15;
	v10 =	vld [tilespmem:s0+$0x80];
	v8 =	vmax.f32 v4, $0.0e+00  }
0x2d4: {  	s3 =	sadd.s32 $0x40, s3;
	s25 =	sadd.s32 $0x80, s25;
	s28 =	sadd.s32 $0x40, s28;
	v3 =	vld [tilespmem:s24+$0x80];
	v4 =	vand.u32 $0x1, v16;
	v15 =	vand.u32 $0xFFFFFFFE, v16;
	v16 =	vmul.f32 v2, v0  }
0x2d5: {  	s5 =	sand.u32 $0x40, s28;
	s6 =	sand.u32 $0x1F80, s28;
	v13 =	vcvt.s32.f32 v5;
	v14 =	vadd.f32 v6, v18;
	v5 =	vcvt.s32.f32 v4;
	v6 =	vld [tilespmem:s31+$0x80]  }
0x2d6: {  	s6 =	sor.u32 $0x12000, s6;
	s7 =	sor.u32 $0x30, s5;
	v2 =	vcvt.s32.f32 v19;
	v4 =	vld [tilespmem:s2+$0x80];
	v15 =	vadd.f32 v15, v17;
	v16 =	vmul.f32 $9.999999970e-07, v16  }
0x2d7: {  	s8 =	sand.u32 $0x3F00, s25;
	s3 =	sor.u32 s7, s6  }
0x2d8: {  	s4 =	sor.u32 $0x10, s5;
	v7 =	vadd.f32 v7, v11;
	v41 =	vmul.f32 v14, v0;
	v12 =	vmin.f32 v12, $1.000000000e+00;
	v42 =	vld [tilespmem:s3+$0x0];
	s11 =	sor.u32 s8, s7  }
0x2d9: {  	s9 =	sor.u32 $0x20, s5;
	v9 =	vmin.f32 v9, $1.000000000e+00;
	v8 =	vmin.f32 v8, $1.000000000e+00;
	s12 =	sor.u32 s4, s6;
	v15 =	vmul.f32 v15, v0;
	v43 =	vld [tilespmem:s11+$0x8080]  }
0x2da: {  	v18 =	vand.u32 $0x1, v1;
	v10 =	vadd.f32 v16, v10;
	s25 =	sor.u32 s9, s6;
	v7 =	vmul.f32 v7, v0;
	v17 =	vld [tilespmem:s12+$0x0]  }
0x2db: {  	v1 =	vand.u32 $0xFFFFFFFE, v1;
	s28 =	sor.u32 s5, s8;
	v11 =	vmul.f32 $9.999999970e-07, v41;
	v19 =	vld [tilespmem:s25+$0x0];
	v15 =	vmul.f32 $9.999999970e-07, v15  }
0x2dc: {  	[tilespmem:s24+$0x4080] =	vst v13;
	s4 =	sor.u32 s8, s4;
	v45 =	vcvt.s32.f32 v18;
	v50 =	vld [tilespmem:s28+$0x8080];
	v10 =	vmax.f32 v10, $0.0e+00;
	v7 =	vmul.f32 $9.999999970e-07, v7  }
0x2dd: {  	[tilespmem:s31+$0x4080] =	vst v5;
	s25 =	sor.u32 s8, s9;
	v44 =	vld [tilespmem:s4+$0x8080];
	v3 =	vadd.f32 v11, v3;
	v10 =	vmin.f32 v10, $1.000000000e+00;
	v6 =	vadd.f32 v15, v6  }
0x2de: {  	[tilespmem:s26+$0x80] =	vst v12;
	v46 =	vld [tilespmem:s25+$0x8080];
	v47 =	vand.u32 $0xFFFFFFFE, v42;
	v48 =	vand.u32 $0x1, v42;
	v4 =	vadd.f32 v7, v4  }
0x2df: {  	[tilespmem:s30+$0x80] =	vst v9;
	v3 =	vmax.f32 v3, $0.0e+00;
	v49 =	vadd.f32 v47, v43;
	v6 =	vmax.f32 v6, $0.0e+00  }
0x2e0: {  	[tilespmem:s29+$0x80] =	vst v8;
	v52 =	vand.u32 $0x1, v17;
	v53 =	vand.u32 $0xFFFFFFFE, v17;
	v54 =	vand.u32 $0xFFFFFFFE, v19  }
0x2e1: {  	[tilespmem:s0+$0x4080] =	vst v2;
	v51 =	vld [tilespmem:s11+$0x80];
	v56 =	vand.u32 $0x1, v19;
	v1 =	vadd.f32 v1, v50;
	v3 =	vmin.f32 v3, $1.000000000e+00  }
0x2e2: {  	v58 =	vld [tilespmem:s28+$0x80];
	[tilespmem:s28+$0x4080] =	vst v45;
	v63 =	vcvt.s32.f32 v48;
	v8 =	vadd.f32 v53, v44;
	v14 =	vmul.f32 v49, v0  }
0x2e3: {  	v2 =	vld [tilespmem:s4+$0x80];
	[tilespmem:s0+$0x80] =	vst v10;
	v5 =	vcvt.s32.f32 v52;
	v10 =	vadd.f32 v54, v46;
	v1 =	vmul.f32 v1, v0  }
0x2e4: {  	v57 =	vld [tilespmem:s25+$0x80];
	[tilespmem:s24+$0x80] =	vst v3;
	v3 =	vmin.f32 v6, $1.000000000e+00;
	v8 =	vmul.f32 v8, v0;
	v55 =	vmul.f32 $9.999999970e-07, v14  }
0x2e5: {  	v4 =	vmax.f32 v4, $0.0e+00;
	[tilespmem:s31+$0x80] =	vst v3;
	v59 =	vmul.f32 v10, v0;
	v1 =	vmul.f32 $9.999999970e-07, v1  }
0x2e6: {  	v61 =	vcvt.s32.f32 v56;
	[tilespmem:s11+$0x4080] =	vst v63;
	v60 =	vmul.f32 $9.999999970e-07, v8;
	v7 =	vadd.f32 v55, v51  }
0x2e7: {  	v4 =	vmin.f32 v4, $1.000000000e+00;
	[tilespmem:s4+$0x4080] =	vst v5;
	v3 =	vmul.f32 $9.999999970e-07, v59;
	v1 =	vadd.f32 v1, v58  }
0x2e8: {  	[tilespmem:s2+$0x80] =	vst v4;
	v2 =	vadd.f32 v60, v2;
	v62 =	vmax.f32 v7, $0.0e+00  }
0x2e9: {  	[tilespmem:s25+$0x4080] =	vst v61;
	v3 =	vadd.f32 v3, v57;
	v1 =	vmax.f32 v1, $0.0e+00;
	v5 =	vmin.f32 v62, $1.000000000e+00  }
0x2ea: {  	v2 =	vmax.f32 v2, $0.0e+00;
	v1 =	vmin.f32 v1, $1.000000000e+00;
	[tilespmem:s11+$0x80] =	vst v5  }
0x2eb: {  	v3 =	vmax.f32 v3, $0.0e+00;
	v2 =	vmin.f32 v2, $1.000000000e+00;
	[tilespmem:s28+$0x80] =	vst v1  }
0x2ec: {  	s3 =	simm.s32 $0x180;
	[tilespmem:s4+$0x80] =	vst v2;
	v2 =	vmin.f32 v3, $1.000000000e+00  }
0x2ed: {  	s0 =	simm.s32 $0x80;
	s2 =	simm.s32 $0x10;
	s4 =	sadd.s32 $0x0, s22;
	[tilespmem:s25+$0x80] =	vst v2  }
.LBB2_54:
0x2ee: {  	[hbm4b:s4+s1] =	stream.linear.scatter [tilespmem:s0], [sflag:$0x3], $0x80, $0x38;
	[tilespmem:$0x14000] =	vst v63  }
0x2ef: {  	s4 =	smov.u32 s2;
	s0 =	smov.u32 s3;
	p0 =	sne.s32 s2, $0x3F0  }
.Ltmp26:
0x2f0: {  	s2 =	sadd.s32 $0x10, s2;
	(pc) =	sbr.rel @p0 .LBB2_54-.Ltmp26, $2  }
0x2f1: {  	_ =	sdelay $0x2  }
0x2f2: {  	s3 =	sadd.s32 $0x100, s3;
	s4 =	sadd.s32 s4, s22  }
0x2f3: {  	[hbm4b:s4+s1] =	stream.linear.scatter [tilespmem:s0], [sflag:$0x3], $0x80, $0x38;
	[tilespmem:$0x14000] =	vst v63  }
0x2f4: {  	s6 =	simm.s32 $0x3  }
0x2f5: {  	_ =	swait.ge [sflag:s6], $0x2000  }
0x2f6: {  	s8 =	rddreg [dreg:$0x8]  }
0x2f7: {  	s9 =	rddreg [dreg:$0x9]  }
0x2f8: {  	s10 =	rddreg [dreg:$0xa]  }
0x2f9: {  	s0 =	simm.s32 $0x4080;
	s2 =	simm.s32 $0x10;
	s11 =	rddreg [dreg:$0xb]  }
0x2fa: {  	s4 =	sadd.s32 $0x0, s23;
	[sflag:s6] =	ssyncset.done $0x0;
	s12 =	rddreg [dreg:$0xc]  }
0x2fb: {  	s3 =	simm.s32 $0x4180;
	s31 =	rddreg [dreg:$0xd];
	[sflag:s6] =	ssyncadd.s32 $0xFFFFE000  }
.LBB2_56:
0x2fc: {  	[hbm4b:s4+s1] =	stream.linear.scatter [tilespmem:s0], [sflag:$0x3], $0x80, $0x38;
	[tilespmem:$0x14000] =	vst v63  }
0x2fd: {  	s4 =	smov.u32 s2;
	s0 =	smov.u32 s3;
	p0 =	sne.s32 s2, $0x3F0  }
.Ltmp27:
0x2fe: {  	s2 =	sadd.s32 $0x10, s2;
	(pc) =	sbr.rel @p0 .LBB2_56-.Ltmp27, $2  }
0x2ff: {  	_ =	sdelay $0x2  }
0x300: {  	s3 =	sadd.s32 $0x100, s3;
	s4 =	sadd.s32 s4, s23  }
0x301: {  	[hbm4b:s4+s1] =	stream.linear.scatter [tilespmem:s0], [sflag:$0x3], $0x80, $0x38;
	[tilespmem:$0x14000] =	vst v63  }
0x302: {  	_ =	swait.ge [sflag:s6], $0x2000  }
0x303: {  	s2 =	rddreg [dreg:$0x12]  }
0x304: {  	s30 =	rddreg [dreg:$0x11];
	s2 =	sadd.s32 $0x1, s2  }
0x305: {  	p0 =	sne.s32 s2, s30  }
.Ltmp28:
0x306: {  	_ = 	snop;
	(pc) =	sbr.rel @p0 .LBB2_1-.Ltmp28, $3  }
0x307: {  	_ =	sdelay $0x1  }
0x308: {  	[sflag:s6] =	ssyncset.done $0x0  }
0x309: {  	[sflag:s6] =	ssyncadd.s32 $0xFFFFE000  }
0x30a: {  	_ =	sfence.sel $0x180000  }
0x30b: {  	[bflag:$0x0] =	sbarrier.arrive $0xFFFF  }
0x30c: {  	_ =	strace $0x90000047  }
0x30d: {  	s0 =	stileid.u32;
	[bflag:$0x2] =	sbarrier.arrive $0xFFFF  }
0x30e: {  	p0 =	sne.s32 s0, $0x0;
	s0 =	rddreg [dreg:$0x6]  }
0x30f: {  	s0 =	sadd.s32 @!p0 $0x100000, s0  }
0x310: {  	[sflag:s0] =	ssyncadd.tile.s32 @!p0 $0x1;
	_ =	shalt  }
.Lfunc_end2:
_tile_overlayer_lowered:
.L_overlay_start_2:
0x311: {  	(tag) =	ssettag $0x2  }
0x312: {  	s0 =	rddreg [dreg:$0x0];
	s2 =	stileid.u32  }
0x313: {  	s1 =	rddreg [dreg:$0x1];
	p0 =	sne.s32 s2, $0x0  }
0x314: {  	s3 =	rddreg [dreg:$0x2];
	[bflag:$0x3] =	sbarrier.arrive $0xFFFF;
	s2 =	simm.s32 @!p0 $0x1C03  }
0x315: {  	[timem:s3], [sflag:s2] =	dma.local @!p0 [hbm:s0], s1  }
0x316: {  	s0 =	simm.s32 @!p0 $0x3  }
0x317: {  	_ =	swait.ge @!p0 [sflag:s0], s1  }
0x318: {  	s1 =	ssub.s32 @!p0 $0x0, s1;
	[sflag:s0] =	ssyncset.done @!p0 $0x0  }
0x319: {  	[sflag:s0] =	ssyncadd.s32 @!p0 s1  }
0x31a: {  	[bflag:$0x3] =	sbarrier.arrive $0xFFFF  }
0x31b: {  	_ =	shalt  }

</sc_bundles>
